<compile_context>
chip_gen: v7x
topology: tpu7x:2x2x1
jax: 0.10.2.dev20260603
libtpu: 0.0.44.dev20260713+nightly
codegen_flags: <defaults>
</compile_context>

<pallas_src>
import dataclasses
import functools
import jax
import jax.numpy as jnp
from jax import lax
from jax.experimental import pallas as pl
from jax.experimental.pallas import tpu as pltpu
from jax.experimental.pallas import tpu_sc as plsc

N_ROWS = 32768
D = 128
B = 16
L = 16
NVEC = D // L
NWC = 16
SEGC = B // 2
NR = 256
PAY = NR - 8
NBUF = 3


def _sc_segment_means(x, batch_lengths):
    mesh = plsc.VectorSubcoreMesh(
        core_axis_name="c", subcore_axis_name="s", num_cores=2, num_subcores=16
    )
    cp = pltpu.CompilerParams()
    if "needs_layout_passes" in pltpu.CompilerParams.__dataclass_fields__:
        cp = dataclasses.replace(cp, needs_layout_passes=False)

    @functools.partial(
        pl.kernel,
        out_type=jax.ShapeDtypeStruct((B, D), jnp.float32),
        mesh=mesh,
        scratch_types=[
            pltpu.VMEM((B,), jnp.int32),
            pltpu.VMEM((B,), jnp.int32),
            pltpu.VMEM((NR, D), jnp.float32),
            pltpu.VMEM((NR, D), jnp.float32),
            pltpu.VMEM((NR, D), jnp.float32),
            pltpu.VMEM((B, D), jnp.float32),
            pltpu.VMEM((D,), jnp.float32),
            pltpu.VMEM_SHARED((B, D), jnp.float32),
            pltpu.SemaphoreType.DMA,
            pltpu.SemaphoreType.DMA,
            pltpu.SemaphoreType.DMA,
        ],
        compiler_params=cp,
    )
    def kern(x_hbm, len_hbm, out_hbm, len_vmem, idx_vmem,
             buf0, buf1, buf2, part, row_vmem, shared, sem0, sem1, sem2):
        c = lax.axis_index("c")
        s = lax.axis_index("s")

        pltpu.sync_copy(len_hbm, len_vmem)
        lv = len_vmem[...]
        ends = plsc.cumsum(lv)
        lanes = lax.iota(jnp.int32, L)
        idx_vmem[...] = lanes
        zeros_i = jnp.zeros((L,), jnp.int32)

        def lane(vec, i):
            return jnp.sum(jnp.where(lanes == i, vec, zeros_i))

        seg0 = c * SEGC
        core_lo = lane(ends, seg0 - 1)
        core_hi = lane(ends, seg0 + SEGC - 1)

        core_rows = core_hi - core_lo
        rows_per_w = (core_rows + NWC - 1) // NWC
        r0 = core_lo + s * rows_per_w
        r1 = jnp.minimum(r0 + rows_per_w, core_hi)
        cnt = jnp.maximum(r1 - r0, 0)
        nchunks = (cnt + PAY - 1) // PAY

        def chunk_geom(k):
            gstart = r0 + k * PAY
            aligned = jnp.minimum((gstart // 8) * 8, N_ROWS - NR)
            return gstart, aligned

        bufs = [buf0, buf1, buf2]
        sems = [sem0, sem1, sem2]

        def start_copy(k, slot):
            _, aligned = chunk_geom(k)
            pltpu.async_copy(
                x_hbm.at[pl.ds(aligned, NR)], bufs[slot], sems[slot]
            )

        for k in range(NBUF):
            @pl.when(k < nchunks)
            def _(k=k):
                start_copy(k, k)

        zf = jnp.zeros((L,), jnp.float32)
        for i in range(B):
            for j in range(NVEC):
                part[i, pl.ds(L * j, L)] = zf

        @pl.when(s == 0)
        def _():
            pltpu.sync_copy(part, shared)
        plsc.subcore_barrier()

        def make_chunk_fn(slot):
            buf = bufs[slot]
            sem = sems[slot]

            def run_chunk(k, t_in):
                gstart, aligned = chunk_geom(k)
                off = gstart - aligned
                gend = jnp.minimum(gstart + PAY, r1)
                pltpu.make_async_copy(
                    x_hbm.at[pl.ds(aligned, NR)], buf, sem
                ).wait()

                @pl.when(k + NBUF < nchunks)
                def _():
                    start_copy(k + NBUF, slot)

                def run_cond(st):
                    return st[0] < gend

                def run_body(st):
                    pos, t = st
                    t = lax.while_loop(
                        lambda tt: lane(ends, tt) <= pos,
                        lambda tt: tt + 1,
                        t,
                    )
                    run_end = jnp.minimum(lane(ends, t), gend)
                    n = run_end - pos
                    base = off + (pos - gstart)

                    def row_body(q, a):
                        p = base + q
                        return tuple(
                            a[j] + buf[p, pl.ds(L * j, L)]
                            for j in range(NVEC)
                        )
                    accs = plsc.parallel_loop(
                        0, n, unroll=2, carry=tuple(zf for _ in range(NVEC))
                    )(row_body)
                    for j in range(NVEC):
                        part[t, pl.ds(L * j, L)] = (
                            part[t, pl.ds(L * j, L)] + accs[j]
                        )
                    return (run_end, t)

                pos_t = lax.while_loop(run_cond, run_body, (gstart, t_in))
                return pos_t[1]
            return run_chunk

        chunk_fns = [make_chunk_fn(slot) for slot in range(NBUF)]

        def chunk_body(k, t):
            slot = k % NBUF
            return lax.cond(
                slot == 0,
                lambda: chunk_fns[0](k, t),
                lambda: lax.cond(
                    slot == 1,
                    lambda: chunk_fns[1](k, t),
                    lambda: chunk_fns[2](k, t),
                ),
            )

        lax.fori_loop(0, nchunks, chunk_body, seg0)

        pltpu.sync_copy(part, shared.at[idx_vmem], add=True)
        plsc.subcore_barrier()

        @pl.when(s < SEGC)
        def _():
            r = seg0 + s
            pltpu.sync_copy(shared.at[r], row_vmem)
            den = jnp.full((L,), lane(lv, r), jnp.float32)
            for j in range(NVEC):
                row_vmem[pl.ds(L * j, L)] = row_vmem[pl.ds(L * j, L)] / den
            pltpu.sync_copy(row_vmem, out_hbm.at[r])

    return kern(x, batch_lengths)


def kernel(x, batch_lengths):
    lens = batch_lengths.astype(jnp.int32)
    return _sc_segment_means(x, lens)

# --- scband reference (transcript-rebuilt; emitter-appended) ---
"""Pipeline reference for scband-global-average-block-68238440399538 (READ-ONLY COPY).

The authoritative reference and input builder live on the scoring server;
editing this copy changes nothing except your own understanding.
"""

import jax, jax.numpy as jnp
import numpy as np


def setup_inputs(seed: int = 0) -> dict:
    key = jax.random.key(seed)
    k1, k2 = jax.random.split(key)
    x = jax.random.normal(k1, (32768, 128), dtype=jnp.float32)
    # lengths in [0, 2048): sum is guaranteed <= 16*2047 = 32752 < 32768
    batch_lengths = jax.random.randint(k2, (16,), 0, 2048, dtype=jnp.int64 if jax.config.jax_enable_x64 else jnp.int32)
    return {"x": x, "batch_lengths": batch_lengths}


def reference(x, batch_lengths):
    # Faithful translation of global_average: for each batch element b,
    # mean over the contiguous slice x[i:i+length_b]. Implemented with
    # segment ids derived from the cumulative lengths + segment_sum.
    B = batch_lengths.shape[0]
    N = x.shape[0]
    ends = jnp.cumsum(batch_lengths)
    pos = jnp.arange(N)
    # tokens within the ragged region get ids 0..B-1; trailing unused tokens get id B
    seg = jnp.searchsorted(ends, pos, side='right')
    sums = jax.ops.segment_sum(x, seg, num_segments=B + 1)[:B]
    means = sums / batch_lengths[:, None].astype(x.dtype)
    return means

if __name__ == "__main__":
    import jax
    _d = setup_inputs()
    print(jax.jit(kernel)(*tuple(_d.values())))

</pallas_src>

<mosaic_0001>
#map = affine_map<(d0, d1) -> (0, 0)>
#map1 = affine_map<(d0, d1) -> (0)>
module attributes {stable_mosaic.version = 14 : i64} {
  func.func @kern(%arg0: i32, %arg1: i32, %arg2: memref<32768x128xf32, #tpu.memory_space<hbm>>, %arg3: memref<16xi32, #tpu.memory_space<hbm>>, %arg4: memref<16x128xf32, #tpu.memory_space<hbm>>, %arg5: memref<16xi32, #tpu.memory_space<vmem>>, %arg6: memref<16xi32, #tpu.memory_space<vmem>>, %arg7: memref<256x128xf32, #tpu.memory_space<vmem>>, %arg8: memref<256x128xf32, #tpu.memory_space<vmem>>, %arg9: memref<256x128xf32, #tpu.memory_space<vmem>>, %arg10: memref<16x128xf32, #tpu.memory_space<vmem>>, %arg11: memref<128xf32, #tpu.memory_space<vmem>>, %arg12: memref<16x128xf32, #tpu.memory_space<vmem_shared>>, %arg13: memref<!tpu.dma_semaphore, #tpu.memory_space<semaphore_mem>>, %arg14: memref<!tpu.dma_semaphore, #tpu.memory_space<semaphore_mem>>, %arg15: memref<!tpu.dma_semaphore, #tpu.memory_space<semaphore_mem>>) attributes {dimension_semantics = [#tpu.dimension_semantics<core_parallel>, #tpu.dimension_semantics<subcore_parallel>], iteration_bounds = array<i64: 2, 16>, scalar_prefetch = 0 : i64, scratch_operands = 11 : i64, tpu.core_type = #tpu.core_type<sc_vector_subcore>, window_params = [{transform_indices = #map}, {transform_indices = #map1}, {transform_indices = #map}]} {
    "tpu.region"() ({
      %run_scoped3A = tpu.sem_alloc : memref<!tpu.dma_semaphore, #tpu.memory_space<semaphore_mem>>
      tpu.enqueue_dma source(%arg3 : memref<16xi32, #tpu.memory_space<hbm>>) target(%arg5 : memref<16xi32, #tpu.memory_space<vmem>>) target_semaphore(%run_scoped3A : memref<!tpu.dma_semaphore, #tpu.memory_space<semaphore_mem>>)
      tpu.wait_dma2 semaphore(%run_scoped3A : memref<!tpu.dma_semaphore, #tpu.memory_space<semaphore_mem>>) src(%arg3 : memref<16xi32, #tpu.memory_space<hbm>>) dst(%arg5 : memref<16xi32, #tpu.memory_space<vmem>>)
      tpu.yield
    }) : () -> ()
    %get3A = arith.constant 0 : index
    %get3A_0 = tpu.vector_load %arg5[%get3A] {strides = array<i32>} : memref<16xi32, #tpu.memory_space<vmem>>, vector<16xi32>,
    %broadcast_in_dim3A = arith.constant true
    %broadcast_in_dim3A_1 = vector.broadcast %broadcast_in_dim3A : i1 to vector<16xi1>
    %masked_cumsum3A = tpu.scan <sum>, %get3A_0 masked %broadcast_in_dim3A_1 : vector<16xi32>, vector<16xi1> -> vector<16xi32>
    %iota3A = tpu.iota {dimensions = array<i32: 0>} : vector<16xi32>
    %swap3A = arith.constant 0 : index
    %swap3A_2 = tpu.vector_load %arg6[%swap3A] {strides = array<i32>} : memref<16xi32, #tpu.memory_space<vmem>>, vector<16xi32>,
    tpu.vector_store %arg6[%swap3A], %iota3A {strides = array<i32>} : memref<16xi32, #tpu.memory_space<vmem>>, vector<16xi32>,
    %broadcast_in_dim3A_3 = arith.constant 0 : i32
    %broadcast_in_dim3A_4 = vector.broadcast %broadcast_in_dim3A_3 : i32 to vector<16xi32>
    %mul3A = arith.constant 8 : i32
    %mul3A_5 = arith.muli %arg0, %mul3A : i32
    %sub3A = arith.constant 1 : i32
    %sub3A_6 = arith.subi %mul3A_5, %sub3A : i32
    %eq3A = vector.broadcast %sub3A_6 : i32 to vector<16xi32>
    %eq3A_7 = arith.cmpi eq, %iota3A, %eq3A : vector<16xi32>
    %select_n3A = arith.select %eq3A_7, %masked_cumsum3A, %broadcast_in_dim3A_4 : vector<16xi1>, vector<16xi32>
    %reduce_sum3A = arith.constant true
    %reduce_sum3A_8 = vector.broadcast %reduce_sum3A : i1 to vector<16xi1>
    %reduce_sum3A_9 = tpu.scan <sum>, %select_n3A masked %reduce_sum3A_8 : vector<16xi32>, vector<16xi1> -> vector<16xi32>
    %reduce_sum3A_10 = vector.extract %reduce_sum3A_9[15] : i32 from vector<16xi32>
    %add3A = arith.constant 8 : i32
    %add3A_11 = arith.addi %mul3A_5, %add3A : i32
    %sub3A_12 = arith.constant 1 : i32
    %sub3A_13 = arith.subi %add3A_11, %sub3A_12 : i32
    %eq3A_14 = vector.broadcast %sub3A_13 : i32 to vector<16xi32>
    %eq3A_15 = arith.cmpi eq, %iota3A, %eq3A_14 : vector<16xi32>
    %select_n3A_16 = arith.select %eq3A_15, %masked_cumsum3A, %broadcast_in_dim3A_4 : vector<16xi1>, vector<16xi32>
    %reduce_sum3A_17 = arith.constant true
    %reduce_sum3A_18 = vector.broadcast %reduce_sum3A_17 : i1 to vector<16xi1>
    %reduce_sum3A_19 = tpu.scan <sum>, %select_n3A_16 masked %reduce_sum3A_18 : vector<16xi32>, vector<16xi1> -> vector<16xi32>
    %reduce_sum3A_20 = vector.extract %reduce_sum3A_19[15] : i32 from vector<16xi32>
    %sub3A_21 = arith.subi %reduce_sum3A_20, %reduce_sum3A_10 : i32
    %add3A_22 = arith.constant 16 : i32
    %add3A_23 = arith.addi %sub3A_21, %add3A_22 : i32
    %sub3A_24 = arith.constant 1 : i32
    %sub3A_25 = arith.subi %add3A_23, %sub3A_24 : i32
    %jit3A = arith.constant 16 : i32
    %div3A = arith.divsi %sub3A_25, %jit3A : i32
    %sign3A = arith.constant 0 : i32
    %sign3A_26 = arith.cmpi sgt, %sub3A_25, %sign3A : i32
    %sign3A_27 = arith.extui %sign3A_26 : i1 to i32
    %sign3A_28 = arith.constant 0 : i32
    %sign3A_29 = arith.cmpi slt, %sub3A_25, %sign3A_28 : i32
    %sign3A_30 = arith.extui %sign3A_29 : i1 to i32
    %sign3A_31 = arith.subi %sign3A_27, %sign3A_30 : i32
    %sign3A_32 = arith.constant 0 : i32
    %sign3A_33 = arith.cmpi sgt, %jit3A, %sign3A_32 : i32
    %sign3A_34 = arith.extui %sign3A_33 : i1 to i32
    %sign3A_35 = arith.constant 0 : i32
    %sign3A_36 = arith.cmpi slt, %jit3A, %sign3A_35 : i32
    %sign3A_37 = arith.extui %sign3A_36 : i1 to i32
    %sign3A_38 = arith.subi %sign3A_34, %sign3A_37 : i32
    %ne3A = arith.cmpi ne, %sign3A_31, %sign3A_38 : i32
    %rem3A = arith.remsi %sub3A_25, %jit3A : i32
    %ne3A_39 = arith.constant 0 : i32
    %ne3A_40 = arith.cmpi ne, %rem3A, %ne3A_39 : i32
    %and3A = arith.andi %ne3A, %ne3A_40 : i1
    %sub3A_41 = arith.constant 1 : i32
    %sub3A_42 = arith.subi %div3A, %sub3A_41 : i32
    %select_n3A_43 = arith.select %and3A, %sub3A_42, %div3A : i32
    %mul3A_44 = arith.muli %arg1, %select_n3A_43 : i32
    %add3A_45 = arith.addi %reduce_sum3A_10, %mul3A_44 : i32
    %add3A_46 = arith.addi %add3A_45, %select_n3A_43 : i32
    %min3A = arith.minsi %add3A_46, %reduce_sum3A_20 : i32
    %sub3A_47 = arith.subi %min3A, %add3A_45 : i32
    %max3A = arith.constant 0 : i32
    %max3A_48 = arith.maxsi %sub3A_47, %max3A : i32
    %add3A_49 = arith.constant 248 : i32
    %add3A_50 = arith.addi %max3A_48, %add3A_49 : i32
    %sub3A_51 = arith.constant 1 : i32
    %sub3A_52 = arith.subi %add3A_50, %sub3A_51 : i32
    %jit3A_53 = arith.constant 248 : i32
    %div3A_54 = arith.divsi %sub3A_52, %jit3A_53 : i32
    %sign3A_55 = arith.constant 0 : i32
    %sign3A_56 = arith.cmpi sgt, %sub3A_52, %sign3A_55 : i32
    %sign3A_57 = arith.extui %sign3A_56 : i1 to i32
    %sign3A_58 = arith.constant 0 : i32
    %sign3A_59 = arith.cmpi slt, %sub3A_52, %sign3A_58 : i32
    %sign3A_60 = arith.extui %sign3A_59 : i1 to i32
    %sign3A_61 = arith.subi %sign3A_57, %sign3A_60 : i32
    %sign3A_62 = arith.constant 0 : i32
    %sign3A_63 = arith.cmpi sgt, %jit3A_53, %sign3A_62 : i32
    %sign3A_64 = arith.extui %sign3A_63 : i1 to i32
    %sign3A_65 = arith.constant 0 : i32
    %sign3A_66 = arith.cmpi slt, %jit3A_53, %sign3A_65 : i32
    %sign3A_67 = arith.extui %sign3A_66 : i1 to i32
    %sign3A_68 = arith.subi %sign3A_64, %sign3A_67 : i32
    %ne3A_69 = arith.cmpi ne, %sign3A_61, %sign3A_68 : i32
    %rem3A_70 = arith.remsi %sub3A_52, %jit3A_53 : i32
    %ne3A_71 = arith.constant 0 : i32
    %ne3A_72 = arith.cmpi ne, %rem3A_70, %ne3A_71 : i32
    %and3A_73 = arith.andi %ne3A_69, %ne3A_72 : i1
    %sub3A_74 = arith.constant 1 : i32
    %sub3A_75 = arith.subi %div3A_54, %sub3A_74 : i32
    %select_n3A_76 = arith.select %and3A_73, %sub3A_75, %div3A_54 : i32
    %gt3A = arith.constant 0 : i32
    %gt3A_77 = arith.cmpi sgt, %select_n3A_76, %gt3A : i32
    %convert_element_type3A = arith.extui %gt3A_77 : i1 to i32
    %cond3A = arith.constant 0 : i32
    %cond3A_78 = arith.cmpi ne, %convert_element_type3A, %cond3A : i32
    scf.if %cond3A_78 {
      %add3A_623 = arith.constant 0 : i32
      %add3A_624 = arith.addi %add3A_45, %add3A_623 : i32
      %jit3A_625 = arith.constant 8 : i32
      %div3A_626 = arith.divsi %add3A_624, %jit3A_625 : i32
      %sign3A_627 = arith.constant 0 : i32
      %sign3A_628 = arith.cmpi sgt, %add3A_624, %sign3A_627 : i32
      %sign3A_629 = arith.extui %sign3A_628 : i1 to i32
      %sign3A_630 = arith.constant 0 : i32
      %sign3A_631 = arith.cmpi slt, %add3A_624, %sign3A_630 : i32
      %sign3A_632 = arith.extui %sign3A_631 : i1 to i32
      %sign3A_633 = arith.subi %sign3A_629, %sign3A_632 : i32
      %sign3A_634 = arith.constant 0 : i32
      %sign3A_635 = arith.cmpi sgt, %jit3A_625, %sign3A_634 : i32
      %sign3A_636 = arith.extui %sign3A_635 : i1 to i32
      %sign3A_637 = arith.constant 0 : i32
      %sign3A_638 = arith.cmpi slt, %jit3A_625, %sign3A_637 : i32
      %sign3A_639 = arith.extui %sign3A_638 : i1 to i32
      %sign3A_640 = arith.subi %sign3A_636, %sign3A_639 : i32
      %ne3A_641 = arith.cmpi ne, %sign3A_633, %sign3A_640 : i32
      %rem3A_642 = arith.remsi %add3A_624, %jit3A_625 : i32
      %ne3A_643 = arith.constant 0 : i32
      %ne3A_644 = arith.cmpi ne, %rem3A_642, %ne3A_643 : i32
      %and3A_645 = arith.andi %ne3A_641, %ne3A_644 : i1
      %sub3A_646 = arith.constant 1 : i32
      %sub3A_647 = arith.subi %div3A_626, %sub3A_646 : i32
      %select_n3A_648 = arith.select %and3A_645, %sub3A_647, %div3A_626 : i32
      %mul3A_649 = arith.constant 8 : i32
      %mul3A_650 = arith.muli %select_n3A_648, %mul3A_649 : i32
      %min3A_651 = arith.constant 32512 : i32
      %min3A_652 = arith.minsi %mul3A_650, %min3A_651 : i32
      %dma_start3A = arith.constant 0 : i32
      %dma_start3A_653 = tpu.memref_slice %arg2[%min3A_652, %dma_start3A] : memref<32768x128xf32, #tpu.memory_space<hbm>> -> memref<256x128xf32, #tpu.memory_space<hbm>>
      %dma_start3A_654 = arith.constant 0 : i32
      %dma_start3A_655 = tpu.memref_slice %arg2[%min3A_652, %dma_start3A_654] : memref<32768x128xf32, #tpu.memory_space<hbm>> -> memref<256x128xf32, #tpu.memory_space<hbm>>
      tpu.enqueue_dma source(%dma_start3A_655 : memref<256x128xf32, #tpu.memory_space<hbm>>) target(%arg7 : memref<256x128xf32, #tpu.memory_space<vmem>>) target_semaphore(%arg13 : memref<!tpu.dma_semaphore, #tpu.memory_space<semaphore_mem>>)
    } else {
    }
    %gt3A_79 = arith.constant 1 : i32
    %gt3A_80 = arith.cmpi sgt, %select_n3A_76, %gt3A_79 : i32
    %convert_element_type3A_81 = arith.extui %gt3A_80 : i1 to i32
    %cond3A_82 = arith.constant 0 : i32
    %cond3A_83 = arith.cmpi ne, %convert_element_type3A_81, %cond3A_82 : i32
    scf.if %cond3A_83 {
      %add3A_623 = arith.constant 248 : i32
      %add3A_624 = arith.addi %add3A_45, %add3A_623 : i32
      %jit3A_625 = arith.constant 8 : i32
      %div3A_626 = arith.divsi %add3A_624, %jit3A_625 : i32
      %sign3A_627 = arith.constant 0 : i32
      %sign3A_628 = arith.cmpi sgt, %add3A_624, %sign3A_627 : i32
      %sign3A_629 = arith.extui %sign3A_628 : i1 to i32
      %sign3A_630 = arith.constant 0 : i32
      %sign3A_631 = arith.cmpi slt, %add3A_624, %sign3A_630 : i32
      %sign3A_632 = arith.extui %sign3A_631 : i1 to i32
      %sign3A_633 = arith.subi %sign3A_629, %sign3A_632 : i32
      %sign3A_634 = arith.constant 0 : i32
      %sign3A_635 = arith.cmpi sgt, %jit3A_625, %sign3A_634 : i32
      %sign3A_636 = arith.extui %sign3A_635 : i1 to i32
      %sign3A_637 = arith.constant 0 : i32
      %sign3A_638 = arith.cmpi slt, %jit3A_625, %sign3A_637 : i32
      %sign3A_639 = arith.extui %sign3A_638 : i1 to i32
      %sign3A_640 = arith.subi %sign3A_636, %sign3A_639 : i32
      %ne3A_641 = arith.cmpi ne, %sign3A_633, %sign3A_640 : i32
      %rem3A_642 = arith.remsi %add3A_624, %jit3A_625 : i32
      %ne3A_643 = arith.constant 0 : i32
      %ne3A_644 = arith.cmpi ne, %rem3A_642, %ne3A_643 : i32
      %and3A_645 = arith.andi %ne3A_641, %ne3A_644 : i1
      %sub3A_646 = arith.constant 1 : i32
      %sub3A_647 = arith.subi %div3A_626, %sub3A_646 : i32
      %select_n3A_648 = arith.select %and3A_645, %sub3A_647, %div3A_626 : i32
      %mul3A_649 = arith.constant 8 : i32
      %mul3A_650 = arith.muli %select_n3A_648, %mul3A_649 : i32
      %min3A_651 = arith.constant 32512 : i32
      %min3A_652 = arith.minsi %mul3A_650, %min3A_651 : i32
      %dma_start3A = arith.constant 0 : i32
      %dma_start3A_653 = tpu.memref_slice %arg2[%min3A_652, %dma_start3A] : memref<32768x128xf32, #tpu.memory_space<hbm>> -> memref<256x128xf32, #tpu.memory_space<hbm>>
      %dma_start3A_654 = arith.constant 0 : i32
      %dma_start3A_655 = tpu.memref_slice %arg2[%min3A_652, %dma_start3A_654] : memref<32768x128xf32, #tpu.memory_space<hbm>> -> memref<256x128xf32, #tpu.memory_space<hbm>>
      tpu.enqueue_dma source(%dma_start3A_655 : memref<256x128xf32, #tpu.memory_space<hbm>>) target(%arg8 : memref<256x128xf32, #tpu.memory_space<vmem>>) target_semaphore(%arg14 : memref<!tpu.dma_semaphore, #tpu.memory_space<semaphore_mem>>)
    } else {
    }
    %gt3A_84 = arith.constant 2 : i32
    %gt3A_85 = arith.cmpi sgt, %select_n3A_76, %gt3A_84 : i32
    %convert_element_type3A_86 = arith.extui %gt3A_85 : i1 to i32
    %cond3A_87 = arith.constant 0 : i32
    %cond3A_88 = arith.cmpi ne, %convert_element_type3A_86, %cond3A_87 : i32
    scf.if %cond3A_88 {
      %add3A_623 = arith.constant 496 : i32
      %add3A_624 = arith.addi %add3A_45, %add3A_623 : i32
      %jit3A_625 = arith.constant 8 : i32
      %div3A_626 = arith.divsi %add3A_624, %jit3A_625 : i32
      %sign3A_627 = arith.constant 0 : i32
      %sign3A_628 = arith.cmpi sgt, %add3A_624, %sign3A_627 : i32
      %sign3A_629 = arith.extui %sign3A_628 : i1 to i32
      %sign3A_630 = arith.constant 0 : i32
      %sign3A_631 = arith.cmpi slt, %add3A_624, %sign3A_630 : i32
      %sign3A_632 = arith.extui %sign3A_631 : i1 to i32
      %sign3A_633 = arith.subi %sign3A_629, %sign3A_632 : i32
      %sign3A_634 = arith.constant 0 : i32
      %sign3A_635 = arith.cmpi sgt, %jit3A_625, %sign3A_634 : i32
      %sign3A_636 = arith.extui %sign3A_635 : i1 to i32
      %sign3A_637 = arith.constant 0 : i32
      %sign3A_638 = arith.cmpi slt, %jit3A_625, %sign3A_637 : i32
      %sign3A_639 = arith.extui %sign3A_638 : i1 to i32
      %sign3A_640 = arith.subi %sign3A_636, %sign3A_639 : i32
      %ne3A_641 = arith.cmpi ne, %sign3A_633, %sign3A_640 : i32
      %rem3A_642 = arith.remsi %add3A_624, %jit3A_625 : i32
      %ne3A_643 = arith.constant 0 : i32
      %ne3A_644 = arith.cmpi ne, %rem3A_642, %ne3A_643 : i32
      %and3A_645 = arith.andi %ne3A_641, %ne3A_644 : i1
      %sub3A_646 = arith.constant 1 : i32
      %sub3A_647 = arith.subi %div3A_626, %sub3A_646 : i32
      %select_n3A_648 = arith.select %and3A_645, %sub3A_647, %div3A_626 : i32
      %mul3A_649 = arith.constant 8 : i32
      %mul3A_650 = arith.muli %select_n3A_648, %mul3A_649 : i32
      %min3A_651 = arith.constant 32512 : i32
      %min3A_652 = arith.minsi %mul3A_650, %min3A_651 : i32
      %dma_start3A = arith.constant 0 : i32
      %dma_start3A_653 = tpu.memref_slice %arg2[%min3A_652, %dma_start3A] : memref<32768x128xf32, #tpu.memory_space<hbm>> -> memref<256x128xf32, #tpu.memory_space<hbm>>
      %dma_start3A_654 = arith.constant 0 : i32
      %dma_start3A_655 = tpu.memref_slice %arg2[%min3A_652, %dma_start3A_654] : memref<32768x128xf32, #tpu.memory_space<hbm>> -> memref<256x128xf32, #tpu.memory_space<hbm>>
      tpu.enqueue_dma source(%dma_start3A_655 : memref<256x128xf32, #tpu.memory_space<hbm>>) target(%arg9 : memref<256x128xf32, #tpu.memory_space<vmem>>) target_semaphore(%arg15 : memref<!tpu.dma_semaphore, #tpu.memory_space<semaphore_mem>>)
    } else {
    }
    %broadcast_in_dim3A_89 = arith.constant 0.000000e+00 : f32
    %broadcast_in_dim3A_90 = vector.broadcast %broadcast_in_dim3A_89 : f32 to vector<16xf32>
    %swap3A_91 = arith.constant 0 : i32
    %swap3A_92 = arith.index_cast %swap3A_91 : i32 to index
    %swap3A_93 = arith.constant 0 : index
    %swap3A_94 = tpu.vector_load %arg10[%swap3A_92, %swap3A_93] {strides = array<i32>} : memref<16x128xf32, #tpu.memory_space<vmem>>, vector<16xf32>,
    tpu.vector_store %arg10[%swap3A_92, %swap3A_93], %broadcast_in_dim3A_90 {strides = array<i32>} : memref<16x128xf32, #tpu.memory_space<vmem>>, vector<16xf32>,
    %swap3A_95 = arith.constant 0 : i32
    %swap3A_96 = arith.index_cast %swap3A_95 : i32 to index
    %swap3A_97 = arith.constant 16 : index
    %swap3A_98 = tpu.vector_load %arg10[%swap3A_96, %swap3A_97] {strides = array<i32>} : memref<16x128xf32, #tpu.memory_space<vmem>>, vector<16xf32>,
    tpu.vector_store %arg10[%swap3A_96, %swap3A_97], %broadcast_in_dim3A_90 {strides = array<i32>} : memref<16x128xf32, #tpu.memory_space<vmem>>, vector<16xf32>,
    %swap3A_99 = arith.constant 0 : i32
    %swap3A_100 = arith.index_cast %swap3A_99 : i32 to index
    %swap3A_101 = arith.constant 32 : index
    %swap3A_102 = tpu.vector_load %arg10[%swap3A_100, %swap3A_101] {strides = array<i32>} : memref<16x128xf32, #tpu.memory_space<vmem>>, vector<16xf32>,
    tpu.vector_store %arg10[%swap3A_100, %swap3A_101], %broadcast_in_dim3A_90 {strides = array<i32>} : memref<16x128xf32, #tpu.memory_space<vmem>>, vector<16xf32>,
    %swap3A_103 = arith.constant 0 : i32
    %swap3A_104 = arith.index_cast %swap3A_103 : i32 to index
    %swap3A_105 = arith.constant 48 : index
    %swap3A_106 = tpu.vector_load %arg10[%swap3A_104, %swap3A_105] {strides = array<i32>} : memref<16x128xf32, #tpu.memory_space<vmem>>, vector<16xf32>,
    tpu.vector_store %arg10[%swap3A_104, %swap3A_105], %broadcast_in_dim3A_90 {strides = array<i32>} : memref<16x128xf32, #tpu.memory_space<vmem>>, vector<16xf32>,
    %swap3A_107 = arith.constant 0 : i32
    %swap3A_108 = arith.index_cast %swap3A_107 : i32 to index
    %swap3A_109 = arith.constant 64 : index
    %swap3A_110 = tpu.vector_load %arg10[%swap3A_108, %swap3A_109] {strides = array<i32>} : memref<16x128xf32, #tpu.memory_space<vmem>>, vector<16xf32>,
    tpu.vector_store %arg10[%swap3A_108, %swap3A_109], %broadcast_in_dim3A_90 {strides = array<i32>} : memref<16x128xf32, #tpu.memory_space<vmem>>, vector<16xf32>,
    %swap3A_111 = arith.constant 0 : i32
    %swap3A_112 = arith.index_cast %swap3A_111 : i32 to index
    %swap3A_113 = arith.constant 80 : index
    %swap3A_114 = tpu.vector_load %arg10[%swap3A_112, %swap3A_113] {strides = array<i32>} : memref<16x128xf32, #tpu.memory_space<vmem>>, vector<16xf32>,
    tpu.vector_store %arg10[%swap3A_112, %swap3A_113], %broadcast_in_dim3A_90 {strides = array<i32>} : memref<16x128xf32, #tpu.memory_space<vmem>>, vector<16xf32>,
    %swap3A_115 = arith.constant 0 : i32
    %swap3A_116 = arith.index_cast %swap3A_115 : i32 to index
    %swap3A_117 = arith.constant 96 : index
    %swap3A_118 = tpu.vector_load %arg10[%swap3A_116, %swap3A_117] {strides = array<i32>} : memref<16x128xf32, #tpu.memory_space<vmem>>, vector<16xf32>,
    tpu.vector_store %arg10[%swap3A_116, %swap3A_117], %broadcast_in_dim3A_90 {strides = array<i32>} : memref<16x128xf32, #tpu.memory_space<vmem>>, vector<16xf32>,
    %swap3A_119 = arith.constant 0 : i32
    %swap3A_120 = arith.index_cast %swap3A_119 : i32 to index
    %swap3A_121 = arith.constant 112 : index
    %swap3A_122 = tpu.vector_load %arg10[%swap3A_120, %swap3A_121] {strides = array<i32>} : memref<16x128xf32, #tpu.memory_space<vmem>>, vector<16xf32>,
    tpu.vector_store %arg10[%swap3A_120, %swap3A_121], %broadcast_in_dim3A_90 {strides = array<i32>} : memref<16x128xf32, #tpu.memory_space<vmem>>, vector<16xf32>,
    %swap3A_123 = arith.constant 1 : i32
    %swap3A_124 = arith.index_cast %swap3A_123 : i32 to index
    %swap3A_125 = arith.constant 0 : index
    %swap3A_126 = tpu.vector_load %arg10[%swap3A_124, %swap3A_125] {strides = array<i32>} : memref<16x128xf32, #tpu.memory_space<vmem>>, vector<16xf32>,
    tpu.vector_store %arg10[%swap3A_124, %swap3A_125], %broadcast_in_dim3A_90 {strides = array<i32>} : memref<16x128xf32, #tpu.memory_space<vmem>>, vector<16xf32>,
    %swap3A_127 = arith.constant 1 : i32
    %swap3A_128 = arith.index_cast %swap3A_127 : i32 to index
    %swap3A_129 = arith.constant 16 : index
    %swap3A_130 = tpu.vector_load %arg10[%swap3A_128, %swap3A_129] {strides = array<i32>} : memref<16x128xf32, #tpu.memory_space<vmem>>, vector<16xf32>,
    tpu.vector_store %arg10[%swap3A_128, %swap3A_129], %broadcast_in_dim3A_90 {strides = array<i32>} : memref<16x128xf32, #tpu.memory_space<vmem>>, vector<16xf32>,
    %swap3A_131 = arith.constant 1 : i32
    %swap3A_132 = arith.index_cast %swap3A_131 : i32 to index
    %swap3A_133 = arith.constant 32 : index
    %swap3A_134 = tpu.vector_load %arg10[%swap3A_132, %swap3A_133] {strides = array<i32>} : memref<16x128xf32, #tpu.memory_space<vmem>>, vector<16xf32>,
    tpu.vector_store %arg10[%swap3A_132, %swap3A_133], %broadcast_in_dim3A_90 {strides = array<i32>} : memref<16x128xf32, #tpu.memory_space<vmem>>, vector<16xf32>,
    %swap3A_135 = arith.constant 1 : i32
    %swap3A_136 = arith.index_cast %swap3A_135 : i32 to index
    %swap3A_137 = arith.constant 48 : index
    %swap3A_138 = tpu.vector_load %arg10[%swap3A_136, %swap3A_137] {strides = array<i32>} : memref<16x128xf32, #tpu.memory_space<vmem>>, vector<16xf32>,
    tpu.vector_store %arg10[%swap3A_136, %swap3A_137], %broadcast_in_dim3A_90 {strides = array<i32>} : memref<16x128xf32, #tpu.memory_space<vmem>>, vector<16xf32>,
    %swap3A_139 = arith.constant 1 : i32
    %swap3A_140 = arith.index_cast %swap3A_139 : i32 to index
    %swap3A_141 = arith.constant 64 : index
    %swap3A_142 = tpu.vector_load %arg10[%swap3A_140, %swap3A_141] {strides = array<i32>} : memref<16x128xf32, #tpu.memory_space<vmem>>, vector<16xf32>,
    tpu.vector_store %arg10[%swap3A_140, %swap3A_141], %broadcast_in_dim3A_90 {strides = array<i32>} : memref<16x128xf32, #tpu.memory_space<vmem>>, vector<16xf32>,
    %swap3A_143 = arith.constant 1 : i32
    %swap3A_144 = arith.index_cast %swap3A_143 : i32 to index
    %swap3A_145 = arith.constant 80 : index
    %swap3A_146 = tpu.vector_load %arg10[%swap3A_144, %swap3A_145] {strides = array<i32>} : memref<16x128xf32, #tpu.memory_space<vmem>>, vector<16xf32>,
    tpu.vector_store %arg10[%swap3A_144, %swap3A_145], %broadcast_in_dim3A_90 {strides = array<i32>} : memref<16x128xf32, #tpu.memory_space<vmem>>, vector<16xf32>,
    %swap3A_147 = arith.constant 1 : i32
    %swap3A_148 = arith.index_cast %swap3A_147 : i32 to index
    %swap3A_149 = arith.constant 96 : index
    %swap3A_150 = tpu.vector_load %arg10[%swap3A_148, %swap3A_149] {strides = array<i32>} : memref<16x128xf32, #tpu.memory_space<vmem>>, vector<16xf32>,
    tpu.vector_store %arg10[%swap3A_148, %swap3A_149], %broadcast_in_dim3A_90 {strides = array<i32>} : memref<16x128xf32, #tpu.memory_space<vmem>>, vector<16xf32>,
    %swap3A_151 = arith.constant 1 : i32
    %swap3A_152 = arith.index_cast %swap3A_151 : i32 to index
    %swap3A_153 = arith.constant 112 : index
    %swap3A_154 = tpu.vector_load %arg10[%swap3A_152, %swap3A_153] {strides = array<i32>} : memref<16x128xf32, #tpu.memory_space<vmem>>, vector<16xf32>,
    tpu.vector_store %arg10[%swap3A_152, %swap3A_153], %broadcast_in_dim3A_90 {strides = array<i32>} : memref<16x128xf32, #tpu.memory_space<vmem>>, vector<16xf32>,
    %swap3A_155 = arith.constant 2 : i32
    %swap3A_156 = arith.index_cast %swap3A_155 : i32 to index
    %swap3A_157 = arith.constant 0 : index
    %swap3A_158 = tpu.vector_load %arg10[%swap3A_156, %swap3A_157] {strides = array<i32>} : memref<16x128xf32, #tpu.memory_space<vmem>>, vector<16xf32>,
    tpu.vector_store %arg10[%swap3A_156, %swap3A_157], %broadcast_in_dim3A_90 {strides = array<i32>} : memref<16x128xf32, #tpu.memory_space<vmem>>, vector<16xf32>,
    %swap3A_159 = arith.constant 2 : i32
    %swap3A_160 = arith.index_cast %swap3A_159 : i32 to index
    %swap3A_161 = arith.constant 16 : index
    %swap3A_162 = tpu.vector_load %arg10[%swap3A_160, %swap3A_161] {strides = array<i32>} : memref<16x128xf32, #tpu.memory_space<vmem>>, vector<16xf32>,
    tpu.vector_store %arg10[%swap3A_160, %swap3A_161], %broadcast_in_dim3A_90 {strides = array<i32>} : memref<16x128xf32, #tpu.memory_space<vmem>>, vector<16xf32>,
    %swap3A_163 = arith.constant 2 : i32
    %swap3A_164 = arith.index_cast %swap3A_163 : i32 to index
    %swap3A_165 = arith.constant 32 : index
    %swap3A_166 = tpu.vector_load %arg10[%swap3A_164, %swap3A_165] {strides = array<i32>} : memref<16x128xf32, #tpu.memory_space<vmem>>, vector<16xf32>,
    tpu.vector_store %arg10[%swap3A_164, %swap3A_165], %broadcast_in_dim3A_90 {strides = array<i32>} : memref<16x128xf32, #tpu.memory_space<vmem>>, vector<16xf32>,
    %swap3A_167 = arith.constant 2 : i32
    %swap3A_168 = arith.index_cast %swap3A_167 : i32 to index
    %swap3A_169 = arith.constant 48 : index
    %swap3A_170 = tpu.vector_load %arg10[%swap3A_168, %swap3A_169] {strides = array<i32>} : memref<16x128xf32, #tpu.memory_space<vmem>>, vector<16xf32>,
    tpu.vector_store %arg10[%swap3A_168, %swap3A_169], %broadcast_in_dim3A_90 {strides = array<i32>} : memref<16x128xf32, #tpu.memory_space<vmem>>, vector<16xf32>,
    %swap3A_171 = arith.constant 2 : i32
    %swap3A_172 = arith.index_cast %swap3A_171 : i32 to index
    %swap3A_173 = arith.constant 64 : index
    %swap3A_174 = tpu.vector_load %arg10[%swap3A_172, %swap3A_173] {strides = array<i32>} : memref<16x128xf32, #tpu.memory_space<vmem>>, vector<16xf32>,
    tpu.vector_store %arg10[%swap3A_172, %swap3A_173], %broadcast_in_dim3A_90 {strides = array<i32>} : memref<16x128xf32, #tpu.memory_space<vmem>>, vector<16xf32>,
    %swap3A_175 = arith.constant 2 : i32
    %swap3A_176 = arith.index_cast %swap3A_175 : i32 to index
    %swap3A_177 = arith.constant 80 : index
    %swap3A_178 = tpu.vector_load %arg10[%swap3A_176, %swap3A_177] {strides = array<i32>} : memref<16x128xf32, #tpu.memory_space<vmem>>, vector<16xf32>,
    tpu.vector_store %arg10[%swap3A_176, %swap3A_177], %broadcast_in_dim3A_90 {strides = array<i32>} : memref<16x128xf32, #tpu.memory_space<vmem>>, vector<16xf32>,
    %swap3A_179 = arith.constant 2 : i32
    %swap3A_180 = arith.index_cast %swap3A_179 : i32 to index
    %swap3A_181 = arith.constant 96 : index
    %swap3A_182 = tpu.vector_load %arg10[%swap3A_180, %swap3A_181] {strides = array<i32>} : memref<16x128xf32, #tpu.memory_space<vmem>>, vector<16xf32>,
    tpu.vector_store %arg10[%swap3A_180, %swap3A_181], %broadcast_in_dim3A_90 {strides = array<i32>} : memref<16x128xf32, #tpu.memory_space<vmem>>, vector<16xf32>,
    %swap3A_183 = arith.constant 2 : i32
    %swap3A_184 = arith.index_cast %swap3A_183 : i32 to index
    %swap3A_185 = arith.constant 112 : index
    %swap3A_186 = tpu.vector_load %arg10[%swap3A_184, %swap3A_185] {strides = array<i32>} : memref<16x128xf32, #tpu.memory_space<vmem>>, vector<16xf32>,
    tpu.vector_store %arg10[%swap3A_184, %swap3A_185], %broadcast_in_dim3A_90 {strides = array<i32>} : memref<16x128xf32, #tpu.memory_space<vmem>>, vector<16xf32>,
    %swap3A_187 = arith.constant 3 : i32
    %swap3A_188 = arith.index_cast %swap3A_187 : i32 to index
    %swap3A_189 = arith.constant 0 : index
    %swap3A_190 = tpu.vector_load %arg10[%swap3A_188, %swap3A_189] {strides = array<i32>} : memref<16x128xf32, #tpu.memory_space<vmem>>, vector<16xf32>,
    tpu.vector_store %arg10[%swap3A_188, %swap3A_189], %broadcast_in_dim3A_90 {strides = array<i32>} : memref<16x128xf32, #tpu.memory_space<vmem>>, vector<16xf32>,
    %swap3A_191 = arith.constant 3 : i32
    %swap3A_192 = arith.index_cast %swap3A_191 : i32 to index
    %swap3A_193 = arith.constant 16 : index
    %swap3A_194 = tpu.vector_load %arg10[%swap3A_192, %swap3A_193] {strides = array<i32>} : memref<16x128xf32, #tpu.memory_space<vmem>>, vector<16xf32>,
    tpu.vector_store %arg10[%swap3A_192, %swap3A_193], %broadcast_in_dim3A_90 {strides = array<i32>} : memref<16x128xf32, #tpu.memory_space<vmem>>, vector<16xf32>,
    %swap3A_195 = arith.constant 3 : i32
    %swap3A_196 = arith.index_cast %swap3A_195 : i32 to index
    %swap3A_197 = arith.constant 32 : index
    %swap3A_198 = tpu.vector_load %arg10[%swap3A_196, %swap3A_197] {strides = array<i32>} : memref<16x128xf32, #tpu.memory_space<vmem>>, vector<16xf32>,
    tpu.vector_store %arg10[%swap3A_196, %swap3A_197], %broadcast_in_dim3A_90 {strides = array<i32>} : memref<16x128xf32, #tpu.memory_space<vmem>>, vector<16xf32>,
    %swap3A_199 = arith.constant 3 : i32
    %swap3A_200 = arith.index_cast %swap3A_199 : i32 to index
    %swap3A_201 = arith.constant 48 : index
    %swap3A_202 = tpu.vector_load %arg10[%swap3A_200, %swap3A_201] {strides = array<i32>} : memref<16x128xf32, #tpu.memory_space<vmem>>, vector<16xf32>,
    tpu.vector_store %arg10[%swap3A_200, %swap3A_201], %broadcast_in_dim3A_90 {strides = array<i32>} : memref<16x128xf32, #tpu.memory_space<vmem>>, vector<16xf32>,
    %swap3A_203 = arith.constant 3 : i32
    %swap3A_204 = arith.index_cast %swap3A_203 : i32 to index
    %swap3A_205 = arith.constant 64 : index
    %swap3A_206 = tpu.vector_load %arg10[%swap3A_204, %swap3A_205] {strides = array<i32>} : memref<16x128xf32, #tpu.memory_space<vmem>>, vector<16xf32>,
    tpu.vector_store %arg10[%swap3A_204, %swap3A_205], %broadcast_in_dim3A_90 {strides = array<i32>} : memref<16x128xf32, #tpu.memory_space<vmem>>, vector<16xf32>,
    %swap3A_207 = arith.constant 3 : i32
    %swap3A_208 = arith.index_cast %swap3A_207 : i32 to index
    %swap3A_209 = arith.constant 80 : index
    %swap3A_210 = tpu.vector_load %arg10[%swap3A_208, %swap3A_209] {strides = array<i32>} : memref<16x128xf32, #tpu.memory_space<vmem>>, vector<16xf32>,
    tpu.vector_store %arg10[%swap3A_208, %swap3A_209], %broadcast_in_dim3A_90 {strides = array<i32>} : memref<16x128xf32, #tpu.memory_space<vmem>>, vector<16xf32>,
    %swap3A_211 = arith.constant 3 : i32
    %swap3A_212 = arith.index_cast %swap3A_211 : i32 to index
    %swap3A_213 = arith.constant 96 : index
    %swap3A_214 = tpu.vector_load %arg10[%swap3A_212, %swap3A_213] {strides = array<i32>} : memref<16x128xf32, #tpu.memory_space<vmem>>, vector<16xf32>,
    tpu.vector_store %arg10[%swap3A_212, %swap3A_213], %broadcast_in_dim3A_90 {strides = array<i32>} : memref<16x128xf32, #tpu.memory_space<vmem>>, vector<16xf32>,
    %swap3A_215 = arith.constant 3 : i32
    %swap3A_216 = arith.index_cast %swap3A_215 : i32 to index
    %swap3A_217 = arith.constant 112 : index
    %swap3A_218 = tpu.vector_load %arg10[%swap3A_216, %swap3A_217] {strides = array<i32>} : memref<16x128xf32, #tpu.memory_space<vmem>>, vector<16xf32>,
    tpu.vector_store %arg10[%swap3A_216, %swap3A_217], %broadcast_in_dim3A_90 {strides = array<i32>} : memref<16x128xf32, #tpu.memory_space<vmem>>, vector<16xf32>,
    %swap3A_219 = arith.constant 4 : i32
    %swap3A_220 = arith.index_cast %swap3A_219 : i32 to index
    %swap3A_221 = arith.constant 0 : index
    %swap3A_222 = tpu.vector_load %arg10[%swap3A_220, %swap3A_221] {strides = array<i32>} : memref<16x128xf32, #tpu.memory_space<vmem>>, vector<16xf32>,
    tpu.vector_store %arg10[%swap3A_220, %swap3A_221], %broadcast_in_dim3A_90 {strides = array<i32>} : memref<16x128xf32, #tpu.memory_space<vmem>>, vector<16xf32>,
    %swap3A_223 = arith.constant 4 : i32
    %swap3A_224 = arith.index_cast %swap3A_223 : i32 to index
    %swap3A_225 = arith.constant 16 : index
    %swap3A_226 = tpu.vector_load %arg10[%swap3A_224, %swap3A_225] {strides = array<i32>} : memref<16x128xf32, #tpu.memory_space<vmem>>, vector<16xf32>,
    tpu.vector_store %arg10[%swap3A_224, %swap3A_225], %broadcast_in_dim3A_90 {strides = array<i32>} : memref<16x128xf32, #tpu.memory_space<vmem>>, vector<16xf32>,
    %swap3A_227 = arith.constant 4 : i32
    %swap3A_228 = arith.index_cast %swap3A_227 : i32 to index
    %swap3A_229 = arith.constant 32 : index
    %swap3A_230 = tpu.vector_load %arg10[%swap3A_228, %swap3A_229] {strides = array<i32>} : memref<16x128xf32, #tpu.memory_space<vmem>>, vector<16xf32>,
    tpu.vector_store %arg10[%swap3A_228, %swap3A_229], %broadcast_in_dim3A_90 {strides = array<i32>} : memref<16x128xf32, #tpu.memory_space<vmem>>, vector<16xf32>,
    %swap3A_231 = arith.constant 4 : i32
    %swap3A_232 = arith.index_cast %swap3A_231 : i32 to index
    %swap3A_233 = arith.constant 48 : index
    %swap3A_234 = tpu.vector_load %arg10[%swap3A_232, %swap3A_233] {strides = array<i32>} : memref<16x128xf32, #tpu.memory_space<vmem>>, vector<16xf32>,
    tpu.vector_store %arg10[%swap3A_232, %swap3A_233], %broadcast_in_dim3A_90 {strides = array<i32>} : memref<16x128xf32, #tpu.memory_space<vmem>>, vector<16xf32>,
    %swap3A_235 = arith.constant 4 : i32
    %swap3A_236 = arith.index_cast %swap3A_235 : i32 to index
    %swap3A_237 = arith.constant 64 : index
    %swap3A_238 = tpu.vector_load %arg10[%swap3A_236, %swap3A_237] {strides = array<i32>} : memref<16x128xf32, #tpu.memory_space<vmem>>, vector<16xf32>,
    tpu.vector_store %arg10[%swap3A_236, %swap3A_237], %broadcast_in_dim3A_90 {strides = array<i32>} : memref<16x128xf32, #tpu.memory_space<vmem>>, vector<16xf32>,
    %swap3A_239 = arith.constant 4 : i32
    %swap3A_240 = arith.index_cast %swap3A_239 : i32 to index
    %swap3A_241 = arith.constant 80 : index
    %swap3A_242 = tpu.vector_load %arg10[%swap3A_240, %swap3A_241] {strides = array<i32>} : memref<16x128xf32, #tpu.memory_space<vmem>>, vector<16xf32>,
    tpu.vector_store %arg10[%swap3A_240, %swap3A_241], %broadcast_in_dim3A_90 {strides = array<i32>} : memref<16x128xf32, #tpu.memory_space<vmem>>, vector<16xf32>,
    %swap3A_243 = arith.constant 4 : i32
    %swap3A_244 = arith.index_cast %swap3A_243 : i32 to index
    %swap3A_245 = arith.constant 96 : index
    %swap3A_246 = tpu.vector_load %arg10[%swap3A_244, %swap3A_245] {strides = array<i32>} : memref<16x128xf32, #tpu.memory_space<vmem>>, vector<16xf32>,
    tpu.vector_store %arg10[%swap3A_244, %swap3A_245], %broadcast_in_dim3A_90 {strides = array<i32>} : memref<16x128xf32, #tpu.memory_space<vmem>>, vector<16xf32>,
    %swap3A_247 = arith.constant 4 : i32
    %swap3A_248 = arith.index_cast %swap3A_247 : i32 to index
    %swap3A_249 = arith.constant 112 : index
    %swap3A_250 = tpu.vector_load %arg10[%swap3A_248, %swap3A_249] {strides = array<i32>} : memref<16x128xf32, #tpu.memory_space<vmem>>, vector<16xf32>,
    tpu.vector_store %arg10[%swap3A_248, %swap3A_249], %broadcast_in_dim3A_90 {strides = array<i32>} : memref<16x128xf32, #tpu.memory_space<vmem>>, vector<16xf32>,
    %swap3A_251 = arith.constant 5 : i32
    %swap3A_252 = arith.index_cast %swap3A_251 : i32 to index
    %swap3A_253 = arith.constant 0 : index
    %swap3A_254 = tpu.vector_load %arg10[%swap3A_252, %swap3A_253] {strides = array<i32>} : memref<16x128xf32, #tpu.memory_space<vmem>>, vector<16xf32>,
    tpu.vector_store %arg10[%swap3A_252, %swap3A_253], %broadcast_in_dim3A_90 {strides = array<i32>} : memref<16x128xf32, #tpu.memory_space<vmem>>, vector<16xf32>,
    %swap3A_255 = arith.constant 5 : i32
    %swap3A_256 = arith.index_cast %swap3A_255 : i32 to index
    %swap3A_257 = arith.constant 16 : index
    %swap3A_258 = tpu.vector_load %arg10[%swap3A_256, %swap3A_257] {strides = array<i32>} : memref<16x128xf32, #tpu.memory_space<vmem>>, vector<16xf32>,
    tpu.vector_store %arg10[%swap3A_256, %swap3A_257], %broadcast_in_dim3A_90 {strides = array<i32>} : memref<16x128xf32, #tpu.memory_space<vmem>>, vector<16xf32>,
    %swap3A_259 = arith.constant 5 : i32
    %swap3A_260 = arith.index_cast %swap3A_259 : i32 to index
    %swap3A_261 = arith.constant 32 : index
    %swap3A_262 = tpu.vector_load %arg10[%swap3A_260, %swap3A_261] {strides = array<i32>} : memref<16x128xf32, #tpu.memory_space<vmem>>, vector<16xf32>,
    tpu.vector_store %arg10[%swap3A_260, %swap3A_261], %broadcast_in_dim3A_90 {strides = array<i32>} : memref<16x128xf32, #tpu.memory_space<vmem>>, vector<16xf32>,
    %swap3A_263 = arith.constant 5 : i32
    %swap3A_264 = arith.index_cast %swap3A_263 : i32 to index
    %swap3A_265 = arith.constant 48 : index
    %swap3A_266 = tpu.vector_load %arg10[%swap3A_264, %swap3A_265] {strides = array<i32>} : memref<16x128xf32, #tpu.memory_space<vmem>>, vector<16xf32>,
    tpu.vector_store %arg10[%swap3A_264, %swap3A_265], %broadcast_in_dim3A_90 {strides = array<i32>} : memref<16x128xf32, #tpu.memory_space<vmem>>, vector<16xf32>,
    %swap3A_267 = arith.constant 5 : i32
    %swap3A_268 = arith.index_cast %swap3A_267 : i32 to index
    %swap3A_269 = arith.constant 64 : index
    %swap3A_270 = tpu.vector_load %arg10[%swap3A_268, %swap3A_269] {strides = array<i32>} : memref<16x128xf32, #tpu.memory_space<vmem>>, vector<16xf32>,
    tpu.vector_store %arg10[%swap3A_268, %swap3A_269], %broadcast_in_dim3A_90 {strides = array<i32>} : memref<16x128xf32, #tpu.memory_space<vmem>>, vector<16xf32>,
    %swap3A_271 = arith.constant 5 : i32
    %swap3A_272 = arith.index_cast %swap3A_271 : i32 to index
    %swap3A_273 = arith.constant 80 : index
    %swap3A_274 = tpu.vector_load %arg10[%swap3A_272, %swap3A_273] {strides = array<i32>} : memref<16x128xf32, #tpu.memory_space<vmem>>, vector<16xf32>,
    tpu.vector_store %arg10[%swap3A_272, %swap3A_273], %broadcast_in_dim3A_90 {strides = array<i32>} : memref<16x128xf32, #tpu.memory_space<vmem>>, vector<16xf32>,
    %swap3A_275 = arith.constant 5 : i32
    %swap3A_276 = arith.index_cast %swap3A_275 : i32 to index
    %swap3A_277 = arith.constant 96 : index
    %swap3A_278 = tpu.vector_load %arg10[%swap3A_276, %swap3A_277] {strides = array<i32>} : memref<16x128xf32, #tpu.memory_space<vmem>>, vector<16xf32>,
    tpu.vector_store %arg10[%swap3A_276, %swap3A_277], %broadcast_in_dim3A_90 {strides = array<i32>} : memref<16x128xf32, #tpu.memory_space<vmem>>, vector<16xf32>,
    %swap3A_279 = arith.constant 5 : i32
    %swap3A_280 = arith.index_cast %swap3A_279 : i32 to index
    %swap3A_281 = arith.constant 112 : index
    %swap3A_282 = tpu.vector_load %arg10[%swap3A_280, %swap3A_281] {strides = array<i32>} : memref<16x128xf32, #tpu.memory_space<vmem>>, vector<16xf32>,
    tpu.vector_store %arg10[%swap3A_280, %swap3A_281], %broadcast_in_dim3A_90 {strides = array<i32>} : memref<16x128xf32, #tpu.memory_space<vmem>>, vector<16xf32>,
    %swap3A_283 = arith.constant 6 : i32
    %swap3A_284 = arith.index_cast %swap3A_283 : i32 to index
    %swap3A_285 = arith.constant 0 : index
    %swap3A_286 = tpu.vector_load %arg10[%swap3A_284, %swap3A_285] {strides = array<i32>} : memref<16x128xf32, #tpu.memory_space<vmem>>, vector<16xf32>,
    tpu.vector_store %arg10[%swap3A_284, %swap3A_285], %broadcast_in_dim3A_90 {strides = array<i32>} : memref<16x128xf32, #tpu.memory_space<vmem>>, vector<16xf32>,
    %swap3A_287 = arith.constant 6 : i32
    %swap3A_288 = arith.index_cast %swap3A_287 : i32 to index
    %swap3A_289 = arith.constant 16 : index
    %swap3A_290 = tpu.vector_load %arg10[%swap3A_288, %swap3A_289] {strides = array<i32>} : memref<16x128xf32, #tpu.memory_space<vmem>>, vector<16xf32>,
    tpu.vector_store %arg10[%swap3A_288, %swap3A_289], %broadcast_in_dim3A_90 {strides = array<i32>} : memref<16x128xf32, #tpu.memory_space<vmem>>, vector<16xf32>,
    %swap3A_291 = arith.constant 6 : i32
    %swap3A_292 = arith.index_cast %swap3A_291 : i32 to index
    %swap3A_293 = arith.constant 32 : index
    %swap3A_294 = tpu.vector_load %arg10[%swap3A_292, %swap3A_293] {strides = array<i32>} : memref<16x128xf32, #tpu.memory_space<vmem>>, vector<16xf32>,
    tpu.vector_store %arg10[%swap3A_292, %swap3A_293], %broadcast_in_dim3A_90 {strides = array<i32>} : memref<16x128xf32, #tpu.memory_space<vmem>>, vector<16xf32>,
    %swap3A_295 = arith.constant 6 : i32
    %swap3A_296 = arith.index_cast %swap3A_295 : i32 to index
    %swap3A_297 = arith.constant 48 : index
    %swap3A_298 = tpu.vector_load %arg10[%swap3A_296, %swap3A_297] {strides = array<i32>} : memref<16x128xf32, #tpu.memory_space<vmem>>, vector<16xf32>,
    tpu.vector_store %arg10[%swap3A_296, %swap3A_297], %broadcast_in_dim3A_90 {strides = array<i32>} : memref<16x128xf32, #tpu.memory_space<vmem>>, vector<16xf32>,
    %swap3A_299 = arith.constant 6 : i32
    %swap3A_300 = arith.index_cast %swap3A_299 : i32 to index
    %swap3A_301 = arith.constant 64 : index
    %swap3A_302 = tpu.vector_load %arg10[%swap3A_300, %swap3A_301] {strides = array<i32>} : memref<16x128xf32, #tpu.memory_space<vmem>>, vector<16xf32>,
    tpu.vector_store %arg10[%swap3A_300, %swap3A_301], %broadcast_in_dim3A_90 {strides = array<i32>} : memref<16x128xf32, #tpu.memory_space<vmem>>, vector<16xf32>,
    %swap3A_303 = arith.constant 6 : i32
    %swap3A_304 = arith.index_cast %swap3A_303 : i32 to index
    %swap3A_305 = arith.constant 80 : index
    %swap3A_306 = tpu.vector_load %arg10[%swap3A_304, %swap3A_305] {strides = array<i32>} : memref<16x128xf32, #tpu.memory_space<vmem>>, vector<16xf32>,
    tpu.vector_store %arg10[%swap3A_304, %swap3A_305], %broadcast_in_dim3A_90 {strides = array<i32>} : memref<16x128xf32, #tpu.memory_space<vmem>>, vector<16xf32>,
    %swap3A_307 = arith.constant 6 : i32
    %swap3A_308 = arith.index_cast %swap3A_307 : i32 to index
    %swap3A_309 = arith.constant 96 : index
    %swap3A_310 = tpu.vector_load %arg10[%swap3A_308, %swap3A_309] {strides = array<i32>} : memref<16x128xf32, #tpu.memory_space<vmem>>, vector<16xf32>,
    tpu.vector_store %arg10[%swap3A_308, %swap3A_309], %broadcast_in_dim3A_90 {strides = array<i32>} : memref<16x128xf32, #tpu.memory_space<vmem>>, vector<16xf32>,
    %swap3A_311 = arith.constant 6 : i32
    %swap3A_312 = arith.index_cast %swap3A_311 : i32 to index
    %swap3A_313 = arith.constant 112 : index
    %swap3A_314 = tpu.vector_load %arg10[%swap3A_312, %swap3A_313] {strides = array<i32>} : memref<16x128xf32, #tpu.memory_space<vmem>>, vector<16xf32>,
    tpu.vector_store %arg10[%swap3A_312, %swap3A_313], %broadcast_in_dim3A_90 {strides = array<i32>} : memref<16x128xf32, #tpu.memory_space<vmem>>, vector<16xf32>,
    %swap3A_315 = arith.constant 7 : i32
    %swap3A_316 = arith.index_cast %swap3A_315 : i32 to index
    %swap3A_317 = arith.constant 0 : index
    %swap3A_318 = tpu.vector_load %arg10[%swap3A_316, %swap3A_317] {strides = array<i32>} : memref<16x128xf32, #tpu.memory_space<vmem>>, vector<16xf32>,
    tpu.vector_store %arg10[%swap3A_316, %swap3A_317], %broadcast_in_dim3A_90 {strides = array<i32>} : memref<16x128xf32, #tpu.memory_space<vmem>>, vector<16xf32>,
    %swap3A_319 = arith.constant 7 : i32
    %swap3A_320 = arith.index_cast %swap3A_319 : i32 to index
    %swap3A_321 = arith.constant 16 : index
    %swap3A_322 = tpu.vector_load %arg10[%swap3A_320, %swap3A_321] {strides = array<i32>} : memref<16x128xf32, #tpu.memory_space<vmem>>, vector<16xf32>,
    tpu.vector_store %arg10[%swap3A_320, %swap3A_321], %broadcast_in_dim3A_90 {strides = array<i32>} : memref<16x128xf32, #tpu.memory_space<vmem>>, vector<16xf32>,
    %swap3A_323 = arith.constant 7 : i32
    %swap3A_324 = arith.index_cast %swap3A_323 : i32 to index
    %swap3A_325 = arith.constant 32 : index
    %swap3A_326 = tpu.vector_load %arg10[%swap3A_324, %swap3A_325] {strides = array<i32>} : memref<16x128xf32, #tpu.memory_space<vmem>>, vector<16xf32>,
    tpu.vector_store %arg10[%swap3A_324, %swap3A_325], %broadcast_in_dim3A_90 {strides = array<i32>} : memref<16x128xf32, #tpu.memory_space<vmem>>, vector<16xf32>,
    %swap3A_327 = arith.constant 7 : i32
    %swap3A_328 = arith.index_cast %swap3A_327 : i32 to index
    %swap3A_329 = arith.constant 48 : index
    %swap3A_330 = tpu.vector_load %arg10[%swap3A_328, %swap3A_329] {strides = array<i32>} : memref<16x128xf32, #tpu.memory_space<vmem>>, vector<16xf32>,
    tpu.vector_store %arg10[%swap3A_328, %swap3A_329], %broadcast_in_dim3A_90 {strides = array<i32>} : memref<16x128xf32, #tpu.memory_space<vmem>>, vector<16xf32>,
    %swap3A_331 = arith.constant 7 : i32
    %swap3A_332 = arith.index_cast %swap3A_331 : i32 to index
    %swap3A_333 = arith.constant 64 : index
    %swap3A_334 = tpu.vector_load %arg10[%swap3A_332, %swap3A_333] {strides = array<i32>} : memref<16x128xf32, #tpu.memory_space<vmem>>, vector<16xf32>,
    tpu.vector_store %arg10[%swap3A_332, %swap3A_333], %broadcast_in_dim3A_90 {strides = array<i32>} : memref<16x128xf32, #tpu.memory_space<vmem>>, vector<16xf32>,
    %swap3A_335 = arith.constant 7 : i32
    %swap3A_336 = arith.index_cast %swap3A_335 : i32 to index
    %swap3A_337 = arith.constant 80 : index
    %swap3A_338 = tpu.vector_load %arg10[%swap3A_336, %swap3A_337] {strides = array<i32>} : memref<16x128xf32, #tpu.memory_space<vmem>>, vector<16xf32>,
    tpu.vector_store %arg10[%swap3A_336, %swap3A_337], %broadcast_in_dim3A_90 {strides = array<i32>} : memref<16x128xf32, #tpu.memory_space<vmem>>, vector<16xf32>,
    %swap3A_339 = arith.constant 7 : i32
    %swap3A_340 = arith.index_cast %swap3A_339 : i32 to index
    %swap3A_341 = arith.constant 96 : index
    %swap3A_342 = tpu.vector_load %arg10[%swap3A_340, %swap3A_341] {strides = array<i32>} : memref<16x128xf32, #tpu.memory_space<vmem>>, vector<16xf32>,
    tpu.vector_store %arg10[%swap3A_340, %swap3A_341], %broadcast_in_dim3A_90 {strides = array<i32>} : memref<16x128xf32, #tpu.memory_space<vmem>>, vector<16xf32>,
    %swap3A_343 = arith.constant 7 : i32
    %swap3A_344 = arith.index_cast %swap3A_343 : i32 to index
    %swap3A_345 = arith.constant 112 : index
    %swap3A_346 = tpu.vector_load %arg10[%swap3A_344, %swap3A_345] {strides = array<i32>} : memref<16x128xf32, #tpu.memory_space<vmem>>, vector<16xf32>,
    tpu.vector_store %arg10[%swap3A_344, %swap3A_345], %broadcast_in_dim3A_90 {strides = array<i32>} : memref<16x128xf32, #tpu.memory_space<vmem>>, vector<16xf32>,
    %swap3A_347 = arith.constant 8 : i32
    %swap3A_348 = arith.index_cast %swap3A_347 : i32 to index
    %swap3A_349 = arith.constant 0 : index
    %swap3A_350 = tpu.vector_load %arg10[%swap3A_348, %swap3A_349] {strides = array<i32>} : memref<16x128xf32, #tpu.memory_space<vmem>>, vector<16xf32>,
    tpu.vector_store %arg10[%swap3A_348, %swap3A_349], %broadcast_in_dim3A_90 {strides = array<i32>} : memref<16x128xf32, #tpu.memory_space<vmem>>, vector<16xf32>,
    %swap3A_351 = arith.constant 8 : i32
    %swap3A_352 = arith.index_cast %swap3A_351 : i32 to index
    %swap3A_353 = arith.constant 16 : index
    %swap3A_354 = tpu.vector_load %arg10[%swap3A_352, %swap3A_353] {strides = array<i32>} : memref<16x128xf32, #tpu.memory_space<vmem>>, vector<16xf32>,
    tpu.vector_store %arg10[%swap3A_352, %swap3A_353], %broadcast_in_dim3A_90 {strides = array<i32>} : memref<16x128xf32, #tpu.memory_space<vmem>>, vector<16xf32>,
    %swap3A_355 = arith.constant 8 : i32
    %swap3A_356 = arith.index_cast %swap3A_355 : i32 to index
    %swap3A_357 = arith.constant 32 : index
    %swap3A_358 = tpu.vector_load %arg10[%swap3A_356, %swap3A_357] {strides = array<i32>} : memref<16x128xf32, #tpu.memory_space<vmem>>, vector<16xf32>,
    tpu.vector_store %arg10[%swap3A_356, %swap3A_357], %broadcast_in_dim3A_90 {strides = array<i32>} : memref<16x128xf32, #tpu.memory_space<vmem>>, vector<16xf32>,
    %swap3A_359 = arith.constant 8 : i32
    %swap3A_360 = arith.index_cast %swap3A_359 : i32 to index
    %swap3A_361 = arith.constant 48 : index
    %swap3A_362 = tpu.vector_load %arg10[%swap3A_360, %swap3A_361] {strides = array<i32>} : memref<16x128xf32, #tpu.memory_space<vmem>>, vector<16xf32>,
    tpu.vector_store %arg10[%swap3A_360, %swap3A_361], %broadcast_in_dim3A_90 {strides = array<i32>} : memref<16x128xf32, #tpu.memory_space<vmem>>, vector<16xf32>,
    %swap3A_363 = arith.constant 8 : i32
    %swap3A_364 = arith.index_cast %swap3A_363 : i32 to index
    %swap3A_365 = arith.constant 64 : index
    %swap3A_366 = tpu.vector_load %arg10[%swap3A_364, %swap3A_365] {strides = array<i32>} : memref<16x128xf32, #tpu.memory_space<vmem>>, vector<16xf32>,
    tpu.vector_store %arg10[%swap3A_364, %swap3A_365], %broadcast_in_dim3A_90 {strides = array<i32>} : memref<16x128xf32, #tpu.memory_space<vmem>>, vector<16xf32>,
    %swap3A_367 = arith.constant 8 : i32
    %swap3A_368 = arith.index_cast %swap3A_367 : i32 to index
    %swap3A_369 = arith.constant 80 : index
    %swap3A_370 = tpu.vector_load %arg10[%swap3A_368, %swap3A_369] {strides = array<i32>} : memref<16x128xf32, #tpu.memory_space<vmem>>, vector<16xf32>,
    tpu.vector_store %arg10[%swap3A_368, %swap3A_369], %broadcast_in_dim3A_90 {strides = array<i32>} : memref<16x128xf32, #tpu.memory_space<vmem>>, vector<16xf32>,
    %swap3A_371 = arith.constant 8 : i32
    %swap3A_372 = arith.index_cast %swap3A_371 : i32 to index
    %swap3A_373 = arith.constant 96 : index
    %swap3A_374 = tpu.vector_load %arg10[%swap3A_372, %swap3A_373] {strides = array<i32>} : memref<16x128xf32, #tpu.memory_space<vmem>>, vector<16xf32>,
    tpu.vector_store %arg10[%swap3A_372, %swap3A_373], %broadcast_in_dim3A_90 {strides = array<i32>} : memref<16x128xf32, #tpu.memory_space<vmem>>, vector<16xf32>,
    %swap3A_375 = arith.constant 8 : i32
    %swap3A_376 = arith.index_cast %swap3A_375 : i32 to index
    %swap3A_377 = arith.constant 112 : index
    %swap3A_378 = tpu.vector_load %arg10[%swap3A_376, %swap3A_377] {strides = array<i32>} : memref<16x128xf32, #tpu.memory_space<vmem>>, vector<16xf32>,
    tpu.vector_store %arg10[%swap3A_376, %swap3A_377], %broadcast_in_dim3A_90 {strides = array<i32>} : memref<16x128xf32, #tpu.memory_space<vmem>>, vector<16xf32>,
    %swap3A_379 = arith.constant 9 : i32
    %swap3A_380 = arith.index_cast %swap3A_379 : i32 to index
    %swap3A_381 = arith.constant 0 : index
    %swap3A_382 = tpu.vector_load %arg10[%swap3A_380, %swap3A_381] {strides = array<i32>} : memref<16x128xf32, #tpu.memory_space<vmem>>, vector<16xf32>,
    tpu.vector_store %arg10[%swap3A_380, %swap3A_381], %broadcast_in_dim3A_90 {strides = array<i32>} : memref<16x128xf32, #tpu.memory_space<vmem>>, vector<16xf32>,
    %swap3A_383 = arith.constant 9 : i32
    %swap3A_384 = arith.index_cast %swap3A_383 : i32 to index
    %swap3A_385 = arith.constant 16 : index
    %swap3A_386 = tpu.vector_load %arg10[%swap3A_384, %swap3A_385] {strides = array<i32>} : memref<16x128xf32, #tpu.memory_space<vmem>>, vector<16xf32>,
    tpu.vector_store %arg10[%swap3A_384, %swap3A_385], %broadcast_in_dim3A_90 {strides = array<i32>} : memref<16x128xf32, #tpu.memory_space<vmem>>, vector<16xf32>,
    %swap3A_387 = arith.constant 9 : i32
    %swap3A_388 = arith.index_cast %swap3A_387 : i32 to index
    %swap3A_389 = arith.constant 32 : index
    %swap3A_390 = tpu.vector_load %arg10[%swap3A_388, %swap3A_389] {strides = array<i32>} : memref<16x128xf32, #tpu.memory_space<vmem>>, vector<16xf32>,
    tpu.vector_store %arg10[%swap3A_388, %swap3A_389], %broadcast_in_dim3A_90 {strides = array<i32>} : memref<16x128xf32, #tpu.memory_space<vmem>>, vector<16xf32>,
    %swap3A_391 = arith.constant 9 : i32
    %swap3A_392 = arith.index_cast %swap3A_391 : i32 to index
    %swap3A_393 = arith.constant 48 : index
    %swap3A_394 = tpu.vector_load %arg10[%swap3A_392, %swap3A_393] {strides = array<i32>} : memref<16x128xf32, #tpu.memory_space<vmem>>, vector<16xf32>,
    tpu.vector_store %arg10[%swap3A_392, %swap3A_393], %broadcast_in_dim3A_90 {strides = array<i32>} : memref<16x128xf32, #tpu.memory_space<vmem>>, vector<16xf32>,
    %swap3A_395 = arith.constant 9 : i32
    %swap3A_396 = arith.index_cast %swap3A_395 : i32 to index
    %swap3A_397 = arith.constant 64 : index
    %swap3A_398 = tpu.vector_load %arg10[%swap3A_396, %swap3A_397] {strides = array<i32>} : memref<16x128xf32, #tpu.memory_space<vmem>>, vector<16xf32>,
    tpu.vector_store %arg10[%swap3A_396, %swap3A_397], %broadcast_in_dim3A_90 {strides = array<i32>} : memref<16x128xf32, #tpu.memory_space<vmem>>, vector<16xf32>,
    %swap3A_399 = arith.constant 9 : i32
    %swap3A_400 = arith.index_cast %swap3A_399 : i32 to index
    %swap3A_401 = arith.constant 80 : index
    %swap3A_402 = tpu.vector_load %arg10[%swap3A_400, %swap3A_401] {strides = array<i32>} : memref<16x128xf32, #tpu.memory_space<vmem>>, vector<16xf32>,
    tpu.vector_store %arg10[%swap3A_400, %swap3A_401], %broadcast_in_dim3A_90 {strides = array<i32>} : memref<16x128xf32, #tpu.memory_space<vmem>>, vector<16xf32>,
    %swap3A_403 = arith.constant 9 : i32
    %swap3A_404 = arith.index_cast %swap3A_403 : i32 to index
    %swap3A_405 = arith.constant 96 : index
    %swap3A_406 = tpu.vector_load %arg10[%swap3A_404, %swap3A_405] {strides = array<i32>} : memref<16x128xf32, #tpu.memory_space<vmem>>, vector<16xf32>,
    tpu.vector_store %arg10[%swap3A_404, %swap3A_405], %broadcast_in_dim3A_90 {strides = array<i32>} : memref<16x128xf32, #tpu.memory_space<vmem>>, vector<16xf32>,
    %swap3A_407 = arith.constant 9 : i32
    %swap3A_408 = arith.index_cast %swap3A_407 : i32 to index
    %swap3A_409 = arith.constant 112 : index
    %swap3A_410 = tpu.vector_load %arg10[%swap3A_408, %swap3A_409] {strides = array<i32>} : memref<16x128xf32, #tpu.memory_space<vmem>>, vector<16xf32>,
    tpu.vector_store %arg10[%swap3A_408, %swap3A_409], %broadcast_in_dim3A_90 {strides = array<i32>} : memref<16x128xf32, #tpu.memory_space<vmem>>, vector<16xf32>,
    %swap3A_411 = arith.constant 10 : i32
    %swap3A_412 = arith.index_cast %swap3A_411 : i32 to index
    %swap3A_413 = arith.constant 0 : index
    %swap3A_414 = tpu.vector_load %arg10[%swap3A_412, %swap3A_413] {strides = array<i32>} : memref<16x128xf32, #tpu.memory_space<vmem>>, vector<16xf32>,
    tpu.vector_store %arg10[%swap3A_412, %swap3A_413], %broadcast_in_dim3A_90 {strides = array<i32>} : memref<16x128xf32, #tpu.memory_space<vmem>>, vector<16xf32>,
    %swap3A_415 = arith.constant 10 : i32
    %swap3A_416 = arith.index_cast %swap3A_415 : i32 to index
    %swap3A_417 = arith.constant 16 : index
    %swap3A_418 = tpu.vector_load %arg10[%swap3A_416, %swap3A_417] {strides = array<i32>} : memref<16x128xf32, #tpu.memory_space<vmem>>, vector<16xf32>,
    tpu.vector_store %arg10[%swap3A_416, %swap3A_417], %broadcast_in_dim3A_90 {strides = array<i32>} : memref<16x128xf32, #tpu.memory_space<vmem>>, vector<16xf32>,
    %swap3A_419 = arith.constant 10 : i32
    %swap3A_420 = arith.index_cast %swap3A_419 : i32 to index
    %swap3A_421 = arith.constant 32 : index
    %swap3A_422 = tpu.vector_load %arg10[%swap3A_420, %swap3A_421] {strides = array<i32>} : memref<16x128xf32, #tpu.memory_space<vmem>>, vector<16xf32>,
    tpu.vector_store %arg10[%swap3A_420, %swap3A_421], %broadcast_in_dim3A_90 {strides = array<i32>} : memref<16x128xf32, #tpu.memory_space<vmem>>, vector<16xf32>,
    %swap3A_423 = arith.constant 10 : i32
    %swap3A_424 = arith.index_cast %swap3A_423 : i32 to index
    %swap3A_425 = arith.constant 48 : index
    %swap3A_426 = tpu.vector_load %arg10[%swap3A_424, %swap3A_425] {strides = array<i32>} : memref<16x128xf32, #tpu.memory_space<vmem>>, vector<16xf32>,
    tpu.vector_store %arg10[%swap3A_424, %swap3A_425], %broadcast_in_dim3A_90 {strides = array<i32>} : memref<16x128xf32, #tpu.memory_space<vmem>>, vector<16xf32>,
    %swap3A_427 = arith.constant 10 : i32
    %swap3A_428 = arith.index_cast %swap3A_427 : i32 to index
    %swap3A_429 = arith.constant 64 : index
    %swap3A_430 = tpu.vector_load %arg10[%swap3A_428, %swap3A_429] {strides = array<i32>} : memref<16x128xf32, #tpu.memory_space<vmem>>, vector<16xf32>,
    tpu.vector_store %arg10[%swap3A_428, %swap3A_429], %broadcast_in_dim3A_90 {strides = array<i32>} : memref<16x128xf32, #tpu.memory_space<vmem>>, vector<16xf32>,
    %swap3A_431 = arith.constant 10 : i32
    %swap3A_432 = arith.index_cast %swap3A_431 : i32 to index
    %swap3A_433 = arith.constant 80 : index
    %swap3A_434 = tpu.vector_load %arg10[%swap3A_432, %swap3A_433] {strides = array<i32>} : memref<16x128xf32, #tpu.memory_space<vmem>>, vector<16xf32>,
    tpu.vector_store %arg10[%swap3A_432, %swap3A_433], %broadcast_in_dim3A_90 {strides = array<i32>} : memref<16x128xf32, #tpu.memory_space<vmem>>, vector<16xf32>,
    %swap3A_435 = arith.constant 10 : i32
    %swap3A_436 = arith.index_cast %swap3A_435 : i32 to index
    %swap3A_437 = arith.constant 96 : index
    %swap3A_438 = tpu.vector_load %arg10[%swap3A_436, %swap3A_437] {strides = array<i32>} : memref<16x128xf32, #tpu.memory_space<vmem>>, vector<16xf32>,
    tpu.vector_store %arg10[%swap3A_436, %swap3A_437], %broadcast_in_dim3A_90 {strides = array<i32>} : memref<16x128xf32, #tpu.memory_space<vmem>>, vector<16xf32>,
    %swap3A_439 = arith.constant 10 : i32
    %swap3A_440 = arith.index_cast %swap3A_439 : i32 to index
    %swap3A_441 = arith.constant 112 : index
    %swap3A_442 = tpu.vector_load %arg10[%swap3A_440, %swap3A_441] {strides = array<i32>} : memref<16x128xf32, #tpu.memory_space<vmem>>, vector<16xf32>,
    tpu.vector_store %arg10[%swap3A_440, %swap3A_441], %broadcast_in_dim3A_90 {strides = array<i32>} : memref<16x128xf32, #tpu.memory_space<vmem>>, vector<16xf32>,
    %swap3A_443 = arith.constant 11 : i32
    %swap3A_444 = arith.index_cast %swap3A_443 : i32 to index
    %swap3A_445 = arith.constant 0 : index
    %swap3A_446 = tpu.vector_load %arg10[%swap3A_444, %swap3A_445] {strides = array<i32>} : memref<16x128xf32, #tpu.memory_space<vmem>>, vector<16xf32>,
    tpu.vector_store %arg10[%swap3A_444, %swap3A_445], %broadcast_in_dim3A_90 {strides = array<i32>} : memref<16x128xf32, #tpu.memory_space<vmem>>, vector<16xf32>,
    %swap3A_447 = arith.constant 11 : i32
    %swap3A_448 = arith.index_cast %swap3A_447 : i32 to index
    %swap3A_449 = arith.constant 16 : index
    %swap3A_450 = tpu.vector_load %arg10[%swap3A_448, %swap3A_449] {strides = array<i32>} : memref<16x128xf32, #tpu.memory_space<vmem>>, vector<16xf32>,
    tpu.vector_store %arg10[%swap3A_448, %swap3A_449], %broadcast_in_dim3A_90 {strides = array<i32>} : memref<16x128xf32, #tpu.memory_space<vmem>>, vector<16xf32>,
    %swap3A_451 = arith.constant 11 : i32
    %swap3A_452 = arith.index_cast %swap3A_451 : i32 to index
    %swap3A_453 = arith.constant 32 : index
    %swap3A_454 = tpu.vector_load %arg10[%swap3A_452, %swap3A_453] {strides = array<i32>} : memref<16x128xf32, #tpu.memory_space<vmem>>, vector<16xf32>,
    tpu.vector_store %arg10[%swap3A_452, %swap3A_453], %broadcast_in_dim3A_90 {strides = array<i32>} : memref<16x128xf32, #tpu.memory_space<vmem>>, vector<16xf32>,
    %swap3A_455 = arith.constant 11 : i32
    %swap3A_456 = arith.index_cast %swap3A_455 : i32 to index
    %swap3A_457 = arith.constant 48 : index
    %swap3A_458 = tpu.vector_load %arg10[%swap3A_456, %swap3A_457] {strides = array<i32>} : memref<16x128xf32, #tpu.memory_space<vmem>>, vector<16xf32>,
    tpu.vector_store %arg10[%swap3A_456, %swap3A_457], %broadcast_in_dim3A_90 {strides = array<i32>} : memref<16x128xf32, #tpu.memory_space<vmem>>, vector<16xf32>,
    %swap3A_459 = arith.constant 11 : i32
    %swap3A_460 = arith.index_cast %swap3A_459 : i32 to index
    %swap3A_461 = arith.constant 64 : index
    %swap3A_462 = tpu.vector_load %arg10[%swap3A_460, %swap3A_461] {strides = array<i32>} : memref<16x128xf32, #tpu.memory_space<vmem>>, vector<16xf32>,
    tpu.vector_store %arg10[%swap3A_460, %swap3A_461], %broadcast_in_dim3A_90 {strides = array<i32>} : memref<16x128xf32, #tpu.memory_space<vmem>>, vector<16xf32>,
    %swap3A_463 = arith.constant 11 : i32
    %swap3A_464 = arith.index_cast %swap3A_463 : i32 to index
    %swap3A_465 = arith.constant 80 : index
    %swap3A_466 = tpu.vector_load %arg10[%swap3A_464, %swap3A_465] {strides = array<i32>} : memref<16x128xf32, #tpu.memory_space<vmem>>, vector<16xf32>,
    tpu.vector_store %arg10[%swap3A_464, %swap3A_465], %broadcast_in_dim3A_90 {strides = array<i32>} : memref<16x128xf32, #tpu.memory_space<vmem>>, vector<16xf32>,
    %swap3A_467 = arith.constant 11 : i32
    %swap3A_468 = arith.index_cast %swap3A_467 : i32 to index
    %swap3A_469 = arith.constant 96 : index
    %swap3A_470 = tpu.vector_load %arg10[%swap3A_468, %swap3A_469] {strides = array<i32>} : memref<16x128xf32, #tpu.memory_space<vmem>>, vector<16xf32>,
    tpu.vector_store %arg10[%swap3A_468, %swap3A_469], %broadcast_in_dim3A_90 {strides = array<i32>} : memref<16x128xf32, #tpu.memory_space<vmem>>, vector<16xf32>,
    %swap3A_471 = arith.constant 11 : i32
    %swap3A_472 = arith.index_cast %swap3A_471 : i32 to index
    %swap3A_473 = arith.constant 112 : index
    %swap3A_474 = tpu.vector_load %arg10[%swap3A_472, %swap3A_473] {strides = array<i32>} : memref<16x128xf32, #tpu.memory_space<vmem>>, vector<16xf32>,
    tpu.vector_store %arg10[%swap3A_472, %swap3A_473], %broadcast_in_dim3A_90 {strides = array<i32>} : memref<16x128xf32, #tpu.memory_space<vmem>>, vector<16xf32>,
    %swap3A_475 = arith.constant 12 : i32
    %swap3A_476 = arith.index_cast %swap3A_475 : i32 to index
    %swap3A_477 = arith.constant 0 : index
    %swap3A_478 = tpu.vector_load %arg10[%swap3A_476, %swap3A_477] {strides = array<i32>} : memref<16x128xf32, #tpu.memory_space<vmem>>, vector<16xf32>,
    tpu.vector_store %arg10[%swap3A_476, %swap3A_477], %broadcast_in_dim3A_90 {strides = array<i32>} : memref<16x128xf32, #tpu.memory_space<vmem>>, vector<16xf32>,
    %swap3A_479 = arith.constant 12 : i32
    %swap3A_480 = arith.index_cast %swap3A_479 : i32 to index
    %swap3A_481 = arith.constant 16 : index
    %swap3A_482 = tpu.vector_load %arg10[%swap3A_480, %swap3A_481] {strides = array<i32>} : memref<16x128xf32, #tpu.memory_space<vmem>>, vector<16xf32>,
    tpu.vector_store %arg10[%swap3A_480, %swap3A_481], %broadcast_in_dim3A_90 {strides = array<i32>} : memref<16x128xf32, #tpu.memory_space<vmem>>, vector<16xf32>,
    %swap3A_483 = arith.constant 12 : i32
    %swap3A_484 = arith.index_cast %swap3A_483 : i32 to index
    %swap3A_485 = arith.constant 32 : index
    %swap3A_486 = tpu.vector_load %arg10[%swap3A_484, %swap3A_485] {strides = array<i32>} : memref<16x128xf32, #tpu.memory_space<vmem>>, vector<16xf32>,
    tpu.vector_store %arg10[%swap3A_484, %swap3A_485], %broadcast_in_dim3A_90 {strides = array<i32>} : memref<16x128xf32, #tpu.memory_space<vmem>>, vector<16xf32>,
    %swap3A_487 = arith.constant 12 : i32
    %swap3A_488 = arith.index_cast %swap3A_487 : i32 to index
    %swap3A_489 = arith.constant 48 : index
    %swap3A_490 = tpu.vector_load %arg10[%swap3A_488, %swap3A_489] {strides = array<i32>} : memref<16x128xf32, #tpu.memory_space<vmem>>, vector<16xf32>,
    tpu.vector_store %arg10[%swap3A_488, %swap3A_489], %broadcast_in_dim3A_90 {strides = array<i32>} : memref<16x128xf32, #tpu.memory_space<vmem>>, vector<16xf32>,
    %swap3A_491 = arith.constant 12 : i32
    %swap3A_492 = arith.index_cast %swap3A_491 : i32 to index
    %swap3A_493 = arith.constant 64 : index
    %swap3A_494 = tpu.vector_load %arg10[%swap3A_492, %swap3A_493] {strides = array<i32>} : memref<16x128xf32, #tpu.memory_space<vmem>>, vector<16xf32>,
    tpu.vector_store %arg10[%swap3A_492, %swap3A_493], %broadcast_in_dim3A_90 {strides = array<i32>} : memref<16x128xf32, #tpu.memory_space<vmem>>, vector<16xf32>,
    %swap3A_495 = arith.constant 12 : i32
    %swap3A_496 = arith.index_cast %swap3A_495 : i32 to index
    %swap3A_497 = arith.constant 80 : index
    %swap3A_498 = tpu.vector_load %arg10[%swap3A_496, %swap3A_497] {strides = array<i32>} : memref<16x128xf32, #tpu.memory_space<vmem>>, vector<16xf32>,
    tpu.vector_store %arg10[%swap3A_496, %swap3A_497], %broadcast_in_dim3A_90 {strides = array<i32>} : memref<16x128xf32, #tpu.memory_space<vmem>>, vector<16xf32>,
    %swap3A_499 = arith.constant 12 : i32
    %swap3A_500 = arith.index_cast %swap3A_499 : i32 to index
    %swap3A_501 = arith.constant 96 : index
    %swap3A_502 = tpu.vector_load %arg10[%swap3A_500, %swap3A_501] {strides = array<i32>} : memref<16x128xf32, #tpu.memory_space<vmem>>, vector<16xf32>,
    tpu.vector_store %arg10[%swap3A_500, %swap3A_501], %broadcast_in_dim3A_90 {strides = array<i32>} : memref<16x128xf32, #tpu.memory_space<vmem>>, vector<16xf32>,
    %swap3A_503 = arith.constant 12 : i32
    %swap3A_504 = arith.index_cast %swap3A_503 : i32 to index
    %swap3A_505 = arith.constant 112 : index
    %swap3A_506 = tpu.vector_load %arg10[%swap3A_504, %swap3A_505] {strides = array<i32>} : memref<16x128xf32, #tpu.memory_space<vmem>>, vector<16xf32>,
    tpu.vector_store %arg10[%swap3A_504, %swap3A_505], %broadcast_in_dim3A_90 {strides = array<i32>} : memref<16x128xf32, #tpu.memory_space<vmem>>, vector<16xf32>,
    %swap3A_507 = arith.constant 13 : i32
    %swap3A_508 = arith.index_cast %swap3A_507 : i32 to index
    %swap3A_509 = arith.constant 0 : index
    %swap3A_510 = tpu.vector_load %arg10[%swap3A_508, %swap3A_509] {strides = array<i32>} : memref<16x128xf32, #tpu.memory_space<vmem>>, vector<16xf32>,
    tpu.vector_store %arg10[%swap3A_508, %swap3A_509], %broadcast_in_dim3A_90 {strides = array<i32>} : memref<16x128xf32, #tpu.memory_space<vmem>>, vector<16xf32>,
    %swap3A_511 = arith.constant 13 : i32
    %swap3A_512 = arith.index_cast %swap3A_511 : i32 to index
    %swap3A_513 = arith.constant 16 : index
    %swap3A_514 = tpu.vector_load %arg10[%swap3A_512, %swap3A_513] {strides = array<i32>} : memref<16x128xf32, #tpu.memory_space<vmem>>, vector<16xf32>,
    tpu.vector_store %arg10[%swap3A_512, %swap3A_513], %broadcast_in_dim3A_90 {strides = array<i32>} : memref<16x128xf32, #tpu.memory_space<vmem>>, vector<16xf32>,
    %swap3A_515 = arith.constant 13 : i32
    %swap3A_516 = arith.index_cast %swap3A_515 : i32 to index
    %swap3A_517 = arith.constant 32 : index
    %swap3A_518 = tpu.vector_load %arg10[%swap3A_516, %swap3A_517] {strides = array<i32>} : memref<16x128xf32, #tpu.memory_space<vmem>>, vector<16xf32>,
    tpu.vector_store %arg10[%swap3A_516, %swap3A_517], %broadcast_in_dim3A_90 {strides = array<i32>} : memref<16x128xf32, #tpu.memory_space<vmem>>, vector<16xf32>,
    %swap3A_519 = arith.constant 13 : i32
    %swap3A_520 = arith.index_cast %swap3A_519 : i32 to index
    %swap3A_521 = arith.constant 48 : index
    %swap3A_522 = tpu.vector_load %arg10[%swap3A_520, %swap3A_521] {strides = array<i32>} : memref<16x128xf32, #tpu.memory_space<vmem>>, vector<16xf32>,
    tpu.vector_store %arg10[%swap3A_520, %swap3A_521], %broadcast_in_dim3A_90 {strides = array<i32>} : memref<16x128xf32, #tpu.memory_space<vmem>>, vector<16xf32>,
    %swap3A_523 = arith.constant 13 : i32
    %swap3A_524 = arith.index_cast %swap3A_523 : i32 to index
    %swap3A_525 = arith.constant 64 : index
    %swap3A_526 = tpu.vector_load %arg10[%swap3A_524, %swap3A_525] {strides = array<i32>} : memref<16x128xf32, #tpu.memory_space<vmem>>, vector<16xf32>,
    tpu.vector_store %arg10[%swap3A_524, %swap3A_525], %broadcast_in_dim3A_90 {strides = array<i32>} : memref<16x128xf32, #tpu.memory_space<vmem>>, vector<16xf32>,
    %swap3A_527 = arith.constant 13 : i32
    %swap3A_528 = arith.index_cast %swap3A_527 : i32 to index
    %swap3A_529 = arith.constant 80 : index
    %swap3A_530 = tpu.vector_load %arg10[%swap3A_528, %swap3A_529] {strides = array<i32>} : memref<16x128xf32, #tpu.memory_space<vmem>>, vector<16xf32>,
    tpu.vector_store %arg10[%swap3A_528, %swap3A_529], %broadcast_in_dim3A_90 {strides = array<i32>} : memref<16x128xf32, #tpu.memory_space<vmem>>, vector<16xf32>,
    %swap3A_531 = arith.constant 13 : i32
    %swap3A_532 = arith.index_cast %swap3A_531 : i32 to index
    %swap3A_533 = arith.constant 96 : index
    %swap3A_534 = tpu.vector_load %arg10[%swap3A_532, %swap3A_533] {strides = array<i32>} : memref<16x128xf32, #tpu.memory_space<vmem>>, vector<16xf32>,
    tpu.vector_store %arg10[%swap3A_532, %swap3A_533], %broadcast_in_dim3A_90 {strides = array<i32>} : memref<16x128xf32, #tpu.memory_space<vmem>>, vector<16xf32>,
    %swap3A_535 = arith.constant 13 : i32
    %swap3A_536 = arith.index_cast %swap3A_535 : i32 to index
    %swap3A_537 = arith.constant 112 : index
    %swap3A_538 = tpu.vector_load %arg10[%swap3A_536, %swap3A_537] {strides = array<i32>} : memref<16x128xf32, #tpu.memory_space<vmem>>, vector<16xf32>,
    tpu.vector_store %arg10[%swap3A_536, %swap3A_537], %broadcast_in_dim3A_90 {strides = array<i32>} : memref<16x128xf32, #tpu.memory_space<vmem>>, vector<16xf32>,
    %swap3A_539 = arith.constant 14 : i32
    %swap3A_540 = arith.index_cast %swap3A_539 : i32 to index
    %swap3A_541 = arith.constant 0 : index
    %swap3A_542 = tpu.vector_load %arg10[%swap3A_540, %swap3A_541] {strides = array<i32>} : memref<16x128xf32, #tpu.memory_space<vmem>>, vector<16xf32>,
    tpu.vector_store %arg10[%swap3A_540, %swap3A_541], %broadcast_in_dim3A_90 {strides = array<i32>} : memref<16x128xf32, #tpu.memory_space<vmem>>, vector<16xf32>,
    %swap3A_543 = arith.constant 14 : i32
    %swap3A_544 = arith.index_cast %swap3A_543 : i32 to index
    %swap3A_545 = arith.constant 16 : index
    %swap3A_546 = tpu.vector_load %arg10[%swap3A_544, %swap3A_545] {strides = array<i32>} : memref<16x128xf32, #tpu.memory_space<vmem>>, vector<16xf32>,
    tpu.vector_store %arg10[%swap3A_544, %swap3A_545], %broadcast_in_dim3A_90 {strides = array<i32>} : memref<16x128xf32, #tpu.memory_space<vmem>>, vector<16xf32>,
    %swap3A_547 = arith.constant 14 : i32
    %swap3A_548 = arith.index_cast %swap3A_547 : i32 to index
    %swap3A_549 = arith.constant 32 : index
    %swap3A_550 = tpu.vector_load %arg10[%swap3A_548, %swap3A_549] {strides = array<i32>} : memref<16x128xf32, #tpu.memory_space<vmem>>, vector<16xf32>,
    tpu.vector_store %arg10[%swap3A_548, %swap3A_549], %broadcast_in_dim3A_90 {strides = array<i32>} : memref<16x128xf32, #tpu.memory_space<vmem>>, vector<16xf32>,
    %swap3A_551 = arith.constant 14 : i32
    %swap3A_552 = arith.index_cast %swap3A_551 : i32 to index
    %swap3A_553 = arith.constant 48 : index
    %swap3A_554 = tpu.vector_load %arg10[%swap3A_552, %swap3A_553] {strides = array<i32>} : memref<16x128xf32, #tpu.memory_space<vmem>>, vector<16xf32>,
    tpu.vector_store %arg10[%swap3A_552, %swap3A_553], %broadcast_in_dim3A_90 {strides = array<i32>} : memref<16x128xf32, #tpu.memory_space<vmem>>, vector<16xf32>,
    %swap3A_555 = arith.constant 14 : i32
    %swap3A_556 = arith.index_cast %swap3A_555 : i32 to index
    %swap3A_557 = arith.constant 64 : index
    %swap3A_558 = tpu.vector_load %arg10[%swap3A_556, %swap3A_557] {strides = array<i32>} : memref<16x128xf32, #tpu.memory_space<vmem>>, vector<16xf32>,
    tpu.vector_store %arg10[%swap3A_556, %swap3A_557], %broadcast_in_dim3A_90 {strides = array<i32>} : memref<16x128xf32, #tpu.memory_space<vmem>>, vector<16xf32>,
    %swap3A_559 = arith.constant 14 : i32
    %swap3A_560 = arith.index_cast %swap3A_559 : i32 to index
    %swap3A_561 = arith.constant 80 : index
    %swap3A_562 = tpu.vector_load %arg10[%swap3A_560, %swap3A_561] {strides = array<i32>} : memref<16x128xf32, #tpu.memory_space<vmem>>, vector<16xf32>,
    tpu.vector_store %arg10[%swap3A_560, %swap3A_561], %broadcast_in_dim3A_90 {strides = array<i32>} : memref<16x128xf32, #tpu.memory_space<vmem>>, vector<16xf32>,
    %swap3A_563 = arith.constant 14 : i32
    %swap3A_564 = arith.index_cast %swap3A_563 : i32 to index
    %swap3A_565 = arith.constant 96 : index
    %swap3A_566 = tpu.vector_load %arg10[%swap3A_564, %swap3A_565] {strides = array<i32>} : memref<16x128xf32, #tpu.memory_space<vmem>>, vector<16xf32>,
    tpu.vector_store %arg10[%swap3A_564, %swap3A_565], %broadcast_in_dim3A_90 {strides = array<i32>} : memref<16x128xf32, #tpu.memory_space<vmem>>, vector<16xf32>,
    %swap3A_567 = arith.constant 14 : i32
    %swap3A_568 = arith.index_cast %swap3A_567 : i32 to index
    %swap3A_569 = arith.constant 112 : index
    %swap3A_570 = tpu.vector_load %arg10[%swap3A_568, %swap3A_569] {strides = array<i32>} : memref<16x128xf32, #tpu.memory_space<vmem>>, vector<16xf32>,
    tpu.vector_store %arg10[%swap3A_568, %swap3A_569], %broadcast_in_dim3A_90 {strides = array<i32>} : memref<16x128xf32, #tpu.memory_space<vmem>>, vector<16xf32>,
    %swap3A_571 = arith.constant 15 : i32
    %swap3A_572 = arith.index_cast %swap3A_571 : i32 to index
    %swap3A_573 = arith.constant 0 : index
    %swap3A_574 = tpu.vector_load %arg10[%swap3A_572, %swap3A_573] {strides = array<i32>} : memref<16x128xf32, #tpu.memory_space<vmem>>, vector<16xf32>,
    tpu.vector_store %arg10[%swap3A_572, %swap3A_573], %broadcast_in_dim3A_90 {strides = array<i32>} : memref<16x128xf32, #tpu.memory_space<vmem>>, vector<16xf32>,
    %swap3A_575 = arith.constant 15 : i32
    %swap3A_576 = arith.index_cast %swap3A_575 : i32 to index
    %swap3A_577 = arith.constant 16 : index
    %swap3A_578 = tpu.vector_load %arg10[%swap3A_576, %swap3A_577] {strides = array<i32>} : memref<16x128xf32, #tpu.memory_space<vmem>>, vector<16xf32>,
    tpu.vector_store %arg10[%swap3A_576, %swap3A_577], %broadcast_in_dim3A_90 {strides = array<i32>} : memref<16x128xf32, #tpu.memory_space<vmem>>, vector<16xf32>,
    %swap3A_579 = arith.constant 15 : i32
    %swap3A_580 = arith.index_cast %swap3A_579 : i32 to index
    %swap3A_581 = arith.constant 32 : index
    %swap3A_582 = tpu.vector_load %arg10[%swap3A_580, %swap3A_581] {strides = array<i32>} : memref<16x128xf32, #tpu.memory_space<vmem>>, vector<16xf32>,
    tpu.vector_store %arg10[%swap3A_580, %swap3A_581], %broadcast_in_dim3A_90 {strides = array<i32>} : memref<16x128xf32, #tpu.memory_space<vmem>>, vector<16xf32>,
    %swap3A_583 = arith.constant 15 : i32
    %swap3A_584 = arith.index_cast %swap3A_583 : i32 to index
    %swap3A_585 = arith.constant 48 : index
    %swap3A_586 = tpu.vector_load %arg10[%swap3A_584, %swap3A_585] {strides = array<i32>} : memref<16x128xf32, #tpu.memory_space<vmem>>, vector<16xf32>,
    tpu.vector_store %arg10[%swap3A_584, %swap3A_585], %broadcast_in_dim3A_90 {strides = array<i32>} : memref<16x128xf32, #tpu.memory_space<vmem>>, vector<16xf32>,
    %swap3A_587 = arith.constant 15 : i32
    %swap3A_588 = arith.index_cast %swap3A_587 : i32 to index
    %swap3A_589 = arith.constant 64 : index
    %swap3A_590 = tpu.vector_load %arg10[%swap3A_588, %swap3A_589] {strides = array<i32>} : memref<16x128xf32, #tpu.memory_space<vmem>>, vector<16xf32>,
    tpu.vector_store %arg10[%swap3A_588, %swap3A_589], %broadcast_in_dim3A_90 {strides = array<i32>} : memref<16x128xf32, #tpu.memory_space<vmem>>, vector<16xf32>,
    %swap3A_591 = arith.constant 15 : i32
    %swap3A_592 = arith.index_cast %swap3A_591 : i32 to index
    %swap3A_593 = arith.constant 80 : index
    %swap3A_594 = tpu.vector_load %arg10[%swap3A_592, %swap3A_593] {strides = array<i32>} : memref<16x128xf32, #tpu.memory_space<vmem>>, vector<16xf32>,
    tpu.vector_store %arg10[%swap3A_592, %swap3A_593], %broadcast_in_dim3A_90 {strides = array<i32>} : memref<16x128xf32, #tpu.memory_space<vmem>>, vector<16xf32>,
    %swap3A_595 = arith.constant 15 : i32
    %swap3A_596 = arith.index_cast %swap3A_595 : i32 to index
    %swap3A_597 = arith.constant 96 : index
    %swap3A_598 = tpu.vector_load %arg10[%swap3A_596, %swap3A_597] {strides = array<i32>} : memref<16x128xf32, #tpu.memory_space<vmem>>, vector<16xf32>,
    tpu.vector_store %arg10[%swap3A_596, %swap3A_597], %broadcast_in_dim3A_90 {strides = array<i32>} : memref<16x128xf32, #tpu.memory_space<vmem>>, vector<16xf32>,
    %swap3A_599 = arith.constant 15 : i32
    %swap3A_600 = arith.index_cast %swap3A_599 : i32 to index
    %swap3A_601 = arith.constant 112 : index
    %swap3A_602 = tpu.vector_load %arg10[%swap3A_600, %swap3A_601] {strides = array<i32>} : memref<16x128xf32, #tpu.memory_space<vmem>>, vector<16xf32>,
    tpu.vector_store %arg10[%swap3A_600, %swap3A_601], %broadcast_in_dim3A_90 {strides = array<i32>} : memref<16x128xf32, #tpu.memory_space<vmem>>, vector<16xf32>,
    %eq3A_603 = arith.constant 0 : i32
    %eq3A_604 = arith.cmpi eq, %arg1, %eq3A_603 : i32
    %convert_element_type3A_605 = arith.extui %eq3A_604 : i1 to i32
    %cond3A_606 = arith.constant 0 : i32
    %cond3A_607 = arith.cmpi ne, %convert_element_type3A_605, %cond3A_606 : i32
    scf.if %cond3A_607 {
      "tpu.region"() ({
        %run_scoped3A = tpu.sem_alloc : memref<!tpu.dma_semaphore, #tpu.memory_space<semaphore_mem>>
        tpu.enqueue_dma source(%arg10 : memref<16x128xf32, #tpu.memory_space<vmem>>) target(%arg12 : memref<16x128xf32, #tpu.memory_space<vmem_shared>>) target_semaphore(%run_scoped3A : memref<!tpu.dma_semaphore, #tpu.memory_space<semaphore_mem>>)
        tpu.wait_dma2 semaphore(%run_scoped3A : memref<!tpu.dma_semaphore, #tpu.memory_space<semaphore_mem>>) src(%arg10 : memref<16x128xf32, #tpu.memory_space<vmem>>) dst(%arg12 : memref<16x128xf32, #tpu.memory_space<vmem_shared>>)
        tpu.yield
      }) : () -> ()
    } else {
    }
    %barrier3A = arith.constant 0 : index
    tpu.barrier barrier_id(%barrier3A)
    %while3A = arith.constant 0 : i32
    %while3A_608 = arith.subi %select_n3A_76, %while3A : i32
    %while3A_609 = arith.addi %while3A, %while3A_608 : i32
    %while3A_610 = arith.constant 1 : i32
    %while3A_611 = arith.divsi %while3A_608, %while3A_610 : i32
    %while3A_612 = arith.muli %while3A_611, %while3A_610 : i32
    %while3A_613 = arith.addi %while3A, %while3A_612 : i32
    %while3A_614 = arith.constant 1 : i32
    %while3A_615 = scf.for %while3A_623 = %while3A to %while3A_613 step %while3A_614 iter_args(%while3A_624 = %mul3A_5) -> (i32)  : i32 {
      %jit3A_625 = arith.constant 3 : i32
      %eq3A_626 = arith.constant 0 : i32
      %eq3A_627 = arith.cmpi eq, %jit3A_625, %eq3A_626 : i32
      %jit3A_628 = arith.constant 1 : i32
      %select_n3A_629 = arith.select %eq3A_627, %jit3A_628, %jit3A_625 : i32
      %rem3A_630 = arith.remsi %while3A_623, %select_n3A_629 : i32
      %ne3A_631 = arith.constant 0 : i32
      %ne3A_632 = arith.cmpi ne, %rem3A_630, %ne3A_631 : i32
      %lt3A_633 = arith.constant 0 : i32
      %lt3A_634 = arith.cmpi slt, %rem3A_630, %lt3A_633 : i32
      %lt3A_635 = arith.constant 0 : i32
      %lt3A_636 = arith.cmpi slt, %select_n3A_629, %lt3A_635 : i32
      %ne3A_637 = arith.xori %lt3A_634, %lt3A_636 : i1
      %and3A_638 = arith.andi %ne3A_637, %ne3A_632 : i1
      %add3A_639 = arith.addi %rem3A_630, %select_n3A_629 : i32
      %select_n3A_640 = arith.select %and3A_638, %add3A_639, %rem3A_630 : i32
      %eq3A_641 = arith.constant 0 : i32
      %eq3A_642 = arith.cmpi eq, %select_n3A_640, %eq3A_641 : i32
      %convert_element_type3A_643 = arith.extui %eq3A_642 : i1 to i32
      %cond3A_644 = arith.constant 0 : i32
      %cond3A_645 = arith.cmpi ne, %convert_element_type3A_643, %cond3A_644 : i32
      %cond3A_646 = scf.if %cond3A_645 -> (i32) {
        %mul3A_647 = arith.constant 248 : i32
        %mul3A_648 = arith.muli %while3A_623, %mul3A_647 : i32
        %add3A_649 = arith.addi %add3A_45, %mul3A_648 : i32
        %jit3A_650 = arith.constant 8 : i32
        %div3A_651 = arith.divsi %add3A_649, %jit3A_650 : i32
        %sign3A_652 = arith.constant 0 : i32
        %sign3A_653 = arith.cmpi sgt, %add3A_649, %sign3A_652 : i32
        %sign3A_654 = arith.extui %sign3A_653 : i1 to i32
        %sign3A_655 = arith.constant 0 : i32
        %sign3A_656 = arith.cmpi slt, %add3A_649, %sign3A_655 : i32
        %sign3A_657 = arith.extui %sign3A_656 : i1 to i32
        %sign3A_658 = arith.subi %sign3A_654, %sign3A_657 : i32
        %sign3A_659 = arith.constant 0 : i32
        %sign3A_660 = arith.cmpi sgt, %jit3A_650, %sign3A_659 : i32
        %sign3A_661 = arith.extui %sign3A_660 : i1 to i32
        %sign3A_662 = arith.constant 0 : i32
        %sign3A_663 = arith.cmpi slt, %jit3A_650, %sign3A_662 : i32
        %sign3A_664 = arith.extui %sign3A_663 : i1 to i32
        %sign3A_665 = arith.subi %sign3A_661, %sign3A_664 : i32
        %ne3A_666 = arith.cmpi ne, %sign3A_658, %sign3A_665 : i32
        %rem3A_667 = arith.remsi %add3A_649, %jit3A_650 : i32
        %ne3A_668 = arith.constant 0 : i32
        %ne3A_669 = arith.cmpi ne, %rem3A_667, %ne3A_668 : i32
        %and3A_670 = arith.andi %ne3A_666, %ne3A_669 : i1
        %sub3A_671 = arith.constant 1 : i32
        %sub3A_672 = arith.subi %div3A_651, %sub3A_671 : i32
        %select_n3A_673 = arith.select %and3A_670, %sub3A_672, %div3A_651 : i32
        %mul3A_674 = arith.constant 8 : i32
        %mul3A_675 = arith.muli %select_n3A_673, %mul3A_674 : i32
        %min3A_676 = arith.constant 32512 : i32
        %min3A_677 = arith.minsi %mul3A_675, %min3A_676 : i32
        %sub3A_678 = arith.subi %add3A_649, %min3A_677 : i32
        %add3A_679 = arith.constant 248 : i32
        %add3A_680 = arith.addi %add3A_649, %add3A_679 : i32
        %min3A_681 = arith.minsi %add3A_680, %min3A : i32
        %dma_wait3A = arith.constant 0 : i32
        %dma_wait3A_682 = tpu.memref_slice %arg2[%min3A_677, %dma_wait3A] : memref<32768x128xf32, #tpu.memory_space<hbm>> -> memref<256x128xf32, #tpu.memory_space<hbm>>
        %dma_wait3A_683 = arith.constant 0 : i32
        %dma_wait3A_684 = tpu.memref_slice %arg2[%min3A_677, %dma_wait3A_683] : memref<32768x128xf32, #tpu.memory_space<hbm>> -> memref<256x128xf32, #tpu.memory_space<hbm>>
        tpu.wait_dma2 semaphore(%arg13 : memref<!tpu.dma_semaphore, #tpu.memory_space<semaphore_mem>>) src(%dma_wait3A_684 : memref<256x128xf32, #tpu.memory_space<hbm>>) dst(%arg7 : memref<256x128xf32, #tpu.memory_space<vmem>>)
        %add3A_685 = arith.constant 3 : i32
        %add3A_686 = arith.addi %while3A_623, %add3A_685 : i32
        %lt3A_687 = arith.cmpi slt, %add3A_686, %select_n3A_76 : i32
        %convert_element_type3A_688 = arith.extui %lt3A_687 : i1 to i32
        %cond3A_689 = arith.constant 0 : i32
        %cond3A_690 = arith.cmpi ne, %convert_element_type3A_688, %cond3A_689 : i32
        scf.if %cond3A_690 {
          %add3A_692 = arith.constant 3 : i32
          %add3A_693 = arith.addi %while3A_623, %add3A_692 : i32
          %mul3A_694 = arith.constant 248 : i32
          %mul3A_695 = arith.muli %add3A_693, %mul3A_694 : i32
          %add3A_696 = arith.addi %add3A_45, %mul3A_695 : i32
          %jit3A_697 = arith.constant 8 : i32
          %div3A_698 = arith.divsi %add3A_696, %jit3A_697 : i32
          %sign3A_699 = arith.constant 0 : i32
          %sign3A_700 = arith.cmpi sgt, %add3A_696, %sign3A_699 : i32
          %sign3A_701 = arith.extui %sign3A_700 : i1 to i32
          %sign3A_702 = arith.constant 0 : i32
          %sign3A_703 = arith.cmpi slt, %add3A_696, %sign3A_702 : i32
          %sign3A_704 = arith.extui %sign3A_703 : i1 to i32
          %sign3A_705 = arith.subi %sign3A_701, %sign3A_704 : i32
          %sign3A_706 = arith.constant 0 : i32
          %sign3A_707 = arith.cmpi sgt, %jit3A_697, %sign3A_706 : i32
          %sign3A_708 = arith.extui %sign3A_707 : i1 to i32
          %sign3A_709 = arith.constant 0 : i32
          %sign3A_710 = arith.cmpi slt, %jit3A_697, %sign3A_709 : i32
          %sign3A_711 = arith.extui %sign3A_710 : i1 to i32
          %sign3A_712 = arith.subi %sign3A_708, %sign3A_711 : i32
          %ne3A_713 = arith.cmpi ne, %sign3A_705, %sign3A_712 : i32
          %rem3A_714 = arith.remsi %add3A_696, %jit3A_697 : i32
          %ne3A_715 = arith.constant 0 : i32
          %ne3A_716 = arith.cmpi ne, %rem3A_714, %ne3A_715 : i32
          %and3A_717 = arith.andi %ne3A_713, %ne3A_716 : i1
          %sub3A_718 = arith.constant 1 : i32
          %sub3A_719 = arith.subi %div3A_698, %sub3A_718 : i32
          %select_n3A_720 = arith.select %and3A_717, %sub3A_719, %div3A_698 : i32
          %mul3A_721 = arith.constant 8 : i32
          %mul3A_722 = arith.muli %select_n3A_720, %mul3A_721 : i32
          %min3A_723 = arith.constant 32512 : i32
          %min3A_724 = arith.minsi %mul3A_722, %min3A_723 : i32
          %dma_start3A = arith.constant 0 : i32
          %dma_start3A_725 = tpu.memref_slice %arg2[%min3A_724, %dma_start3A] : memref<32768x128xf32, #tpu.memory_space<hbm>> -> memref<256x128xf32, #tpu.memory_space<hbm>>
          %dma_start3A_726 = arith.constant 0 : i32
          %dma_start3A_727 = tpu.memref_slice %arg2[%min3A_724, %dma_start3A_726] : memref<32768x128xf32, #tpu.memory_space<hbm>> -> memref<256x128xf32, #tpu.memory_space<hbm>>
          tpu.enqueue_dma source(%dma_start3A_727 : memref<256x128xf32, #tpu.memory_space<hbm>>) target(%arg7 : memref<256x128xf32, #tpu.memory_space<vmem>>) target_semaphore(%arg13 : memref<!tpu.dma_semaphore, #tpu.memory_space<semaphore_mem>>)
        } else {
        }
        %while3A_691:2 = scf.while (%while3A_692 = %add3A_649, %while3A_693 = %while3A_624) : (i32, i32) -> (i32, i32) {
          %lt3A_694 = arith.cmpi slt, %while3A_692, %min3A_681 : i32
          scf.condition(%lt3A_694) %while3A_692, %while3A_693 : i32, i32
        } do {
        ^bb0(%while3A_692: i32, %while3A_693: i32):
          %while3A_694 = scf.while (%while3A_764 = %while3A_693) : (i32) -> i32 {
            %eq3A_765 = vector.broadcast %while3A_764 : i32 to vector<16xi32>
            %eq3A_766 = arith.cmpi eq, %iota3A, %eq3A_765 : vector<16xi32>
            %select_n3A_767 = arith.select %eq3A_766, %masked_cumsum3A, %broadcast_in_dim3A_4 : vector<16xi1>, vector<16xi32>
            %reduce_sum3A_768 = arith.constant true
            %reduce_sum3A_769 = vector.broadcast %reduce_sum3A_768 : i1 to vector<16xi1>
            %reduce_sum3A_770 = tpu.scan <sum>, %select_n3A_767 masked %reduce_sum3A_769 : vector<16xi32>, vector<16xi1> -> vector<16xi32>
            %reduce_sum3A_771 = vector.extract %reduce_sum3A_770[15] : i32 from vector<16xi32>
            %le3A = arith.cmpi sle, %reduce_sum3A_771, %while3A_692 : i32
            scf.condition(%le3A) %while3A_764 : i32
          } do {
          ^bb0(%while3A_764: i32):
            %add3A_765 = arith.constant 1 : i32
            %add3A_766 = arith.addi %while3A_764, %add3A_765 : i32
            scf.yield %add3A_766 : i32
          }
          %eq3A_695 = vector.broadcast %while3A_694 : i32 to vector<16xi32>
          %eq3A_696 = arith.cmpi eq, %iota3A, %eq3A_695 : vector<16xi32>
          %select_n3A_697 = arith.select %eq3A_696, %masked_cumsum3A, %broadcast_in_dim3A_4 : vector<16xi1>, vector<16xi32>
          %reduce_sum3A_698 = arith.constant true
          %reduce_sum3A_699 = vector.broadcast %reduce_sum3A_698 : i1 to vector<16xi1>
          %reduce_sum3A_700 = tpu.scan <sum>, %select_n3A_697 masked %reduce_sum3A_699 : vector<16xi32>, vector<16xi1> -> vector<16xi32>
          %reduce_sum3A_701 = vector.extract %reduce_sum3A_700[15] : i32 from vector<16xi32>
          %min3A_702 = arith.minsi %reduce_sum3A_701, %min3A_681 : i32
          %sub3A_703 = arith.subi %min3A_702, %while3A_692 : i32
          %sub3A_704 = arith.subi %while3A_692, %add3A_649 : i32
          %add3A_705 = arith.addi %sub3A_678, %sub3A_704 : i32
          %parallel_loop3A = arith.constant 0 : i32
          %parallel_loop3A_706 = arith.constant 1 : i32
          %parallel_loop3A_707:8 = scf.for %parallel_loop3A_764 = %parallel_loop3A to %sub3A_703 step %parallel_loop3A_706 iter_args(%parallel_loop3A_765 = %broadcast_in_dim3A_90, %parallel_loop3A_766 = %broadcast_in_dim3A_90, %parallel_loop3A_767 = %broadcast_in_dim3A_90, %parallel_loop3A_768 = %broadcast_in_dim3A_90, %parallel_loop3A_769 = %broadcast_in_dim3A_90, %parallel_loop3A_770 = %broadcast_in_dim3A_90, %parallel_loop3A_771 = %broadcast_in_dim3A_90, %parallel_loop3A_772 = %broadcast_in_dim3A_90) -> (vector<16xf32>, vector<16xf32>, vector<16xf32>, vector<16xf32>, vector<16xf32>, vector<16xf32>, vector<16xf32>, vector<16xf32>)  : i32 {
            %parallel_loop3A_773 = arith.addi %add3A_705, %parallel_loop3A_764 : i32
            %parallel_loop3A_774 = arith.index_cast %parallel_loop3A_773 : i32 to index
            %parallel_loop3A_775 = arith.constant 0 : index
            %parallel_loop3A_776 = tpu.vector_load %arg7[%parallel_loop3A_774, %parallel_loop3A_775] {strides = array<i32>} : memref<256x128xf32, #tpu.memory_space<vmem>>, vector<16xf32>,
            %parallel_loop3A_777 = arith.addf %parallel_loop3A_765, %parallel_loop3A_776 : vector<16xf32>
            %parallel_loop3A_778 = arith.index_cast %parallel_loop3A_773 : i32 to index
            %parallel_loop3A_779 = arith.constant 16 : index
            %parallel_loop3A_780 = tpu.vector_load %arg7[%parallel_loop3A_778, %parallel_loop3A_779] {strides = array<i32>} : memref<256x128xf32, #tpu.memory_space<vmem>>, vector<16xf32>,
            %parallel_loop3A_781 = arith.addf %parallel_loop3A_766, %parallel_loop3A_780 : vector<16xf32>
            %parallel_loop3A_782 = arith.index_cast %parallel_loop3A_773 : i32 to index
            %parallel_loop3A_783 = arith.constant 32 : index
            %parallel_loop3A_784 = tpu.vector_load %arg7[%parallel_loop3A_782, %parallel_loop3A_783] {strides = array<i32>} : memref<256x128xf32, #tpu.memory_space<vmem>>, vector<16xf32>,
            %parallel_loop3A_785 = arith.addf %parallel_loop3A_767, %parallel_loop3A_784 : vector<16xf32>
            %parallel_loop3A_786 = arith.index_cast %parallel_loop3A_773 : i32 to index
            %parallel_loop3A_787 = arith.constant 48 : index
            %parallel_loop3A_788 = tpu.vector_load %arg7[%parallel_loop3A_786, %parallel_loop3A_787] {strides = array<i32>} : memref<256x128xf32, #tpu.memory_space<vmem>>, vector<16xf32>,
            %parallel_loop3A_789 = arith.addf %parallel_loop3A_768, %parallel_loop3A_788 : vector<16xf32>
            %parallel_loop3A_790 = arith.index_cast %parallel_loop3A_773 : i32 to index
            %parallel_loop3A_791 = arith.constant 64 : index
            %parallel_loop3A_792 = tpu.vector_load %arg7[%parallel_loop3A_790, %parallel_loop3A_791] {strides = array<i32>} : memref<256x128xf32, #tpu.memory_space<vmem>>, vector<16xf32>,
            %parallel_loop3A_793 = arith.addf %parallel_loop3A_769, %parallel_loop3A_792 : vector<16xf32>
            %parallel_loop3A_794 = arith.index_cast %parallel_loop3A_773 : i32 to index
            %parallel_loop3A_795 = arith.constant 80 : index
            %parallel_loop3A_796 = tpu.vector_load %arg7[%parallel_loop3A_794, %parallel_loop3A_795] {strides = array<i32>} : memref<256x128xf32, #tpu.memory_space<vmem>>, vector<16xf32>,
            %parallel_loop3A_797 = arith.addf %parallel_loop3A_770, %parallel_loop3A_796 : vector<16xf32>
            %parallel_loop3A_798 = arith.index_cast %parallel_loop3A_773 : i32 to index
            %parallel_loop3A_799 = arith.constant 96 : index
            %parallel_loop3A_800 = tpu.vector_load %arg7[%parallel_loop3A_798, %parallel_loop3A_799] {strides = array<i32>} : memref<256x128xf32, #tpu.memory_space<vmem>>, vector<16xf32>,
            %parallel_loop3A_801 = arith.addf %parallel_loop3A_771, %parallel_loop3A_800 : vector<16xf32>
            %parallel_loop3A_802 = arith.index_cast %parallel_loop3A_773 : i32 to index
            %parallel_loop3A_803 = arith.constant 112 : index
            %parallel_loop3A_804 = tpu.vector_load %arg7[%parallel_loop3A_802, %parallel_loop3A_803] {strides = array<i32>} : memref<256x128xf32, #tpu.memory_space<vmem>>, vector<16xf32>,
            %parallel_loop3A_805 = arith.addf %parallel_loop3A_772, %parallel_loop3A_804 : vector<16xf32>
            scf.yield %parallel_loop3A_777, %parallel_loop3A_781, %parallel_loop3A_785, %parallel_loop3A_789, %parallel_loop3A_793, %parallel_loop3A_797, %parallel_loop3A_801, %parallel_loop3A_805 : vector<16xf32>, vector<16xf32>, vector<16xf32>, vector<16xf32>, vector<16xf32>, vector<16xf32>, vector<16xf32>, vector<16xf32>
          } {sc.loop_unroll_factor = 2 : i64, sc.parallel_access}
          %get3A_708 = arith.index_cast %while3A_694 : i32 to index
          %get3A_709 = arith.constant 0 : index
          %get3A_710 = tpu.vector_load %arg10[%get3A_708, %get3A_709] {strides = array<i32>} : memref<16x128xf32, #tpu.memory_space<vmem>>, vector<16xf32>,
          %add3A_711 = arith.addf %get3A_710, %parallel_loop3A_707#0 : vector<16xf32>
          %swap3A_712 = arith.index_cast %while3A_694 : i32 to index
          %swap3A_713 = arith.constant 0 : index
          %swap3A_714 = tpu.vector_load %arg10[%swap3A_712, %swap3A_713] {strides = array<i32>} : memref<16x128xf32, #tpu.memory_space<vmem>>, vector<16xf32>,
          tpu.vector_store %arg10[%swap3A_712, %swap3A_713], %add3A_711 {strides = array<i32>} : memref<16x128xf32, #tpu.memory_space<vmem>>, vector<16xf32>,
          %get3A_715 = arith.index_cast %while3A_694 : i32 to index
          %get3A_716 = arith.constant 16 : index
          %get3A_717 = tpu.vector_load %arg10[%get3A_715, %get3A_716] {strides = array<i32>} : memref<16x128xf32, #tpu.memory_space<vmem>>, vector<16xf32>,
          %add3A_718 = arith.addf %get3A_717, %parallel_loop3A_707#1 : vector<16xf32>
          %swap3A_719 = arith.index_cast %while3A_694 : i32 to index
          %swap3A_720 = arith.constant 16 : index
          %swap3A_721 = tpu.vector_load %arg10[%swap3A_719, %swap3A_720] {strides = array<i32>} : memref<16x128xf32, #tpu.memory_space<vmem>>, vector<16xf32>,
          tpu.vector_store %arg10[%swap3A_719, %swap3A_720], %add3A_718 {strides = array<i32>} : memref<16x128xf32, #tpu.memory_space<vmem>>, vector<16xf32>,
          %get3A_722 = arith.index_cast %while3A_694 : i32 to index
          %get3A_723 = arith.constant 32 : index
          %get3A_724 = tpu.vector_load %arg10[%get3A_722, %get3A_723] {strides = array<i32>} : memref<16x128xf32, #tpu.memory_space<vmem>>, vector<16xf32>,
          %add3A_725 = arith.addf %get3A_724, %parallel_loop3A_707#2 : vector<16xf32>
          %swap3A_726 = arith.index_cast %while3A_694 : i32 to index
          %swap3A_727 = arith.constant 32 : index
          %swap3A_728 = tpu.vector_load %arg10[%swap3A_726, %swap3A_727] {strides = array<i32>} : memref<16x128xf32, #tpu.memory_space<vmem>>, vector<16xf32>,
          tpu.vector_store %arg10[%swap3A_726, %swap3A_727], %add3A_725 {strides = array<i32>} : memref<16x128xf32, #tpu.memory_space<vmem>>, vector<16xf32>,
          %get3A_729 = arith.index_cast %while3A_694 : i32 to index
          %get3A_730 = arith.constant 48 : index
          %get3A_731 = tpu.vector_load %arg10[%get3A_729, %get3A_730] {strides = array<i32>} : memref<16x128xf32, #tpu.memory_space<vmem>>, vector<16xf32>,
          %add3A_732 = arith.addf %get3A_731, %parallel_loop3A_707#3 : vector<16xf32>
          %swap3A_733 = arith.index_cast %while3A_694 : i32 to index
          %swap3A_734 = arith.constant 48 : index
          %swap3A_735 = tpu.vector_load %arg10[%swap3A_733, %swap3A_734] {strides = array<i32>} : memref<16x128xf32, #tpu.memory_space<vmem>>, vector<16xf32>,
          tpu.vector_store %arg10[%swap3A_733, %swap3A_734], %add3A_732 {strides = array<i32>} : memref<16x128xf32, #tpu.memory_space<vmem>>, vector<16xf32>,
          %get3A_736 = arith.index_cast %while3A_694 : i32 to index
          %get3A_737 = arith.constant 64 : index
          %get3A_738 = tpu.vector_load %arg10[%get3A_736, %get3A_737] {strides = array<i32>} : memref<16x128xf32, #tpu.memory_space<vmem>>, vector<16xf32>,
          %add3A_739 = arith.addf %get3A_738, %parallel_loop3A_707#4 : vector<16xf32>
          %swap3A_740 = arith.index_cast %while3A_694 : i32 to index
          %swap3A_741 = arith.constant 64 : index
          %swap3A_742 = tpu.vector_load %arg10[%swap3A_740, %swap3A_741] {strides = array<i32>} : memref<16x128xf32, #tpu.memory_space<vmem>>, vector<16xf32>,
          tpu.vector_store %arg10[%swap3A_740, %swap3A_741], %add3A_739 {strides = array<i32>} : memref<16x128xf32, #tpu.memory_space<vmem>>, vector<16xf32>,
          %get3A_743 = arith.index_cast %while3A_694 : i32 to index
          %get3A_744 = arith.constant 80 : index
          %get3A_745 = tpu.vector_load %arg10[%get3A_743, %get3A_744] {strides = array<i32>} : memref<16x128xf32, #tpu.memory_space<vmem>>, vector<16xf32>,
          %add3A_746 = arith.addf %get3A_745, %parallel_loop3A_707#5 : vector<16xf32>
          %swap3A_747 = arith.index_cast %while3A_694 : i32 to index
          %swap3A_748 = arith.constant 80 : index
          %swap3A_749 = tpu.vector_load %arg10[%swap3A_747, %swap3A_748] {strides = array<i32>} : memref<16x128xf32, #tpu.memory_space<vmem>>, vector<16xf32>,
          tpu.vector_store %arg10[%swap3A_747, %swap3A_748], %add3A_746 {strides = array<i32>} : memref<16x128xf32, #tpu.memory_space<vmem>>, vector<16xf32>,
          %get3A_750 = arith.index_cast %while3A_694 : i32 to index
          %get3A_751 = arith.constant 96 : index
          %get3A_752 = tpu.vector_load %arg10[%get3A_750, %get3A_751] {strides = array<i32>} : memref<16x128xf32, #tpu.memory_space<vmem>>, vector<16xf32>,
          %add3A_753 = arith.addf %get3A_752, %parallel_loop3A_707#6 : vector<16xf32>
          %swap3A_754 = arith.index_cast %while3A_694 : i32 to index
          %swap3A_755 = arith.constant 96 : index
          %swap3A_756 = tpu.vector_load %arg10[%swap3A_754, %swap3A_755] {strides = array<i32>} : memref<16x128xf32, #tpu.memory_space<vmem>>, vector<16xf32>,
          tpu.vector_store %arg10[%swap3A_754, %swap3A_755], %add3A_753 {strides = array<i32>} : memref<16x128xf32, #tpu.memory_space<vmem>>, vector<16xf32>,
          %get3A_757 = arith.index_cast %while3A_694 : i32 to index
          %get3A_758 = arith.constant 112 : index
          %get3A_759 = tpu.vector_load %arg10[%get3A_757, %get3A_758] {strides = array<i32>} : memref<16x128xf32, #tpu.memory_space<vmem>>, vector<16xf32>,
          %add3A_760 = arith.addf %get3A_759, %parallel_loop3A_707#7 : vector<16xf32>
          %swap3A_761 = arith.index_cast %while3A_694 : i32 to index
          %swap3A_762 = arith.constant 112 : index
          %swap3A_763 = tpu.vector_load %arg10[%swap3A_761, %swap3A_762] {strides = array<i32>} : memref<16x128xf32, #tpu.memory_space<vmem>>, vector<16xf32>,
          tpu.vector_store %arg10[%swap3A_761, %swap3A_762], %add3A_760 {strides = array<i32>} : memref<16x128xf32, #tpu.memory_space<vmem>>, vector<16xf32>,
          scf.yield %min3A_702, %while3A_694 : i32, i32
        }
        scf.yield %while3A_691#1 : i32
      } else {
        %eq3A_647 = arith.constant 1 : i32
        %eq3A_648 = arith.cmpi eq, %select_n3A_640, %eq3A_647 : i32
        %convert_element_type3A_649 = arith.extui %eq3A_648 : i1 to i32
        %cond3A_650 = arith.constant 0 : i32
        %cond3A_651 = arith.cmpi ne, %convert_element_type3A_649, %cond3A_650 : i32
        %cond3A_652 = scf.if %cond3A_651 -> (i32) {
          %mul3A_653 = arith.constant 248 : i32
          %mul3A_654 = arith.muli %while3A_623, %mul3A_653 : i32
          %add3A_655 = arith.addi %add3A_45, %mul3A_654 : i32
          %jit3A_656 = arith.constant 8 : i32
          %div3A_657 = arith.divsi %add3A_655, %jit3A_656 : i32
          %sign3A_658 = arith.constant 0 : i32
          %sign3A_659 = arith.cmpi sgt, %add3A_655, %sign3A_658 : i32
          %sign3A_660 = arith.extui %sign3A_659 : i1 to i32
          %sign3A_661 = arith.constant 0 : i32
          %sign3A_662 = arith.cmpi slt, %add3A_655, %sign3A_661 : i32
          %sign3A_663 = arith.extui %sign3A_662 : i1 to i32
          %sign3A_664 = arith.subi %sign3A_660, %sign3A_663 : i32
          %sign3A_665 = arith.constant 0 : i32
          %sign3A_666 = arith.cmpi sgt, %jit3A_656, %sign3A_665 : i32
          %sign3A_667 = arith.extui %sign3A_666 : i1 to i32
          %sign3A_668 = arith.constant 0 : i32
          %sign3A_669 = arith.cmpi slt, %jit3A_656, %sign3A_668 : i32
          %sign3A_670 = arith.extui %sign3A_669 : i1 to i32
          %sign3A_671 = arith.subi %sign3A_667, %sign3A_670 : i32
          %ne3A_672 = arith.cmpi ne, %sign3A_664, %sign3A_671 : i32
          %rem3A_673 = arith.remsi %add3A_655, %jit3A_656 : i32
          %ne3A_674 = arith.constant 0 : i32
          %ne3A_675 = arith.cmpi ne, %rem3A_673, %ne3A_674 : i32
          %and3A_676 = arith.andi %ne3A_672, %ne3A_675 : i1
          %sub3A_677 = arith.constant 1 : i32
          %sub3A_678 = arith.subi %div3A_657, %sub3A_677 : i32
          %select_n3A_679 = arith.select %and3A_676, %sub3A_678, %div3A_657 : i32
          %mul3A_680 = arith.constant 8 : i32
          %mul3A_681 = arith.muli %select_n3A_679, %mul3A_680 : i32
          %min3A_682 = arith.constant 32512 : i32
          %min3A_683 = arith.minsi %mul3A_681, %min3A_682 : i32
          %sub3A_684 = arith.subi %add3A_655, %min3A_683 : i32
          %add3A_685 = arith.constant 248 : i32
          %add3A_686 = arith.addi %add3A_655, %add3A_685 : i32
          %min3A_687 = arith.minsi %add3A_686, %min3A : i32
          %dma_wait3A = arith.constant 0 : i32
          %dma_wait3A_688 = tpu.memref_slice %arg2[%min3A_683, %dma_wait3A] : memref<32768x128xf32, #tpu.memory_space<hbm>> -> memref<256x128xf32, #tpu.memory_space<hbm>>
          %dma_wait3A_689 = arith.constant 0 : i32
          %dma_wait3A_690 = tpu.memref_slice %arg2[%min3A_683, %dma_wait3A_689] : memref<32768x128xf32, #tpu.memory_space<hbm>> -> memref<256x128xf32, #tpu.memory_space<hbm>>
          tpu.wait_dma2 semaphore(%arg14 : memref<!tpu.dma_semaphore, #tpu.memory_space<semaphore_mem>>) src(%dma_wait3A_690 : memref<256x128xf32, #tpu.memory_space<hbm>>) dst(%arg8 : memref<256x128xf32, #tpu.memory_space<vmem>>)
          %add3A_691 = arith.constant 3 : i32
          %add3A_692 = arith.addi %while3A_623, %add3A_691 : i32
          %lt3A_693 = arith.cmpi slt, %add3A_692, %select_n3A_76 : i32
          %convert_element_type3A_694 = arith.extui %lt3A_693 : i1 to i32
          %cond3A_695 = arith.constant 0 : i32
          %cond3A_696 = arith.cmpi ne, %convert_element_type3A_694, %cond3A_695 : i32
          scf.if %cond3A_696 {
            %add3A_698 = arith.constant 3 : i32
            %add3A_699 = arith.addi %while3A_623, %add3A_698 : i32
            %mul3A_700 = arith.constant 248 : i32
            %mul3A_701 = arith.muli %add3A_699, %mul3A_700 : i32
            %add3A_702 = arith.addi %add3A_45, %mul3A_701 : i32
            %jit3A_703 = arith.constant 8 : i32
            %div3A_704 = arith.divsi %add3A_702, %jit3A_703 : i32
            %sign3A_705 = arith.constant 0 : i32
            %sign3A_706 = arith.cmpi sgt, %add3A_702, %sign3A_705 : i32
            %sign3A_707 = arith.extui %sign3A_706 : i1 to i32
            %sign3A_708 = arith.constant 0 : i32
            %sign3A_709 = arith.cmpi slt, %add3A_702, %sign3A_708 : i32
            %sign3A_710 = arith.extui %sign3A_709 : i1 to i32
            %sign3A_711 = arith.subi %sign3A_707, %sign3A_710 : i32
            %sign3A_712 = arith.constant 0 : i32
            %sign3A_713 = arith.cmpi sgt, %jit3A_703, %sign3A_712 : i32
            %sign3A_714 = arith.extui %sign3A_713 : i1 to i32
            %sign3A_715 = arith.constant 0 : i32
            %sign3A_716 = arith.cmpi slt, %jit3A_703, %sign3A_715 : i32
            %sign3A_717 = arith.extui %sign3A_716 : i1 to i32
            %sign3A_718 = arith.subi %sign3A_714, %sign3A_717 : i32
            %ne3A_719 = arith.cmpi ne, %sign3A_711, %sign3A_718 : i32
            %rem3A_720 = arith.remsi %add3A_702, %jit3A_703 : i32
            %ne3A_721 = arith.constant 0 : i32
            %ne3A_722 = arith.cmpi ne, %rem3A_720, %ne3A_721 : i32
            %and3A_723 = arith.andi %ne3A_719, %ne3A_722 : i1
            %sub3A_724 = arith.constant 1 : i32
            %sub3A_725 = arith.subi %div3A_704, %sub3A_724 : i32
            %select_n3A_726 = arith.select %and3A_723, %sub3A_725, %div3A_704 : i32
            %mul3A_727 = arith.constant 8 : i32
            %mul3A_728 = arith.muli %select_n3A_726, %mul3A_727 : i32
            %min3A_729 = arith.constant 32512 : i32
            %min3A_730 = arith.minsi %mul3A_728, %min3A_729 : i32
            %dma_start3A = arith.constant 0 : i32
            %dma_start3A_731 = tpu.memref_slice %arg2[%min3A_730, %dma_start3A] : memref<32768x128xf32, #tpu.memory_space<hbm>> -> memref<256x128xf32, #tpu.memory_space<hbm>>
            %dma_start3A_732 = arith.constant 0 : i32
            %dma_start3A_733 = tpu.memref_slice %arg2[%min3A_730, %dma_start3A_732] : memref<32768x128xf32, #tpu.memory_space<hbm>> -> memref<256x128xf32, #tpu.memory_space<hbm>>
            tpu.enqueue_dma source(%dma_start3A_733 : memref<256x128xf32, #tpu.memory_space<hbm>>) target(%arg8 : memref<256x128xf32, #tpu.memory_space<vmem>>) target_semaphore(%arg14 : memref<!tpu.dma_semaphore, #tpu.memory_space<semaphore_mem>>)
          } else {
          }
          %while3A_697:2 = scf.while (%while3A_698 = %add3A_655, %while3A_699 = %while3A_624) : (i32, i32) -> (i32, i32) {
            %lt3A_700 = arith.cmpi slt, %while3A_698, %min3A_687 : i32
            scf.condition(%lt3A_700) %while3A_698, %while3A_699 : i32, i32
          } do {
          ^bb0(%while3A_698: i32, %while3A_699: i32):
            %while3A_700 = scf.while (%while3A_770 = %while3A_699) : (i32) -> i32 {
              %eq3A_771 = vector.broadcast %while3A_770 : i32 to vector<16xi32>
              %eq3A_772 = arith.cmpi eq, %iota3A, %eq3A_771 : vector<16xi32>
              %select_n3A_773 = arith.select %eq3A_772, %masked_cumsum3A, %broadcast_in_dim3A_4 : vector<16xi1>, vector<16xi32>
              %reduce_sum3A_774 = arith.constant true
              %reduce_sum3A_775 = vector.broadcast %reduce_sum3A_774 : i1 to vector<16xi1>
              %reduce_sum3A_776 = tpu.scan <sum>, %select_n3A_773 masked %reduce_sum3A_775 : vector<16xi32>, vector<16xi1> -> vector<16xi32>
              %reduce_sum3A_777 = vector.extract %reduce_sum3A_776[15] : i32 from vector<16xi32>
              %le3A = arith.cmpi sle, %reduce_sum3A_777, %while3A_698 : i32
              scf.condition(%le3A) %while3A_770 : i32
            } do {
            ^bb0(%while3A_770: i32):
              %add3A_771 = arith.constant 1 : i32
              %add3A_772 = arith.addi %while3A_770, %add3A_771 : i32
              scf.yield %add3A_772 : i32
            }
            %eq3A_701 = vector.broadcast %while3A_700 : i32 to vector<16xi32>
            %eq3A_702 = arith.cmpi eq, %iota3A, %eq3A_701 : vector<16xi32>
            %select_n3A_703 = arith.select %eq3A_702, %masked_cumsum3A, %broadcast_in_dim3A_4 : vector<16xi1>, vector<16xi32>
            %reduce_sum3A_704 = arith.constant true
            %reduce_sum3A_705 = vector.broadcast %reduce_sum3A_704 : i1 to vector<16xi1>
            %reduce_sum3A_706 = tpu.scan <sum>, %select_n3A_703 masked %reduce_sum3A_705 : vector<16xi32>, vector<16xi1> -> vector<16xi32>
            %reduce_sum3A_707 = vector.extract %reduce_sum3A_706[15] : i32 from vector<16xi32>
            %min3A_708 = arith.minsi %reduce_sum3A_707, %min3A_687 : i32
            %sub3A_709 = arith.subi %min3A_708, %while3A_698 : i32
            %sub3A_710 = arith.subi %while3A_698, %add3A_655 : i32
            %add3A_711 = arith.addi %sub3A_684, %sub3A_710 : i32
            %parallel_loop3A = arith.constant 0 : i32
            %parallel_loop3A_712 = arith.constant 1 : i32
            %parallel_loop3A_713:8 = scf.for %parallel_loop3A_770 = %parallel_loop3A to %sub3A_709 step %parallel_loop3A_712 iter_args(%parallel_loop3A_771 = %broadcast_in_dim3A_90, %parallel_loop3A_772 = %broadcast_in_dim3A_90, %parallel_loop3A_773 = %broadcast_in_dim3A_90, %parallel_loop3A_774 = %broadcast_in_dim3A_90, %parallel_loop3A_775 = %broadcast_in_dim3A_90, %parallel_loop3A_776 = %broadcast_in_dim3A_90, %parallel_loop3A_777 = %broadcast_in_dim3A_90, %parallel_loop3A_778 = %broadcast_in_dim3A_90) -> (vector<16xf32>, vector<16xf32>, vector<16xf32>, vector<16xf32>, vector<16xf32>, vector<16xf32>, vector<16xf32>, vector<16xf32>)  : i32 {
              %parallel_loop3A_779 = arith.addi %add3A_711, %parallel_loop3A_770 : i32
              %parallel_loop3A_780 = arith.index_cast %parallel_loop3A_779 : i32 to index
              %parallel_loop3A_781 = arith.constant 0 : index
              %parallel_loop3A_782 = tpu.vector_load %arg8[%parallel_loop3A_780, %parallel_loop3A_781] {strides = array<i32>} : memref<256x128xf32, #tpu.memory_space<vmem>>, vector<16xf32>,
              %parallel_loop3A_783 = arith.addf %parallel_loop3A_771, %parallel_loop3A_782 : vector<16xf32>
              %parallel_loop3A_784 = arith.index_cast %parallel_loop3A_779 : i32 to index
              %parallel_loop3A_785 = arith.constant 16 : index
              %parallel_loop3A_786 = tpu.vector_load %arg8[%parallel_loop3A_784, %parallel_loop3A_785] {strides = array<i32>} : memref<256x128xf32, #tpu.memory_space<vmem>>, vector<16xf32>,
              %parallel_loop3A_787 = arith.addf %parallel_loop3A_772, %parallel_loop3A_786 : vector<16xf32>
              %parallel_loop3A_788 = arith.index_cast %parallel_loop3A_779 : i32 to index
              %parallel_loop3A_789 = arith.constant 32 : index
              %parallel_loop3A_790 = tpu.vector_load %arg8[%parallel_loop3A_788, %parallel_loop3A_789] {strides = array<i32>} : memref<256x128xf32, #tpu.memory_space<vmem>>, vector<16xf32>,
              %parallel_loop3A_791 = arith.addf %parallel_loop3A_773, %parallel_loop3A_790 : vector<16xf32>
              %parallel_loop3A_792 = arith.index_cast %parallel_loop3A_779 : i32 to index
              %parallel_loop3A_793 = arith.constant 48 : index
              %parallel_loop3A_794 = tpu.vector_load %arg8[%parallel_loop3A_792, %parallel_loop3A_793] {strides = array<i32>} : memref<256x128xf32, #tpu.memory_space<vmem>>, vector<16xf32>,
              %parallel_loop3A_795 = arith.addf %parallel_loop3A_774, %parallel_loop3A_794 : vector<16xf32>
              %parallel_loop3A_796 = arith.index_cast %parallel_loop3A_779 : i32 to index
              %parallel_loop3A_797 = arith.constant 64 : index
              %parallel_loop3A_798 = tpu.vector_load %arg8[%parallel_loop3A_796, %parallel_loop3A_797] {strides = array<i32>} : memref<256x128xf32, #tpu.memory_space<vmem>>, vector<16xf32>,
              %parallel_loop3A_799 = arith.addf %parallel_loop3A_775, %parallel_loop3A_798 : vector<16xf32>
              %parallel_loop3A_800 = arith.index_cast %parallel_loop3A_779 : i32 to index
              %parallel_loop3A_801 = arith.constant 80 : index
              %parallel_loop3A_802 = tpu.vector_load %arg8[%parallel_loop3A_800, %parallel_loop3A_801] {strides = array<i32>} : memref<256x128xf32, #tpu.memory_space<vmem>>, vector<16xf32>,
              %parallel_loop3A_803 = arith.addf %parallel_loop3A_776, %parallel_loop3A_802 : vector<16xf32>
              %parallel_loop3A_804 = arith.index_cast %parallel_loop3A_779 : i32 to index
              %parallel_loop3A_805 = arith.constant 96 : index
              %parallel_loop3A_806 = tpu.vector_load %arg8[%parallel_loop3A_804, %parallel_loop3A_805] {strides = array<i32>} : memref<256x128xf32, #tpu.memory_space<vmem>>, vector<16xf32>,
              %parallel_loop3A_807 = arith.addf %parallel_loop3A_777, %parallel_loop3A_806 : vector<16xf32>
              %parallel_loop3A_808 = arith.index_cast %parallel_loop3A_779 : i32 to index
              %parallel_loop3A_809 = arith.constant 112 : index
              %parallel_loop3A_810 = tpu.vector_load %arg8[%parallel_loop3A_808, %parallel_loop3A_809] {strides = array<i32>} : memref<256x128xf32, #tpu.memory_space<vmem>>, vector<16xf32>,
              %parallel_loop3A_811 = arith.addf %parallel_loop3A_778, %parallel_loop3A_810 : vector<16xf32>
              scf.yield %parallel_loop3A_783, %parallel_loop3A_787, %parallel_loop3A_791, %parallel_loop3A_795, %parallel_loop3A_799, %parallel_loop3A_803, %parallel_loop3A_807, %parallel_loop3A_811 : vector<16xf32>, vector<16xf32>, vector<16xf32>, vector<16xf32>, vector<16xf32>, vector<16xf32>, vector<16xf32>, vector<16xf32>
            } {sc.loop_unroll_factor = 2 : i64, sc.parallel_access}
            %get3A_714 = arith.index_cast %while3A_700 : i32 to index
            %get3A_715 = arith.constant 0 : index
            %get3A_716 = tpu.vector_load %arg10[%get3A_714, %get3A_715] {strides = array<i32>} : memref<16x128xf32, #tpu.memory_space<vmem>>, vector<16xf32>,
            %add3A_717 = arith.addf %get3A_716, %parallel_loop3A_713#0 : vector<16xf32>
            %swap3A_718 = arith.index_cast %while3A_700 : i32 to index
            %swap3A_719 = arith.constant 0 : index
            %swap3A_720 = tpu.vector_load %arg10[%swap3A_718, %swap3A_719] {strides = array<i32>} : memref<16x128xf32, #tpu.memory_space<vmem>>, vector<16xf32>,
            tpu.vector_store %arg10[%swap3A_718, %swap3A_719], %add3A_717 {strides = array<i32>} : memref<16x128xf32, #tpu.memory_space<vmem>>, vector<16xf32>,
            %get3A_721 = arith.index_cast %while3A_700 : i32 to index
            %get3A_722 = arith.constant 16 : index
            %get3A_723 = tpu.vector_load %arg10[%get3A_721, %get3A_722] {strides = array<i32>} : memref<16x128xf32, #tpu.memory_space<vmem>>, vector<16xf32>,
            %add3A_724 = arith.addf %get3A_723, %parallel_loop3A_713#1 : vector<16xf32>
            %swap3A_725 = arith.index_cast %while3A_700 : i32 to index
            %swap3A_726 = arith.constant 16 : index
            %swap3A_727 = tpu.vector_load %arg10[%swap3A_725, %swap3A_726] {strides = array<i32>} : memref<16x128xf32, #tpu.memory_space<vmem>>, vector<16xf32>,
            tpu.vector_store %arg10[%swap3A_725, %swap3A_726], %add3A_724 {strides = array<i32>} : memref<16x128xf32, #tpu.memory_space<vmem>>, vector<16xf32>,
            %get3A_728 = arith.index_cast %while3A_700 : i32 to index
            %get3A_729 = arith.constant 32 : index
            %get3A_730 = tpu.vector_load %arg10[%get3A_728, %get3A_729] {strides = array<i32>} : memref<16x128xf32, #tpu.memory_space<vmem>>, vector<16xf32>,
            %add3A_731 = arith.addf %get3A_730, %parallel_loop3A_713#2 : vector<16xf32>
            %swap3A_732 = arith.index_cast %while3A_700 : i32 to index
            %swap3A_733 = arith.constant 32 : index
            %swap3A_734 = tpu.vector_load %arg10[%swap3A_732, %swap3A_733] {strides = array<i32>} : memref<16x128xf32, #tpu.memory_space<vmem>>, vector<16xf32>,
            tpu.vector_store %arg10[%swap3A_732, %swap3A_733], %add3A_731 {strides = array<i32>} : memref<16x128xf32, #tpu.memory_space<vmem>>, vector<16xf32>,
            %get3A_735 = arith.index_cast %while3A_700 : i32 to index
            %get3A_736 = arith.constant 48 : index
            %get3A_737 = tpu.vector_load %arg10[%get3A_735, %get3A_736] {strides = array<i32>} : memref<16x128xf32, #tpu.memory_space<vmem>>, vector<16xf32>,
            %add3A_738 = arith.addf %get3A_737, %parallel_loop3A_713#3 : vector<16xf32>
            %swap3A_739 = arith.index_cast %while3A_700 : i32 to index
            %swap3A_740 = arith.constant 48 : index
            %swap3A_741 = tpu.vector_load %arg10[%swap3A_739, %swap3A_740] {strides = array<i32>} : memref<16x128xf32, #tpu.memory_space<vmem>>, vector<16xf32>,
            tpu.vector_store %arg10[%swap3A_739, %swap3A_740], %add3A_738 {strides = array<i32>} : memref<16x128xf32, #tpu.memory_space<vmem>>, vector<16xf32>,
            %get3A_742 = arith.index_cast %while3A_700 : i32 to index
            %get3A_743 = arith.constant 64 : index
            %get3A_744 = tpu.vector_load %arg10[%get3A_742, %get3A_743] {strides = array<i32>} : memref<16x128xf32, #tpu.memory_space<vmem>>, vector<16xf32>,
            %add3A_745 = arith.addf %get3A_744, %parallel_loop3A_713#4 : vector<16xf32>
            %swap3A_746 = arith.index_cast %while3A_700 : i32 to index
            %swap3A_747 = arith.constant 64 : index
            %swap3A_748 = tpu.vector_load %arg10[%swap3A_746, %swap3A_747] {strides = array<i32>} : memref<16x128xf32, #tpu.memory_space<vmem>>, vector<16xf32>,
            tpu.vector_store %arg10[%swap3A_746, %swap3A_747], %add3A_745 {strides = array<i32>} : memref<16x128xf32, #tpu.memory_space<vmem>>, vector<16xf32>,
            %get3A_749 = arith.index_cast %while3A_700 : i32 to index
            %get3A_750 = arith.constant 80 : index
            %get3A_751 = tpu.vector_load %arg10[%get3A_749, %get3A_750] {strides = array<i32>} : memref<16x128xf32, #tpu.memory_space<vmem>>, vector<16xf32>,
            %add3A_752 = arith.addf %get3A_751, %parallel_loop3A_713#5 : vector<16xf32>
            %swap3A_753 = arith.index_cast %while3A_700 : i32 to index
            %swap3A_754 = arith.constant 80 : index
            %swap3A_755 = tpu.vector_load %arg10[%swap3A_753, %swap3A_754] {strides = array<i32>} : memref<16x128xf32, #tpu.memory_space<vmem>>, vector<16xf32>,
            tpu.vector_store %arg10[%swap3A_753, %swap3A_754], %add3A_752 {strides = array<i32>} : memref<16x128xf32, #tpu.memory_space<vmem>>, vector<16xf32>,
            %get3A_756 = arith.index_cast %while3A_700 : i32 to index
            %get3A_757 = arith.constant 96 : index
            %get3A_758 = tpu.vector_load %arg10[%get3A_756, %get3A_757] {strides = array<i32>} : memref<16x128xf32, #tpu.memory_space<vmem>>, vector<16xf32>,
            %add3A_759 = arith.addf %get3A_758, %parallel_loop3A_713#6 : vector<16xf32>
            %swap3A_760 = arith.index_cast %while3A_700 : i32 to index
            %swap3A_761 = arith.constant 96 : index
            %swap3A_762 = tpu.vector_load %arg10[%swap3A_760, %swap3A_761] {strides = array<i32>} : memref<16x128xf32, #tpu.memory_space<vmem>>, vector<16xf32>,
            tpu.vector_store %arg10[%swap3A_760, %swap3A_761], %add3A_759 {strides = array<i32>} : memref<16x128xf32, #tpu.memory_space<vmem>>, vector<16xf32>,
            %get3A_763 = arith.index_cast %while3A_700 : i32 to index
            %get3A_764 = arith.constant 112 : index
            %get3A_765 = tpu.vector_load %arg10[%get3A_763, %get3A_764] {strides = array<i32>} : memref<16x128xf32, #tpu.memory_space<vmem>>, vector<16xf32>,
            %add3A_766 = arith.addf %get3A_765, %parallel_loop3A_713#7 : vector<16xf32>
            %swap3A_767 = arith.index_cast %while3A_700 : i32 to index
            %swap3A_768 = arith.constant 112 : index
            %swap3A_769 = tpu.vector_load %arg10[%swap3A_767, %swap3A_768] {strides = array<i32>} : memref<16x128xf32, #tpu.memory_space<vmem>>, vector<16xf32>,
            tpu.vector_store %arg10[%swap3A_767, %swap3A_768], %add3A_766 {strides = array<i32>} : memref<16x128xf32, #tpu.memory_space<vmem>>, vector<16xf32>,
            scf.yield %min3A_708, %while3A_700 : i32, i32
          }
          scf.yield %while3A_697#1 : i32
        } else {
          %mul3A_653 = arith.constant 248 : i32
          %mul3A_654 = arith.muli %while3A_623, %mul3A_653 : i32
          %add3A_655 = arith.addi %add3A_45, %mul3A_654 : i32
          %jit3A_656 = arith.constant 8 : i32
          %div3A_657 = arith.divsi %add3A_655, %jit3A_656 : i32
          %sign3A_658 = arith.constant 0 : i32
          %sign3A_659 = arith.cmpi sgt, %add3A_655, %sign3A_658 : i32
          %sign3A_660 = arith.extui %sign3A_659 : i1 to i32
          %sign3A_661 = arith.constant 0 : i32
          %sign3A_662 = arith.cmpi slt, %add3A_655, %sign3A_661 : i32
          %sign3A_663 = arith.extui %sign3A_662 : i1 to i32
          %sign3A_664 = arith.subi %sign3A_660, %sign3A_663 : i32
          %sign3A_665 = arith.constant 0 : i32
          %sign3A_666 = arith.cmpi sgt, %jit3A_656, %sign3A_665 : i32
          %sign3A_667 = arith.extui %sign3A_666 : i1 to i32
          %sign3A_668 = arith.constant 0 : i32
          %sign3A_669 = arith.cmpi slt, %jit3A_656, %sign3A_668 : i32
          %sign3A_670 = arith.extui %sign3A_669 : i1 to i32
          %sign3A_671 = arith.subi %sign3A_667, %sign3A_670 : i32
          %ne3A_672 = arith.cmpi ne, %sign3A_664, %sign3A_671 : i32
          %rem3A_673 = arith.remsi %add3A_655, %jit3A_656 : i32
          %ne3A_674 = arith.constant 0 : i32
          %ne3A_675 = arith.cmpi ne, %rem3A_673, %ne3A_674 : i32
          %and3A_676 = arith.andi %ne3A_672, %ne3A_675 : i1
          %sub3A_677 = arith.constant 1 : i32
          %sub3A_678 = arith.subi %div3A_657, %sub3A_677 : i32
          %select_n3A_679 = arith.select %and3A_676, %sub3A_678, %div3A_657 : i32
          %mul3A_680 = arith.constant 8 : i32
          %mul3A_681 = arith.muli %select_n3A_679, %mul3A_680 : i32
          %min3A_682 = arith.constant 32512 : i32
          %min3A_683 = arith.minsi %mul3A_681, %min3A_682 : i32
          %sub3A_684 = arith.subi %add3A_655, %min3A_683 : i32
          %add3A_685 = arith.constant 248 : i32
          %add3A_686 = arith.addi %add3A_655, %add3A_685 : i32
          %min3A_687 = arith.minsi %add3A_686, %min3A : i32
          %dma_wait3A = arith.constant 0 : i32
          %dma_wait3A_688 = tpu.memref_slice %arg2[%min3A_683, %dma_wait3A] : memref<32768x128xf32, #tpu.memory_space<hbm>> -> memref<256x128xf32, #tpu.memory_space<hbm>>
          %dma_wait3A_689 = arith.constant 0 : i32
          %dma_wait3A_690 = tpu.memref_slice %arg2[%min3A_683, %dma_wait3A_689] : memref<32768x128xf32, #tpu.memory_space<hbm>> -> memref<256x128xf32, #tpu.memory_space<hbm>>
          tpu.wait_dma2 semaphore(%arg15 : memref<!tpu.dma_semaphore, #tpu.memory_space<semaphore_mem>>) src(%dma_wait3A_690 : memref<256x128xf32, #tpu.memory_space<hbm>>) dst(%arg9 : memref<256x128xf32, #tpu.memory_space<vmem>>)
          %add3A_691 = arith.constant 3 : i32
          %add3A_692 = arith.addi %while3A_623, %add3A_691 : i32
          %lt3A_693 = arith.cmpi slt, %add3A_692, %select_n3A_76 : i32
          %convert_element_type3A_694 = arith.extui %lt3A_693 : i1 to i32
          %cond3A_695 = arith.constant 0 : i32
          %cond3A_696 = arith.cmpi ne, %convert_element_type3A_694, %cond3A_695 : i32
          scf.if %cond3A_696 {
            %add3A_698 = arith.constant 3 : i32
            %add3A_699 = arith.addi %while3A_623, %add3A_698 : i32
            %mul3A_700 = arith.constant 248 : i32
            %mul3A_701 = arith.muli %add3A_699, %mul3A_700 : i32
            %add3A_702 = arith.addi %add3A_45, %mul3A_701 : i32
            %jit3A_703 = arith.constant 8 : i32
            %div3A_704 = arith.divsi %add3A_702, %jit3A_703 : i32
            %sign3A_705 = arith.constant 0 : i32
            %sign3A_706 = arith.cmpi sgt, %add3A_702, %sign3A_705 : i32
            %sign3A_707 = arith.extui %sign3A_706 : i1 to i32
            %sign3A_708 = arith.constant 0 : i32
            %sign3A_709 = arith.cmpi slt, %add3A_702, %sign3A_708 : i32
            %sign3A_710 = arith.extui %sign3A_709 : i1 to i32
            %sign3A_711 = arith.subi %sign3A_707, %sign3A_710 : i32
            %sign3A_712 = arith.constant 0 : i32
            %sign3A_713 = arith.cmpi sgt, %jit3A_703, %sign3A_712 : i32
            %sign3A_714 = arith.extui %sign3A_713 : i1 to i32
            %sign3A_715 = arith.constant 0 : i32
            %sign3A_716 = arith.cmpi slt, %jit3A_703, %sign3A_715 : i32
            %sign3A_717 = arith.extui %sign3A_716 : i1 to i32
            %sign3A_718 = arith.subi %sign3A_714, %sign3A_717 : i32
            %ne3A_719 = arith.cmpi ne, %sign3A_711, %sign3A_718 : i32
            %rem3A_720 = arith.remsi %add3A_702, %jit3A_703 : i32
            %ne3A_721 = arith.constant 0 : i32
            %ne3A_722 = arith.cmpi ne, %rem3A_720, %ne3A_721 : i32
            %and3A_723 = arith.andi %ne3A_719, %ne3A_722 : i1
            %sub3A_724 = arith.constant 1 : i32
            %sub3A_725 = arith.subi %div3A_704, %sub3A_724 : i32
            %select_n3A_726 = arith.select %and3A_723, %sub3A_725, %div3A_704 : i32
            %mul3A_727 = arith.constant 8 : i32
            %mul3A_728 = arith.muli %select_n3A_726, %mul3A_727 : i32
            %min3A_729 = arith.constant 32512 : i32
            %min3A_730 = arith.minsi %mul3A_728, %min3A_729 : i32
            %dma_start3A = arith.constant 0 : i32
            %dma_start3A_731 = tpu.memref_slice %arg2[%min3A_730, %dma_start3A] : memref<32768x128xf32, #tpu.memory_space<hbm>> -> memref<256x128xf32, #tpu.memory_space<hbm>>
            %dma_start3A_732 = arith.constant 0 : i32
            %dma_start3A_733 = tpu.memref_slice %arg2[%min3A_730, %dma_start3A_732] : memref<32768x128xf32, #tpu.memory_space<hbm>> -> memref<256x128xf32, #tpu.memory_space<hbm>>
            tpu.enqueue_dma source(%dma_start3A_733 : memref<256x128xf32, #tpu.memory_space<hbm>>) target(%arg9 : memref<256x128xf32, #tpu.memory_space<vmem>>) target_semaphore(%arg15 : memref<!tpu.dma_semaphore, #tpu.memory_space<semaphore_mem>>)
          } else {
          }
          %while3A_697:2 = scf.while (%while3A_698 = %add3A_655, %while3A_699 = %while3A_624) : (i32, i32) -> (i32, i32) {
            %lt3A_700 = arith.cmpi slt, %while3A_698, %min3A_687 : i32
            scf.condition(%lt3A_700) %while3A_698, %while3A_699 : i32, i32
          } do {
          ^bb0(%while3A_698: i32, %while3A_699: i32):
            %while3A_700 = scf.while (%while3A_770 = %while3A_699) : (i32) -> i32 {
              %eq3A_771 = vector.broadcast %while3A_770 : i32 to vector<16xi32>
              %eq3A_772 = arith.cmpi eq, %iota3A, %eq3A_771 : vector<16xi32>
              %select_n3A_773 = arith.select %eq3A_772, %masked_cumsum3A, %broadcast_in_dim3A_4 : vector<16xi1>, vector<16xi32>
              %reduce_sum3A_774 = arith.constant true
              %reduce_sum3A_775 = vector.broadcast %reduce_sum3A_774 : i1 to vector<16xi1>
              %reduce_sum3A_776 = tpu.scan <sum>, %select_n3A_773 masked %reduce_sum3A_775 : vector<16xi32>, vector<16xi1> -> vector<16xi32>
              %reduce_sum3A_777 = vector.extract %reduce_sum3A_776[15] : i32 from vector<16xi32>
              %le3A = arith.cmpi sle, %reduce_sum3A_777, %while3A_698 : i32
              scf.condition(%le3A) %while3A_770 : i32
            } do {
            ^bb0(%while3A_770: i32):
              %add3A_771 = arith.constant 1 : i32
              %add3A_772 = arith.addi %while3A_770, %add3A_771 : i32
              scf.yield %add3A_772 : i32
            }
            %eq3A_701 = vector.broadcast %while3A_700 : i32 to vector<16xi32>
            %eq3A_702 = arith.cmpi eq, %iota3A, %eq3A_701 : vector<16xi32>
            %select_n3A_703 = arith.select %eq3A_702, %masked_cumsum3A, %broadcast_in_dim3A_4 : vector<16xi1>, vector<16xi32>
            %reduce_sum3A_704 = arith.constant true
            %reduce_sum3A_705 = vector.broadcast %reduce_sum3A_704 : i1 to vector<16xi1>
            %reduce_sum3A_706 = tpu.scan <sum>, %select_n3A_703 masked %reduce_sum3A_705 : vector<16xi32>, vector<16xi1> -> vector<16xi32>
            %reduce_sum3A_707 = vector.extract %reduce_sum3A_706[15] : i32 from vector<16xi32>
            %min3A_708 = arith.minsi %reduce_sum3A_707, %min3A_687 : i32
            %sub3A_709 = arith.subi %min3A_708, %while3A_698 : i32
            %sub3A_710 = arith.subi %while3A_698, %add3A_655 : i32
            %add3A_711 = arith.addi %sub3A_684, %sub3A_710 : i32
            %parallel_loop3A = arith.constant 0 : i32
            %parallel_loop3A_712 = arith.constant 1 : i32
            %parallel_loop3A_713:8 = scf.for %parallel_loop3A_770 = %parallel_loop3A to %sub3A_709 step %parallel_loop3A_712 iter_args(%parallel_loop3A_771 = %broadcast_in_dim3A_90, %parallel_loop3A_772 = %broadcast_in_dim3A_90, %parallel_loop3A_773 = %broadcast_in_dim3A_90, %parallel_loop3A_774 = %broadcast_in_dim3A_90, %parallel_loop3A_775 = %broadcast_in_dim3A_90, %parallel_loop3A_776 = %broadcast_in_dim3A_90, %parallel_loop3A_777 = %broadcast_in_dim3A_90, %parallel_loop3A_778 = %broadcast_in_dim3A_90) -> (vector<16xf32>, vector<16xf32>, vector<16xf32>, vector<16xf32>, vector<16xf32>, vector<16xf32>, vector<16xf32>, vector<16xf32>)  : i32 {
              %parallel_loop3A_779 = arith.addi %add3A_711, %parallel_loop3A_770 : i32
              %parallel_loop3A_780 = arith.index_cast %parallel_loop3A_779 : i32 to index
              %parallel_loop3A_781 = arith.constant 0 : index
              %parallel_loop3A_782 = tpu.vector_load %arg9[%parallel_loop3A_780, %parallel_loop3A_781] {strides = array<i32>} : memref<256x128xf32, #tpu.memory_space<vmem>>, vector<16xf32>,
              %parallel_loop3A_783 = arith.addf %parallel_loop3A_771, %parallel_loop3A_782 : vector<16xf32>
              %parallel_loop3A_784 = arith.index_cast %parallel_loop3A_779 : i32 to index
              %parallel_loop3A_785 = arith.constant 16 : index
              %parallel_loop3A_786 = tpu.vector_load %arg9[%parallel_loop3A_784, %parallel_loop3A_785] {strides = array<i32>} : memref<256x128xf32, #tpu.memory_space<vmem>>, vector<16xf32>,
              %parallel_loop3A_787 = arith.addf %parallel_loop3A_772, %parallel_loop3A_786 : vector<16xf32>
              %parallel_loop3A_788 = arith.index_cast %parallel_loop3A_779 : i32 to index
              %parallel_loop3A_789 = arith.constant 32 : index
              %parallel_loop3A_790 = tpu.vector_load %arg9[%parallel_loop3A_788, %parallel_loop3A_789] {strides = array<i32>} : memref<256x128xf32, #tpu.memory_space<vmem>>, vector<16xf32>,
              %parallel_loop3A_791 = arith.addf %parallel_loop3A_773, %parallel_loop3A_790 : vector<16xf32>
              %parallel_loop3A_792 = arith.index_cast %parallel_loop3A_779 : i32 to index
              %parallel_loop3A_793 = arith.constant 48 : index
              %parallel_loop3A_794 = tpu.vector_load %arg9[%parallel_loop3A_792, %parallel_loop3A_793] {strides = array<i32>} : memref<256x128xf32, #tpu.memory_space<vmem>>, vector<16xf32>,
              %parallel_loop3A_795 = arith.addf %parallel_loop3A_774, %parallel_loop3A_794 : vector<16xf32>
              %parallel_loop3A_796 = arith.index_cast %parallel_loop3A_779 : i32 to index
              %parallel_loop3A_797 = arith.constant 64 : index
              %parallel_loop3A_798 = tpu.vector_load %arg9[%parallel_loop3A_796, %parallel_loop3A_797] {strides = array<i32>} : memref<256x128xf32, #tpu.memory_space<vmem>>, vector<16xf32>,
              %parallel_loop3A_799 = arith.addf %parallel_loop3A_775, %parallel_loop3A_798 : vector<16xf32>
              %parallel_loop3A_800 = arith.index_cast %parallel_loop3A_779 : i32 to index
              %parallel_loop3A_801 = arith.constant 80 : index
              %parallel_loop3A_802 = tpu.vector_load %arg9[%parallel_loop3A_800, %parallel_loop3A_801] {strides = array<i32>} : memref<256x128xf32, #tpu.memory_space<vmem>>, vector<16xf32>,
              %parallel_loop3A_803 = arith.addf %parallel_loop3A_776, %parallel_loop3A_802 : vector<16xf32>
              %parallel_loop3A_804 = arith.index_cast %parallel_loop3A_779 : i32 to index
              %parallel_loop3A_805 = arith.constant 96 : index
              %parallel_loop3A_806 = tpu.vector_load %arg9[%parallel_loop3A_804, %parallel_loop3A_805] {strides = array<i32>} : memref<256x128xf32, #tpu.memory_space<vmem>>, vector<16xf32>,
              %parallel_loop3A_807 = arith.addf %parallel_loop3A_777, %parallel_loop3A_806 : vector<16xf32>
              %parallel_loop3A_808 = arith.index_cast %parallel_loop3A_779 : i32 to index
              %parallel_loop3A_809 = arith.constant 112 : index
              %parallel_loop3A_810 = tpu.vector_load %arg9[%parallel_loop3A_808, %parallel_loop3A_809] {strides = array<i32>} : memref<256x128xf32, #tpu.memory_space<vmem>>, vector<16xf32>,
              %parallel_loop3A_811 = arith.addf %parallel_loop3A_778, %parallel_loop3A_810 : vector<16xf32>
              scf.yield %parallel_loop3A_783, %parallel_loop3A_787, %parallel_loop3A_791, %parallel_loop3A_795, %parallel_loop3A_799, %parallel_loop3A_803, %parallel_loop3A_807, %parallel_loop3A_811 : vector<16xf32>, vector<16xf32>, vector<16xf32>, vector<16xf32>, vector<16xf32>, vector<16xf32>, vector<16xf32>, vector<16xf32>
            } {sc.loop_unroll_factor = 2 : i64, sc.parallel_access}
            %get3A_714 = arith.index_cast %while3A_700 : i32 to index
            %get3A_715 = arith.constant 0 : index
            %get3A_716 = tpu.vector_load %arg10[%get3A_714, %get3A_715] {strides = array<i32>} : memref<16x128xf32, #tpu.memory_space<vmem>>, vector<16xf32>,
            %add3A_717 = arith.addf %get3A_716, %parallel_loop3A_713#0 : vector<16xf32>
            %swap3A_718 = arith.index_cast %while3A_700 : i32 to index
            %swap3A_719 = arith.constant 0 : index
            %swap3A_720 = tpu.vector_load %arg10[%swap3A_718, %swap3A_719] {strides = array<i32>} : memref<16x128xf32, #tpu.memory_space<vmem>>, vector<16xf32>,
            tpu.vector_store %arg10[%swap3A_718, %swap3A_719], %add3A_717 {strides = array<i32>} : memref<16x128xf32, #tpu.memory_space<vmem>>, vector<16xf32>,
            %get3A_721 = arith.index_cast %while3A_700 : i32 to index
            %get3A_722 = arith.constant 16 : index
            %get3A_723 = tpu.vector_load %arg10[%get3A_721, %get3A_722] {strides = array<i32>} : memref<16x128xf32, #tpu.memory_space<vmem>>, vector<16xf32>,
            %add3A_724 = arith.addf %get3A_723, %parallel_loop3A_713#1 : vector<16xf32>
            %swap3A_725 = arith.index_cast %while3A_700 : i32 to index
            %swap3A_726 = arith.constant 16 : index
            %swap3A_727 = tpu.vector_load %arg10[%swap3A_725, %swap3A_726] {strides = array<i32>} : memref<16x128xf32, #tpu.memory_space<vmem>>, vector<16xf32>,
            tpu.vector_store %arg10[%swap3A_725, %swap3A_726], %add3A_724 {strides = array<i32>} : memref<16x128xf32, #tpu.memory_space<vmem>>, vector<16xf32>,
            %get3A_728 = arith.index_cast %while3A_700 : i32 to index
            %get3A_729 = arith.constant 32 : index
            %get3A_730 = tpu.vector_load %arg10[%get3A_728, %get3A_729] {strides = array<i32>} : memref<16x128xf32, #tpu.memory_space<vmem>>, vector<16xf32>,
            %add3A_731 = arith.addf %get3A_730, %parallel_loop3A_713#2 : vector<16xf32>
            %swap3A_732 = arith.index_cast %while3A_700 : i32 to index
            %swap3A_733 = arith.constant 32 : index
            %swap3A_734 = tpu.vector_load %arg10[%swap3A_732, %swap3A_733] {strides = array<i32>} : memref<16x128xf32, #tpu.memory_space<vmem>>, vector<16xf32>,
            tpu.vector_store %arg10[%swap3A_732, %swap3A_733], %add3A_731 {strides = array<i32>} : memref<16x128xf32, #tpu.memory_space<vmem>>, vector<16xf32>,
            %get3A_735 = arith.index_cast %while3A_700 : i32 to index
            %get3A_736 = arith.constant 48 : index
            %get3A_737 = tpu.vector_load %arg10[%get3A_735, %get3A_736] {strides = array<i32>} : memref<16x128xf32, #tpu.memory_space<vmem>>, vector<16xf32>,
            %add3A_738 = arith.addf %get3A_737, %parallel_loop3A_713#3 : vector<16xf32>
            %swap3A_739 = arith.index_cast %while3A_700 : i32 to index
            %swap3A_740 = arith.constant 48 : index
            %swap3A_741 = tpu.vector_load %arg10[%swap3A_739, %swap3A_740] {strides = array<i32>} : memref<16x128xf32, #tpu.memory_space<vmem>>, vector<16xf32>,
            tpu.vector_store %arg10[%swap3A_739, %swap3A_740], %add3A_738 {strides = array<i32>} : memref<16x128xf32, #tpu.memory_space<vmem>>, vector<16xf32>,
            %get3A_742 = arith.index_cast %while3A_700 : i32 to index
            %get3A_743 = arith.constant 64 : index
            %get3A_744 = tpu.vector_load %arg10[%get3A_742, %get3A_743] {strides = array<i32>} : memref<16x128xf32, #tpu.memory_space<vmem>>, vector<16xf32>,
            %add3A_745 = arith.addf %get3A_744, %parallel_loop3A_713#4 : vector<16xf32>
            %swap3A_746 = arith.index_cast %while3A_700 : i32 to index
            %swap3A_747 = arith.constant 64 : index
            %swap3A_748 = tpu.vector_load %arg10[%swap3A_746, %swap3A_747] {strides = array<i32>} : memref<16x128xf32, #tpu.memory_space<vmem>>, vector<16xf32>,
            tpu.vector_store %arg10[%swap3A_746, %swap3A_747], %add3A_745 {strides = array<i32>} : memref<16x128xf32, #tpu.memory_space<vmem>>, vector<16xf32>,
            %get3A_749 = arith.index_cast %while3A_700 : i32 to index
            %get3A_750 = arith.constant 80 : index
            %get3A_751 = tpu.vector_load %arg10[%get3A_749, %get3A_750] {strides = array<i32>} : memref<16x128xf32, #tpu.memory_space<vmem>>, vector<16xf32>,
            %add3A_752 = arith.addf %get3A_751, %parallel_loop3A_713#5 : vector<16xf32>
            %swap3A_753 = arith.index_cast %while3A_700 : i32 to index
            %swap3A_754 = arith.constant 80 : index
            %swap3A_755 = tpu.vector_load %arg10[%swap3A_753, %swap3A_754] {strides = array<i32>} : memref<16x128xf32, #tpu.memory_space<vmem>>, vector<16xf32>,
            tpu.vector_store %arg10[%swap3A_753, %swap3A_754], %add3A_752 {strides = array<i32>} : memref<16x128xf32, #tpu.memory_space<vmem>>, vector<16xf32>,
            %get3A_756 = arith.index_cast %while3A_700 : i32 to index
            %get3A_757 = arith.constant 96 : index
            %get3A_758 = tpu.vector_load %arg10[%get3A_756, %get3A_757] {strides = array<i32>} : memref<16x128xf32, #tpu.memory_space<vmem>>, vector<16xf32>,
            %add3A_759 = arith.addf %get3A_758, %parallel_loop3A_713#6 : vector<16xf32>
            %swap3A_760 = arith.index_cast %while3A_700 : i32 to index
            %swap3A_761 = arith.constant 96 : index
            %swap3A_762 = tpu.vector_load %arg10[%swap3A_760, %swap3A_761] {strides = array<i32>} : memref<16x128xf32, #tpu.memory_space<vmem>>, vector<16xf32>,
            tpu.vector_store %arg10[%swap3A_760, %swap3A_761], %add3A_759 {strides = array<i32>} : memref<16x128xf32, #tpu.memory_space<vmem>>, vector<16xf32>,
            %get3A_763 = arith.index_cast %while3A_700 : i32 to index
            %get3A_764 = arith.constant 112 : index
            %get3A_765 = tpu.vector_load %arg10[%get3A_763, %get3A_764] {strides = array<i32>} : memref<16x128xf32, #tpu.memory_space<vmem>>, vector<16xf32>,
            %add3A_766 = arith.addf %get3A_765, %parallel_loop3A_713#7 : vector<16xf32>
            %swap3A_767 = arith.index_cast %while3A_700 : i32 to index
            %swap3A_768 = arith.constant 112 : index
            %swap3A_769 = tpu.vector_load %arg10[%swap3A_767, %swap3A_768] {strides = array<i32>} : memref<16x128xf32, #tpu.memory_space<vmem>>, vector<16xf32>,
            tpu.vector_store %arg10[%swap3A_767, %swap3A_768], %add3A_766 {strides = array<i32>} : memref<16x128xf32, #tpu.memory_space<vmem>>, vector<16xf32>,
            scf.yield %min3A_708, %while3A_700 : i32, i32
          }
          scf.yield %while3A_697#1 : i32
        }
        scf.yield %cond3A_652 : i32
      }
      scf.yield %cond3A_646 : i32
    }
    %while3A_616 = arith.constant 1 : i32
    %while3A_617 = scf.for %while3A_623 = %while3A_613 to %while3A_609 step %while3A_616 iter_args(%while3A_624 = %while3A_615) -> (i32)  : i32 {
      %jit3A_625 = arith.constant 3 : i32
      %eq3A_626 = arith.constant 0 : i32
      %eq3A_627 = arith.cmpi eq, %jit3A_625, %eq3A_626 : i32
      %jit3A_628 = arith.constant 1 : i32
      %select_n3A_629 = arith.select %eq3A_627, %jit3A_628, %jit3A_625 : i32
      %rem3A_630 = arith.remsi %while3A_623, %select_n3A_629 : i32
      %ne3A_631 = arith.constant 0 : i32
      %ne3A_632 = arith.cmpi ne, %rem3A_630, %ne3A_631 : i32
      %lt3A_633 = arith.constant 0 : i32
      %lt3A_634 = arith.cmpi slt, %rem3A_630, %lt3A_633 : i32
      %lt3A_635 = arith.constant 0 : i32
      %lt3A_636 = arith.cmpi slt, %select_n3A_629, %lt3A_635 : i32
      %ne3A_637 = arith.xori %lt3A_634, %lt3A_636 : i1
      %and3A_638 = arith.andi %ne3A_637, %ne3A_632 : i1
      %add3A_639 = arith.addi %rem3A_630, %select_n3A_629 : i32
      %select_n3A_640 = arith.select %and3A_638, %add3A_639, %rem3A_630 : i32
      %eq3A_641 = arith.constant 0 : i32
      %eq3A_642 = arith.cmpi eq, %select_n3A_640, %eq3A_641 : i32
      %convert_element_type3A_643 = arith.extui %eq3A_642 : i1 to i32
      %cond3A_644 = arith.constant 0 : i32
      %cond3A_645 = arith.cmpi ne, %convert_element_type3A_643, %cond3A_644 : i32
      %cond3A_646 = scf.if %cond3A_645 -> (i32) {
        %mul3A_647 = arith.constant 248 : i32
        %mul3A_648 = arith.muli %while3A_623, %mul3A_647 : i32
        %add3A_649 = arith.addi %add3A_45, %mul3A_648 : i32
        %jit3A_650 = arith.constant 8 : i32
        %div3A_651 = arith.divsi %add3A_649, %jit3A_650 : i32
        %sign3A_652 = arith.constant 0 : i32
        %sign3A_653 = arith.cmpi sgt, %add3A_649, %sign3A_652 : i32
        %sign3A_654 = arith.extui %sign3A_653 : i1 to i32
        %sign3A_655 = arith.constant 0 : i32
        %sign3A_656 = arith.cmpi slt, %add3A_649, %sign3A_655 : i32
        %sign3A_657 = arith.extui %sign3A_656 : i1 to i32
        %sign3A_658 = arith.subi %sign3A_654, %sign3A_657 : i32
        %sign3A_659 = arith.constant 0 : i32
        %sign3A_660 = arith.cmpi sgt, %jit3A_650, %sign3A_659 : i32
        %sign3A_661 = arith.extui %sign3A_660 : i1 to i32
        %sign3A_662 = arith.constant 0 : i32
        %sign3A_663 = arith.cmpi slt, %jit3A_650, %sign3A_662 : i32
        %sign3A_664 = arith.extui %sign3A_663 : i1 to i32
        %sign3A_665 = arith.subi %sign3A_661, %sign3A_664 : i32
        %ne3A_666 = arith.cmpi ne, %sign3A_658, %sign3A_665 : i32
        %rem3A_667 = arith.remsi %add3A_649, %jit3A_650 : i32
        %ne3A_668 = arith.constant 0 : i32
        %ne3A_669 = arith.cmpi ne, %rem3A_667, %ne3A_668 : i32
        %and3A_670 = arith.andi %ne3A_666, %ne3A_669 : i1
        %sub3A_671 = arith.constant 1 : i32
        %sub3A_672 = arith.subi %div3A_651, %sub3A_671 : i32
        %select_n3A_673 = arith.select %and3A_670, %sub3A_672, %div3A_651 : i32
        %mul3A_674 = arith.constant 8 : i32
        %mul3A_675 = arith.muli %select_n3A_673, %mul3A_674 : i32
        %min3A_676 = arith.constant 32512 : i32
        %min3A_677 = arith.minsi %mul3A_675, %min3A_676 : i32
        %sub3A_678 = arith.subi %add3A_649, %min3A_677 : i32
        %add3A_679 = arith.constant 248 : i32
        %add3A_680 = arith.addi %add3A_649, %add3A_679 : i32
        %min3A_681 = arith.minsi %add3A_680, %min3A : i32
        %dma_wait3A = arith.constant 0 : i32
        %dma_wait3A_682 = tpu.memref_slice %arg2[%min3A_677, %dma_wait3A] : memref<32768x128xf32, #tpu.memory_space<hbm>> -> memref<256x128xf32, #tpu.memory_space<hbm>>
        %dma_wait3A_683 = arith.constant 0 : i32
        %dma_wait3A_684 = tpu.memref_slice %arg2[%min3A_677, %dma_wait3A_683] : memref<32768x128xf32, #tpu.memory_space<hbm>> -> memref<256x128xf32, #tpu.memory_space<hbm>>
        tpu.wait_dma2 semaphore(%arg13 : memref<!tpu.dma_semaphore, #tpu.memory_space<semaphore_mem>>) src(%dma_wait3A_684 : memref<256x128xf32, #tpu.memory_space<hbm>>) dst(%arg7 : memref<256x128xf32, #tpu.memory_space<vmem>>)
        %add3A_685 = arith.constant 3 : i32
        %add3A_686 = arith.addi %while3A_623, %add3A_685 : i32
        %lt3A_687 = arith.cmpi slt, %add3A_686, %select_n3A_76 : i32
        %convert_element_type3A_688 = arith.extui %lt3A_687 : i1 to i32
        %cond3A_689 = arith.constant 0 : i32
        %cond3A_690 = arith.cmpi ne, %convert_element_type3A_688, %cond3A_689 : i32
        scf.if %cond3A_690 {
          %add3A_692 = arith.constant 3 : i32
          %add3A_693 = arith.addi %while3A_623, %add3A_692 : i32
          %mul3A_694 = arith.constant 248 : i32
          %mul3A_695 = arith.muli %add3A_693, %mul3A_694 : i32
          %add3A_696 = arith.addi %add3A_45, %mul3A_695 : i32
          %jit3A_697 = arith.constant 8 : i32
          %div3A_698 = arith.divsi %add3A_696, %jit3A_697 : i32
          %sign3A_699 = arith.constant 0 : i32
          %sign3A_700 = arith.cmpi sgt, %add3A_696, %sign3A_699 : i32
          %sign3A_701 = arith.extui %sign3A_700 : i1 to i32
          %sign3A_702 = arith.constant 0 : i32
          %sign3A_703 = arith.cmpi slt, %add3A_696, %sign3A_702 : i32
          %sign3A_704 = arith.extui %sign3A_703 : i1 to i32
          %sign3A_705 = arith.subi %sign3A_701, %sign3A_704 : i32
          %sign3A_706 = arith.constant 0 : i32
          %sign3A_707 = arith.cmpi sgt, %jit3A_697, %sign3A_706 : i32
          %sign3A_708 = arith.extui %sign3A_707 : i1 to i32
          %sign3A_709 = arith.constant 0 : i32
          %sign3A_710 = arith.cmpi slt, %jit3A_697, %sign3A_709 : i32
          %sign3A_711 = arith.extui %sign3A_710 : i1 to i32
          %sign3A_712 = arith.subi %sign3A_708, %sign3A_711 : i32
          %ne3A_713 = arith.cmpi ne, %sign3A_705, %sign3A_712 : i32
          %rem3A_714 = arith.remsi %add3A_696, %jit3A_697 : i32
          %ne3A_715 = arith.constant 0 : i32
          %ne3A_716 = arith.cmpi ne, %rem3A_714, %ne3A_715 : i32
          %and3A_717 = arith.andi %ne3A_713, %ne3A_716 : i1
          %sub3A_718 = arith.constant 1 : i32
          %sub3A_719 = arith.subi %div3A_698, %sub3A_718 : i32
          %select_n3A_720 = arith.select %and3A_717, %sub3A_719, %div3A_698 : i32
          %mul3A_721 = arith.constant 8 : i32
          %mul3A_722 = arith.muli %select_n3A_720, %mul3A_721 : i32
          %min3A_723 = arith.constant 32512 : i32
          %min3A_724 = arith.minsi %mul3A_722, %min3A_723 : i32
          %dma_start3A = arith.constant 0 : i32
          %dma_start3A_725 = tpu.memref_slice %arg2[%min3A_724, %dma_start3A] : memref<32768x128xf32, #tpu.memory_space<hbm>> -> memref<256x128xf32, #tpu.memory_space<hbm>>
          %dma_start3A_726 = arith.constant 0 : i32
          %dma_start3A_727 = tpu.memref_slice %arg2[%min3A_724, %dma_start3A_726] : memref<32768x128xf32, #tpu.memory_space<hbm>> -> memref<256x128xf32, #tpu.memory_space<hbm>>
          tpu.enqueue_dma source(%dma_start3A_727 : memref<256x128xf32, #tpu.memory_space<hbm>>) target(%arg7 : memref<256x128xf32, #tpu.memory_space<vmem>>) target_semaphore(%arg13 : memref<!tpu.dma_semaphore, #tpu.memory_space<semaphore_mem>>)
        } else {
        }
        %while3A_691:2 = scf.while (%while3A_692 = %add3A_649, %while3A_693 = %while3A_624) : (i32, i32) -> (i32, i32) {
          %lt3A_694 = arith.cmpi slt, %while3A_692, %min3A_681 : i32
          scf.condition(%lt3A_694) %while3A_692, %while3A_693 : i32, i32
        } do {
        ^bb0(%while3A_692: i32, %while3A_693: i32):
          %while3A_694 = scf.while (%while3A_764 = %while3A_693) : (i32) -> i32 {
            %eq3A_765 = vector.broadcast %while3A_764 : i32 to vector<16xi32>
            %eq3A_766 = arith.cmpi eq, %iota3A, %eq3A_765 : vector<16xi32>
            %select_n3A_767 = arith.select %eq3A_766, %masked_cumsum3A, %broadcast_in_dim3A_4 : vector<16xi1>, vector<16xi32>
            %reduce_sum3A_768 = arith.constant true
            %reduce_sum3A_769 = vector.broadcast %reduce_sum3A_768 : i1 to vector<16xi1>
            %reduce_sum3A_770 = tpu.scan <sum>, %select_n3A_767 masked %reduce_sum3A_769 : vector<16xi32>, vector<16xi1> -> vector<16xi32>
            %reduce_sum3A_771 = vector.extract %reduce_sum3A_770[15] : i32 from vector<16xi32>
            %le3A = arith.cmpi sle, %reduce_sum3A_771, %while3A_692 : i32
            scf.condition(%le3A) %while3A_764 : i32
          } do {
          ^bb0(%while3A_764: i32):
            %add3A_765 = arith.constant 1 : i32
            %add3A_766 = arith.addi %while3A_764, %add3A_765 : i32
            scf.yield %add3A_766 : i32
          }
          %eq3A_695 = vector.broadcast %while3A_694 : i32 to vector<16xi32>
          %eq3A_696 = arith.cmpi eq, %iota3A, %eq3A_695 : vector<16xi32>
          %select_n3A_697 = arith.select %eq3A_696, %masked_cumsum3A, %broadcast_in_dim3A_4 : vector<16xi1>, vector<16xi32>
          %reduce_sum3A_698 = arith.constant true
          %reduce_sum3A_699 = vector.broadcast %reduce_sum3A_698 : i1 to vector<16xi1>
          %reduce_sum3A_700 = tpu.scan <sum>, %select_n3A_697 masked %reduce_sum3A_699 : vector<16xi32>, vector<16xi1> -> vector<16xi32>
          %reduce_sum3A_701 = vector.extract %reduce_sum3A_700[15] : i32 from vector<16xi32>
          %min3A_702 = arith.minsi %reduce_sum3A_701, %min3A_681 : i32
          %sub3A_703 = arith.subi %min3A_702, %while3A_692 : i32
          %sub3A_704 = arith.subi %while3A_692, %add3A_649 : i32
          %add3A_705 = arith.addi %sub3A_678, %sub3A_704 : i32
          %parallel_loop3A = arith.constant 0 : i32
          %parallel_loop3A_706 = arith.constant 1 : i32
          %parallel_loop3A_707:8 = scf.for %parallel_loop3A_764 = %parallel_loop3A to %sub3A_703 step %parallel_loop3A_706 iter_args(%parallel_loop3A_765 = %broadcast_in_dim3A_90, %parallel_loop3A_766 = %broadcast_in_dim3A_90, %parallel_loop3A_767 = %broadcast_in_dim3A_90, %parallel_loop3A_768 = %broadcast_in_dim3A_90, %parallel_loop3A_769 = %broadcast_in_dim3A_90, %parallel_loop3A_770 = %broadcast_in_dim3A_90, %parallel_loop3A_771 = %broadcast_in_dim3A_90, %parallel_loop3A_772 = %broadcast_in_dim3A_90) -> (vector<16xf32>, vector<16xf32>, vector<16xf32>, vector<16xf32>, vector<16xf32>, vector<16xf32>, vector<16xf32>, vector<16xf32>)  : i32 {
            %parallel_loop3A_773 = arith.addi %add3A_705, %parallel_loop3A_764 : i32
            %parallel_loop3A_774 = arith.index_cast %parallel_loop3A_773 : i32 to index
            %parallel_loop3A_775 = arith.constant 0 : index
            %parallel_loop3A_776 = tpu.vector_load %arg7[%parallel_loop3A_774, %parallel_loop3A_775] {strides = array<i32>} : memref<256x128xf32, #tpu.memory_space<vmem>>, vector<16xf32>,
            %parallel_loop3A_777 = arith.addf %parallel_loop3A_765, %parallel_loop3A_776 : vector<16xf32>
            %parallel_loop3A_778 = arith.index_cast %parallel_loop3A_773 : i32 to index
            %parallel_loop3A_779 = arith.constant 16 : index
            %parallel_loop3A_780 = tpu.vector_load %arg7[%parallel_loop3A_778, %parallel_loop3A_779] {strides = array<i32>} : memref<256x128xf32, #tpu.memory_space<vmem>>, vector<16xf32>,
            %parallel_loop3A_781 = arith.addf %parallel_loop3A_766, %parallel_loop3A_780 : vector<16xf32>
            %parallel_loop3A_782 = arith.index_cast %parallel_loop3A_773 : i32 to index
            %parallel_loop3A_783 = arith.constant 32 : index
            %parallel_loop3A_784 = tpu.vector_load %arg7[%parallel_loop3A_782, %parallel_loop3A_783] {strides = array<i32>} : memref<256x128xf32, #tpu.memory_space<vmem>>, vector<16xf32>,
            %parallel_loop3A_785 = arith.addf %parallel_loop3A_767, %parallel_loop3A_784 : vector<16xf32>
            %parallel_loop3A_786 = arith.index_cast %parallel_loop3A_773 : i32 to index
            %parallel_loop3A_787 = arith.constant 48 : index
            %parallel_loop3A_788 = tpu.vector_load %arg7[%parallel_loop3A_786, %parallel_loop3A_787] {strides = array<i32>} : memref<256x128xf32, #tpu.memory_space<vmem>>, vector<16xf32>,
            %parallel_loop3A_789 = arith.addf %parallel_loop3A_768, %parallel_loop3A_788 : vector<16xf32>
            %parallel_loop3A_790 = arith.index_cast %parallel_loop3A_773 : i32 to index
            %parallel_loop3A_791 = arith.constant 64 : index
            %parallel_loop3A_792 = tpu.vector_load %arg7[%parallel_loop3A_790, %parallel_loop3A_791] {strides = array<i32>} : memref<256x128xf32, #tpu.memory_space<vmem>>, vector<16xf32>,
            %parallel_loop3A_793 = arith.addf %parallel_loop3A_769, %parallel_loop3A_792 : vector<16xf32>
            %parallel_loop3A_794 = arith.index_cast %parallel_loop3A_773 : i32 to index
            %parallel_loop3A_795 = arith.constant 80 : index
            %parallel_loop3A_796 = tpu.vector_load %arg7[%parallel_loop3A_794, %parallel_loop3A_795] {strides = array<i32>} : memref<256x128xf32, #tpu.memory_space<vmem>>, vector<16xf32>,
            %parallel_loop3A_797 = arith.addf %parallel_loop3A_770, %parallel_loop3A_796 : vector<16xf32>
            %parallel_loop3A_798 = arith.index_cast %parallel_loop3A_773 : i32 to index
            %parallel_loop3A_799 = arith.constant 96 : index
            %parallel_loop3A_800 = tpu.vector_load %arg7[%parallel_loop3A_798, %parallel_loop3A_799] {strides = array<i32>} : memref<256x128xf32, #tpu.memory_space<vmem>>, vector<16xf32>,
            %parallel_loop3A_801 = arith.addf %parallel_loop3A_771, %parallel_loop3A_800 : vector<16xf32>
            %parallel_loop3A_802 = arith.index_cast %parallel_loop3A_773 : i32 to index
            %parallel_loop3A_803 = arith.constant 112 : index
            %parallel_loop3A_804 = tpu.vector_load %arg7[%parallel_loop3A_802, %parallel_loop3A_803] {strides = array<i32>} : memref<256x128xf32, #tpu.memory_space<vmem>>, vector<16xf32>,
            %parallel_loop3A_805 = arith.addf %parallel_loop3A_772, %parallel_loop3A_804 : vector<16xf32>
            scf.yield %parallel_loop3A_777, %parallel_loop3A_781, %parallel_loop3A_785, %parallel_loop3A_789, %parallel_loop3A_793, %parallel_loop3A_797, %parallel_loop3A_801, %parallel_loop3A_805 : vector<16xf32>, vector<16xf32>, vector<16xf32>, vector<16xf32>, vector<16xf32>, vector<16xf32>, vector<16xf32>, vector<16xf32>
          } {sc.loop_unroll_factor = 2 : i64, sc.parallel_access}
          %get3A_708 = arith.index_cast %while3A_694 : i32 to index
          %get3A_709 = arith.constant 0 : index
          %get3A_710 = tpu.vector_load %arg10[%get3A_708, %get3A_709] {strides = array<i32>} : memref<16x128xf32, #tpu.memory_space<vmem>>, vector<16xf32>,
          %add3A_711 = arith.addf %get3A_710, %parallel_loop3A_707#0 : vector<16xf32>
          %swap3A_712 = arith.index_cast %while3A_694 : i32 to index
          %swap3A_713 = arith.constant 0 : index
          %swap3A_714 = tpu.vector_load %arg10[%swap3A_712, %swap3A_713] {strides = array<i32>} : memref<16x128xf32, #tpu.memory_space<vmem>>, vector<16xf32>,
          tpu.vector_store %arg10[%swap3A_712, %swap3A_713], %add3A_711 {strides = array<i32>} : memref<16x128xf32, #tpu.memory_space<vmem>>, vector<16xf32>,
          %get3A_715 = arith.index_cast %while3A_694 : i32 to index
          %get3A_716 = arith.constant 16 : index
          %get3A_717 = tpu.vector_load %arg10[%get3A_715, %get3A_716] {strides = array<i32>} : memref<16x128xf32, #tpu.memory_space<vmem>>, vector<16xf32>,
          %add3A_718 = arith.addf %get3A_717, %parallel_loop3A_707#1 : vector<16xf32>
          %swap3A_719 = arith.index_cast %while3A_694 : i32 to index
          %swap3A_720 = arith.constant 16 : index
          %swap3A_721 = tpu.vector_load %arg10[%swap3A_719, %swap3A_720] {strides = array<i32>} : memref<16x128xf32, #tpu.memory_space<vmem>>, vector<16xf32>,
          tpu.vector_store %arg10[%swap3A_719, %swap3A_720], %add3A_718 {strides = array<i32>} : memref<16x128xf32, #tpu.memory_space<vmem>>, vector<16xf32>,
          %get3A_722 = arith.index_cast %while3A_694 : i32 to index
          %get3A_723 = arith.constant 32 : index
          %get3A_724 = tpu.vector_load %arg10[%get3A_722, %get3A_723] {strides = array<i32>} : memref<16x128xf32, #tpu.memory_space<vmem>>, vector<16xf32>,
          %add3A_725 = arith.addf %get3A_724, %parallel_loop3A_707#2 : vector<16xf32>
          %swap3A_726 = arith.index_cast %while3A_694 : i32 to index
          %swap3A_727 = arith.constant 32 : index
          %swap3A_728 = tpu.vector_load %arg10[%swap3A_726, %swap3A_727] {strides = array<i32>} : memref<16x128xf32, #tpu.memory_space<vmem>>, vector<16xf32>,
          tpu.vector_store %arg10[%swap3A_726, %swap3A_727], %add3A_725 {strides = array<i32>} : memref<16x128xf32, #tpu.memory_space<vmem>>, vector<16xf32>,
          %get3A_729 = arith.index_cast %while3A_694 : i32 to index
          %get3A_730 = arith.constant 48 : index
          %get3A_731 = tpu.vector_load %arg10[%get3A_729, %get3A_730] {strides = array<i32>} : memref<16x128xf32, #tpu.memory_space<vmem>>, vector<16xf32>,
          %add3A_732 = arith.addf %get3A_731, %parallel_loop3A_707#3 : vector<16xf32>
          %swap3A_733 = arith.index_cast %while3A_694 : i32 to index
          %swap3A_734 = arith.constant 48 : index
          %swap3A_735 = tpu.vector_load %arg10[%swap3A_733, %swap3A_734] {strides = array<i32>} : memref<16x128xf32, #tpu.memory_space<vmem>>, vector<16xf32>,
          tpu.vector_store %arg10[%swap3A_733, %swap3A_734], %add3A_732 {strides = array<i32>} : memref<16x128xf32, #tpu.memory_space<vmem>>, vector<16xf32>,
          %get3A_736 = arith.index_cast %while3A_694 : i32 to index
          %get3A_737 = arith.constant 64 : index
          %get3A_738 = tpu.vector_load %arg10[%get3A_736, %get3A_737] {strides = array<i32>} : memref<16x128xf32, #tpu.memory_space<vmem>>, vector<16xf32>,
          %add3A_739 = arith.addf %get3A_738, %parallel_loop3A_707#4 : vector<16xf32>
          %swap3A_740 = arith.index_cast %while3A_694 : i32 to index
          %swap3A_741 = arith.constant 64 : index
          %swap3A_742 = tpu.vector_load %arg10[%swap3A_740, %swap3A_741] {strides = array<i32>} : memref<16x128xf32, #tpu.memory_space<vmem>>, vector<16xf32>,
          tpu.vector_store %arg10[%swap3A_740, %swap3A_741], %add3A_739 {strides = array<i32>} : memref<16x128xf32, #tpu.memory_space<vmem>>, vector<16xf32>,
          %get3A_743 = arith.index_cast %while3A_694 : i32 to index
          %get3A_744 = arith.constant 80 : index
          %get3A_745 = tpu.vector_load %arg10[%get3A_743, %get3A_744] {strides = array<i32>} : memref<16x128xf32, #tpu.memory_space<vmem>>, vector<16xf32>,
          %add3A_746 = arith.addf %get3A_745, %parallel_loop3A_707#5 : vector<16xf32>
          %swap3A_747 = arith.index_cast %while3A_694 : i32 to index
          %swap3A_748 = arith.constant 80 : index
          %swap3A_749 = tpu.vector_load %arg10[%swap3A_747, %swap3A_748] {strides = array<i32>} : memref<16x128xf32, #tpu.memory_space<vmem>>, vector<16xf32>,
          tpu.vector_store %arg10[%swap3A_747, %swap3A_748], %add3A_746 {strides = array<i32>} : memref<16x128xf32, #tpu.memory_space<vmem>>, vector<16xf32>,
          %get3A_750 = arith.index_cast %while3A_694 : i32 to index
          %get3A_751 = arith.constant 96 : index
          %get3A_752 = tpu.vector_load %arg10[%get3A_750, %get3A_751] {strides = array<i32>} : memref<16x128xf32, #tpu.memory_space<vmem>>, vector<16xf32>,
          %add3A_753 = arith.addf %get3A_752, %parallel_loop3A_707#6 : vector<16xf32>
          %swap3A_754 = arith.index_cast %while3A_694 : i32 to index
          %swap3A_755 = arith.constant 96 : index
          %swap3A_756 = tpu.vector_load %arg10[%swap3A_754, %swap3A_755] {strides = array<i32>} : memref<16x128xf32, #tpu.memory_space<vmem>>, vector<16xf32>,
          tpu.vector_store %arg10[%swap3A_754, %swap3A_755], %add3A_753 {strides = array<i32>} : memref<16x128xf32, #tpu.memory_space<vmem>>, vector<16xf32>,
          %get3A_757 = arith.index_cast %while3A_694 : i32 to index
          %get3A_758 = arith.constant 112 : index
          %get3A_759 = tpu.vector_load %arg10[%get3A_757, %get3A_758] {strides = array<i32>} : memref<16x128xf32, #tpu.memory_space<vmem>>, vector<16xf32>,
          %add3A_760 = arith.addf %get3A_759, %parallel_loop3A_707#7 : vector<16xf32>
          %swap3A_761 = arith.index_cast %while3A_694 : i32 to index
          %swap3A_762 = arith.constant 112 : index
          %swap3A_763 = tpu.vector_load %arg10[%swap3A_761, %swap3A_762] {strides = array<i32>} : memref<16x128xf32, #tpu.memory_space<vmem>>, vector<16xf32>,
          tpu.vector_store %arg10[%swap3A_761, %swap3A_762], %add3A_760 {strides = array<i32>} : memref<16x128xf32, #tpu.memory_space<vmem>>, vector<16xf32>,
          scf.yield %min3A_702, %while3A_694 : i32, i32
        }
        scf.yield %while3A_691#1 : i32
      } else {
        %eq3A_647 = arith.constant 1 : i32
        %eq3A_648 = arith.cmpi eq, %select_n3A_640, %eq3A_647 : i32
        %convert_element_type3A_649 = arith.extui %eq3A_648 : i1 to i32
        %cond3A_650 = arith.constant 0 : i32
        %cond3A_651 = arith.cmpi ne, %convert_element_type3A_649, %cond3A_650 : i32
        %cond3A_652 = scf.if %cond3A_651 -> (i32) {
          %mul3A_653 = arith.constant 248 : i32
          %mul3A_654 = arith.muli %while3A_623, %mul3A_653 : i32
          %add3A_655 = arith.addi %add3A_45, %mul3A_654 : i32
          %jit3A_656 = arith.constant 8 : i32
          %div3A_657 = arith.divsi %add3A_655, %jit3A_656 : i32
          %sign3A_658 = arith.constant 0 : i32
          %sign3A_659 = arith.cmpi sgt, %add3A_655, %sign3A_658 : i32
          %sign3A_660 = arith.extui %sign3A_659 : i1 to i32
          %sign3A_661 = arith.constant 0 : i32
          %sign3A_662 = arith.cmpi slt, %add3A_655, %sign3A_661 : i32
          %sign3A_663 = arith.extui %sign3A_662 : i1 to i32
          %sign3A_664 = arith.subi %sign3A_660, %sign3A_663 : i32
          %sign3A_665 = arith.constant 0 : i32
          %sign3A_666 = arith.cmpi sgt, %jit3A_656, %sign3A_665 : i32
          %sign3A_667 = arith.extui %sign3A_666 : i1 to i32
          %sign3A_668 = arith.constant 0 : i32
          %sign3A_669 = arith.cmpi slt, %jit3A_656, %sign3A_668 : i32
          %sign3A_670 = arith.extui %sign3A_669 : i1 to i32
          %sign3A_671 = arith.subi %sign3A_667, %sign3A_670 : i32
          %ne3A_672 = arith.cmpi ne, %sign3A_664, %sign3A_671 : i32
          %rem3A_673 = arith.remsi %add3A_655, %jit3A_656 : i32
          %ne3A_674 = arith.constant 0 : i32
          %ne3A_675 = arith.cmpi ne, %rem3A_673, %ne3A_674 : i32
          %and3A_676 = arith.andi %ne3A_672, %ne3A_675 : i1
          %sub3A_677 = arith.constant 1 : i32
          %sub3A_678 = arith.subi %div3A_657, %sub3A_677 : i32
          %select_n3A_679 = arith.select %and3A_676, %sub3A_678, %div3A_657 : i32
          %mul3A_680 = arith.constant 8 : i32
          %mul3A_681 = arith.muli %select_n3A_679, %mul3A_680 : i32
          %min3A_682 = arith.constant 32512 : i32
          %min3A_683 = arith.minsi %mul3A_681, %min3A_682 : i32
          %sub3A_684 = arith.subi %add3A_655, %min3A_683 : i32
          %add3A_685 = arith.constant 248 : i32
          %add3A_686 = arith.addi %add3A_655, %add3A_685 : i32
          %min3A_687 = arith.minsi %add3A_686, %min3A : i32
          %dma_wait3A = arith.constant 0 : i32
          %dma_wait3A_688 = tpu.memref_slice %arg2[%min3A_683, %dma_wait3A] : memref<32768x128xf32, #tpu.memory_space<hbm>> -> memref<256x128xf32, #tpu.memory_space<hbm>>
          %dma_wait3A_689 = arith.constant 0 : i32
          %dma_wait3A_690 = tpu.memref_slice %arg2[%min3A_683, %dma_wait3A_689] : memref<32768x128xf32, #tpu.memory_space<hbm>> -> memref<256x128xf32, #tpu.memory_space<hbm>>
          tpu.wait_dma2 semaphore(%arg14 : memref<!tpu.dma_semaphore, #tpu.memory_space<semaphore_mem>>) src(%dma_wait3A_690 : memref<256x128xf32, #tpu.memory_space<hbm>>) dst(%arg8 : memref<256x128xf32, #tpu.memory_space<vmem>>)
          %add3A_691 = arith.constant 3 : i32
          %add3A_692 = arith.addi %while3A_623, %add3A_691 : i32
          %lt3A_693 = arith.cmpi slt, %add3A_692, %select_n3A_76 : i32
          %convert_element_type3A_694 = arith.extui %lt3A_693 : i1 to i32
          %cond3A_695 = arith.constant 0 : i32
          %cond3A_696 = arith.cmpi ne, %convert_element_type3A_694, %cond3A_695 : i32
          scf.if %cond3A_696 {
            %add3A_698 = arith.constant 3 : i32
            %add3A_699 = arith.addi %while3A_623, %add3A_698 : i32
            %mul3A_700 = arith.constant 248 : i32
            %mul3A_701 = arith.muli %add3A_699, %mul3A_700 : i32
            %add3A_702 = arith.addi %add3A_45, %mul3A_701 : i32
            %jit3A_703 = arith.constant 8 : i32
            %div3A_704 = arith.divsi %add3A_702, %jit3A_703 : i32
            %sign3A_705 = arith.constant 0 : i32
            %sign3A_706 = arith.cmpi sgt, %add3A_702, %sign3A_705 : i32
            %sign3A_707 = arith.extui %sign3A_706 : i1 to i32
            %sign3A_708 = arith.constant 0 : i32
            %sign3A_709 = arith.cmpi slt, %add3A_702, %sign3A_708 : i32
            %sign3A_710 = arith.extui %sign3A_709 : i1 to i32
            %sign3A_711 = arith.subi %sign3A_707, %sign3A_710 : i32
            %sign3A_712 = arith.constant 0 : i32
            %sign3A_713 = arith.cmpi sgt, %jit3A_703, %sign3A_712 : i32
            %sign3A_714 = arith.extui %sign3A_713 : i1 to i32
            %sign3A_715 = arith.constant 0 : i32
            %sign3A_716 = arith.cmpi slt, %jit3A_703, %sign3A_715 : i32
            %sign3A_717 = arith.extui %sign3A_716 : i1 to i32
            %sign3A_718 = arith.subi %sign3A_714, %sign3A_717 : i32
            %ne3A_719 = arith.cmpi ne, %sign3A_711, %sign3A_718 : i32
            %rem3A_720 = arith.remsi %add3A_702, %jit3A_703 : i32
            %ne3A_721 = arith.constant 0 : i32
            %ne3A_722 = arith.cmpi ne, %rem3A_720, %ne3A_721 : i32
            %and3A_723 = arith.andi %ne3A_719, %ne3A_722 : i1
            %sub3A_724 = arith.constant 1 : i32
            %sub3A_725 = arith.subi %div3A_704, %sub3A_724 : i32
            %select_n3A_726 = arith.select %and3A_723, %sub3A_725, %div3A_704 : i32
            %mul3A_727 = arith.constant 8 : i32
            %mul3A_728 = arith.muli %select_n3A_726, %mul3A_727 : i32
            %min3A_729 = arith.constant 32512 : i32
            %min3A_730 = arith.minsi %mul3A_728, %min3A_729 : i32
            %dma_start3A = arith.constant 0 : i32
            %dma_start3A_731 = tpu.memref_slice %arg2[%min3A_730, %dma_start3A] : memref<32768x128xf32, #tpu.memory_space<hbm>> -> memref<256x128xf32, #tpu.memory_space<hbm>>
            %dma_start3A_732 = arith.constant 0 : i32
            %dma_start3A_733 = tpu.memref_slice %arg2[%min3A_730, %dma_start3A_732] : memref<32768x128xf32, #tpu.memory_space<hbm>> -> memref<256x128xf32, #tpu.memory_space<hbm>>
            tpu.enqueue_dma source(%dma_start3A_733 : memref<256x128xf32, #tpu.memory_space<hbm>>) target(%arg8 : memref<256x128xf32, #tpu.memory_space<vmem>>) target_semaphore(%arg14 : memref<!tpu.dma_semaphore, #tpu.memory_space<semaphore_mem>>)
          } else {
          }
          %while3A_697:2 = scf.while (%while3A_698 = %add3A_655, %while3A_699 = %while3A_624) : (i32, i32) -> (i32, i32) {
            %lt3A_700 = arith.cmpi slt, %while3A_698, %min3A_687 : i32
            scf.condition(%lt3A_700) %while3A_698, %while3A_699 : i32, i32
          } do {
          ^bb0(%while3A_698: i32, %while3A_699: i32):
            %while3A_700 = scf.while (%while3A_770 = %while3A_699) : (i32) -> i32 {
              %eq3A_771 = vector.broadcast %while3A_770 : i32 to vector<16xi32>
              %eq3A_772 = arith.cmpi eq, %iota3A, %eq3A_771 : vector<16xi32>
              %select_n3A_773 = arith.select %eq3A_772, %masked_cumsum3A, %broadcast_in_dim3A_4 : vector<16xi1>, vector<16xi32>
              %reduce_sum3A_774 = arith.constant true
              %reduce_sum3A_775 = vector.broadcast %reduce_sum3A_774 : i1 to vector<16xi1>
              %reduce_sum3A_776 = tpu.scan <sum>, %select_n3A_773 masked %reduce_sum3A_775 : vector<16xi32>, vector<16xi1> -> vector<16xi32>
              %reduce_sum3A_777 = vector.extract %reduce_sum3A_776[15] : i32 from vector<16xi32>
              %le3A = arith.cmpi sle, %reduce_sum3A_777, %while3A_698 : i32
              scf.condition(%le3A) %while3A_770 : i32
            } do {
            ^bb0(%while3A_770: i32):
              %add3A_771 = arith.constant 1 : i32
              %add3A_772 = arith.addi %while3A_770, %add3A_771 : i32
              scf.yield %add3A_772 : i32
            }
            %eq3A_701 = vector.broadcast %while3A_700 : i32 to vector<16xi32>
            %eq3A_702 = arith.cmpi eq, %iota3A, %eq3A_701 : vector<16xi32>
            %select_n3A_703 = arith.select %eq3A_702, %masked_cumsum3A, %broadcast_in_dim3A_4 : vector<16xi1>, vector<16xi32>
            %reduce_sum3A_704 = arith.constant true
            %reduce_sum3A_705 = vector.broadcast %reduce_sum3A_704 : i1 to vector<16xi1>
            %reduce_sum3A_706 = tpu.scan <sum>, %select_n3A_703 masked %reduce_sum3A_705 : vector<16xi32>, vector<16xi1> -> vector<16xi32>
            %reduce_sum3A_707 = vector.extract %reduce_sum3A_706[15] : i32 from vector<16xi32>
            %min3A_708 = arith.minsi %reduce_sum3A_707, %min3A_687 : i32
            %sub3A_709 = arith.subi %min3A_708, %while3A_698 : i32
            %sub3A_710 = arith.subi %while3A_698, %add3A_655 : i32
            %add3A_711 = arith.addi %sub3A_684, %sub3A_710 : i32
            %parallel_loop3A = arith.constant 0 : i32
            %parallel_loop3A_712 = arith.constant 1 : i32
            %parallel_loop3A_713:8 = scf.for %parallel_loop3A_770 = %parallel_loop3A to %sub3A_709 step %parallel_loop3A_712 iter_args(%parallel_loop3A_771 = %broadcast_in_dim3A_90, %parallel_loop3A_772 = %broadcast_in_dim3A_90, %parallel_loop3A_773 = %broadcast_in_dim3A_90, %parallel_loop3A_774 = %broadcast_in_dim3A_90, %parallel_loop3A_775 = %broadcast_in_dim3A_90, %parallel_loop3A_776 = %broadcast_in_dim3A_90, %parallel_loop3A_777 = %broadcast_in_dim3A_90, %parallel_loop3A_778 = %broadcast_in_dim3A_90) -> (vector<16xf32>, vector<16xf32>, vector<16xf32>, vector<16xf32>, vector<16xf32>, vector<16xf32>, vector<16xf32>, vector<16xf32>)  : i32 {
              %parallel_loop3A_779 = arith.addi %add3A_711, %parallel_loop3A_770 : i32
              %parallel_loop3A_780 = arith.index_cast %parallel_loop3A_779 : i32 to index
              %parallel_loop3A_781 = arith.constant 0 : index
              %parallel_loop3A_782 = tpu.vector_load %arg8[%parallel_loop3A_780, %parallel_loop3A_781] {strides = array<i32>} : memref<256x128xf32, #tpu.memory_space<vmem>>, vector<16xf32>,
              %parallel_loop3A_783 = arith.addf %parallel_loop3A_771, %parallel_loop3A_782 : vector<16xf32>
              %parallel_loop3A_784 = arith.index_cast %parallel_loop3A_779 : i32 to index
              %parallel_loop3A_785 = arith.constant 16 : index
              %parallel_loop3A_786 = tpu.vector_load %arg8[%parallel_loop3A_784, %parallel_loop3A_785] {strides = array<i32>} : memref<256x128xf32, #tpu.memory_space<vmem>>, vector<16xf32>,
              %parallel_loop3A_787 = arith.addf %parallel_loop3A_772, %parallel_loop3A_786 : vector<16xf32>
              %parallel_loop3A_788 = arith.index_cast %parallel_loop3A_779 : i32 to index
              %parallel_loop3A_789 = arith.constant 32 : index
              %parallel_loop3A_790 = tpu.vector_load %arg8[%parallel_loop3A_788, %parallel_loop3A_789] {strides = array<i32>} : memref<256x128xf32, #tpu.memory_space<vmem>>, vector<16xf32>,
              %parallel_loop3A_791 = arith.addf %parallel_loop3A_773, %parallel_loop3A_790 : vector<16xf32>
              %parallel_loop3A_792 = arith.index_cast %parallel_loop3A_779 : i32 to index
              %parallel_loop3A_793 = arith.constant 48 : index
              %parallel_loop3A_794 = tpu.vector_load %arg8[%parallel_loop3A_792, %parallel_loop3A_793] {strides = array<i32>} : memref<256x128xf32, #tpu.memory_space<vmem>>, vector<16xf32>,
              %parallel_loop3A_795 = arith.addf %parallel_loop3A_774, %parallel_loop3A_794 : vector<16xf32>
              %parallel_loop3A_796 = arith.index_cast %parallel_loop3A_779 : i32 to index
              %parallel_loop3A_797 = arith.constant 64 : index
              %parallel_loop3A_798 = tpu.vector_load %arg8[%parallel_loop3A_796, %parallel_loop3A_797] {strides = array<i32>} : memref<256x128xf32, #tpu.memory_space<vmem>>, vector<16xf32>,
              %parallel_loop3A_799 = arith.addf %parallel_loop3A_775, %parallel_loop3A_798 : vector<16xf32>
              %parallel_loop3A_800 = arith.index_cast %parallel_loop3A_779 : i32 to index
              %parallel_loop3A_801 = arith.constant 80 : index
              %parallel_loop3A_802 = tpu.vector_load %arg8[%parallel_loop3A_800, %parallel_loop3A_801] {strides = array<i32>} : memref<256x128xf32, #tpu.memory_space<vmem>>, vector<16xf32>,
              %parallel_loop3A_803 = arith.addf %parallel_loop3A_776, %parallel_loop3A_802 : vector<16xf32>
              %parallel_loop3A_804 = arith.index_cast %parallel_loop3A_779 : i32 to index
              %parallel_loop3A_805 = arith.constant 96 : index
              %parallel_loop3A_806 = tpu.vector_load %arg8[%parallel_loop3A_804, %parallel_loop3A_805] {strides = array<i32>} : memref<256x128xf32, #tpu.memory_space<vmem>>, vector<16xf32>,
              %parallel_loop3A_807 = arith.addf %parallel_loop3A_777, %parallel_loop3A_806 : vector<16xf32>
              %parallel_loop3A_808 = arith.index_cast %parallel_loop3A_779 : i32 to index
              %parallel_loop3A_809 = arith.constant 112 : index
              %parallel_loop3A_810 = tpu.vector_load %arg8[%parallel_loop3A_808, %parallel_loop3A_809] {strides = array<i32>} : memref<256x128xf32, #tpu.memory_space<vmem>>, vector<16xf32>,
              %parallel_loop3A_811 = arith.addf %parallel_loop3A_778, %parallel_loop3A_810 : vector<16xf32>
              scf.yield %parallel_loop3A_783, %parallel_loop3A_787, %parallel_loop3A_791, %parallel_loop3A_795, %parallel_loop3A_799, %parallel_loop3A_803, %parallel_loop3A_807, %parallel_loop3A_811 : vector<16xf32>, vector<16xf32>, vector<16xf32>, vector<16xf32>, vector<16xf32>, vector<16xf32>, vector<16xf32>, vector<16xf32>
            } {sc.loop_unroll_factor = 2 : i64, sc.parallel_access}
            %get3A_714 = arith.index_cast %while3A_700 : i32 to index
            %get3A_715 = arith.constant 0 : index
            %get3A_716 = tpu.vector_load %arg10[%get3A_714, %get3A_715] {strides = array<i32>} : memref<16x128xf32, #tpu.memory_space<vmem>>, vector<16xf32>,
            %add3A_717 = arith.addf %get3A_716, %parallel_loop3A_713#0 : vector<16xf32>
            %swap3A_718 = arith.index_cast %while3A_700 : i32 to index
            %swap3A_719 = arith.constant 0 : index
            %swap3A_720 = tpu.vector_load %arg10[%swap3A_718, %swap3A_719] {strides = array<i32>} : memref<16x128xf32, #tpu.memory_space<vmem>>, vector<16xf32>,
            tpu.vector_store %arg10[%swap3A_718, %swap3A_719], %add3A_717 {strides = array<i32>} : memref<16x128xf32, #tpu.memory_space<vmem>>, vector<16xf32>,
            %get3A_721 = arith.index_cast %while3A_700 : i32 to index
            %get3A_722 = arith.constant 16 : index
            %get3A_723 = tpu.vector_load %arg10[%get3A_721, %get3A_722] {strides = array<i32>} : memref<16x128xf32, #tpu.memory_space<vmem>>, vector<16xf32>,
            %add3A_724 = arith.addf %get3A_723, %parallel_loop3A_713#1 : vector<16xf32>
            %swap3A_725 = arith.index_cast %while3A_700 : i32 to index
            %swap3A_726 = arith.constant 16 : index
            %swap3A_727 = tpu.vector_load %arg10[%swap3A_725, %swap3A_726] {strides = array<i32>} : memref<16x128xf32, #tpu.memory_space<vmem>>, vector<16xf32>,
            tpu.vector_store %arg10[%swap3A_725, %swap3A_726], %add3A_724 {strides = array<i32>} : memref<16x128xf32, #tpu.memory_space<vmem>>, vector<16xf32>,
            %get3A_728 = arith.index_cast %while3A_700 : i32 to index
            %get3A_729 = arith.constant 32 : index
            %get3A_730 = tpu.vector_load %arg10[%get3A_728, %get3A_729] {strides = array<i32>} : memref<16x128xf32, #tpu.memory_space<vmem>>, vector<16xf32>,
            %add3A_731 = arith.addf %get3A_730, %parallel_loop3A_713#2 : vector<16xf32>
            %swap3A_732 = arith.index_cast %while3A_700 : i32 to index
            %swap3A_733 = arith.constant 32 : index
            %swap3A_734 = tpu.vector_load %arg10[%swap3A_732, %swap3A_733] {strides = array<i32>} : memref<16x128xf32, #tpu.memory_space<vmem>>, vector<16xf32>,
            tpu.vector_store %arg10[%swap3A_732, %swap3A_733], %add3A_731 {strides = array<i32>} : memref<16x128xf32, #tpu.memory_space<vmem>>, vector<16xf32>,
            %get3A_735 = arith.index_cast %while3A_700 : i32 to index
            %get3A_736 = arith.constant 48 : index
            %get3A_737 = tpu.vector_load %arg10[%get3A_735, %get3A_736] {strides = array<i32>} : memref<16x128xf32, #tpu.memory_space<vmem>>, vector<16xf32>,
            %add3A_738 = arith.addf %get3A_737, %parallel_loop3A_713#3 : vector<16xf32>
            %swap3A_739 = arith.index_cast %while3A_700 : i32 to index
            %swap3A_740 = arith.constant 48 : index
            %swap3A_741 = tpu.vector_load %arg10[%swap3A_739, %swap3A_740] {strides = array<i32>} : memref<16x128xf32, #tpu.memory_space<vmem>>, vector<16xf32>,
            tpu.vector_store %arg10[%swap3A_739, %swap3A_740], %add3A_738 {strides = array<i32>} : memref<16x128xf32, #tpu.memory_space<vmem>>, vector<16xf32>,
            %get3A_742 = arith.index_cast %while3A_700 : i32 to index
            %get3A_743 = arith.constant 64 : index
            %get3A_744 = tpu.vector_load %arg10[%get3A_742, %get3A_743] {strides = array<i32>} : memref<16x128xf32, #tpu.memory_space<vmem>>, vector<16xf32>,
            %add3A_745 = arith.addf %get3A_744, %parallel_loop3A_713#4 : vector<16xf32>
            %swap3A_746 = arith.index_cast %while3A_700 : i32 to index
            %swap3A_747 = arith.constant 64 : index
            %swap3A_748 = tpu.vector_load %arg10[%swap3A_746, %swap3A_747] {strides = array<i32>} : memref<16x128xf32, #tpu.memory_space<vmem>>, vector<16xf32>,
            tpu.vector_store %arg10[%swap3A_746, %swap3A_747], %add3A_745 {strides = array<i32>} : memref<16x128xf32, #tpu.memory_space<vmem>>, vector<16xf32>,
            %get3A_749 = arith.index_cast %while3A_700 : i32 to index
            %get3A_750 = arith.constant 80 : index
            %get3A_751 = tpu.vector_load %arg10[%get3A_749, %get3A_750] {strides = array<i32>} : memref<16x128xf32, #tpu.memory_space<vmem>>, vector<16xf32>,
            %add3A_752 = arith.addf %get3A_751, %parallel_loop3A_713#5 : vector<16xf32>
            %swap3A_753 = arith.index_cast %while3A_700 : i32 to index
            %swap3A_754 = arith.constant 80 : index
            %swap3A_755 = tpu.vector_load %arg10[%swap3A_753, %swap3A_754] {strides = array<i32>} : memref<16x128xf32, #tpu.memory_space<vmem>>, vector<16xf32>,
            tpu.vector_store %arg10[%swap3A_753, %swap3A_754], %add3A_752 {strides = array<i32>} : memref<16x128xf32, #tpu.memory_space<vmem>>, vector<16xf32>,
            %get3A_756 = arith.index_cast %while3A_700 : i32 to index
            %get3A_757 = arith.constant 96 : index
            %get3A_758 = tpu.vector_load %arg10[%get3A_756, %get3A_757] {strides = array<i32>} : memref<16x128xf32, #tpu.memory_space<vmem>>, vector<16xf32>,
            %add3A_759 = arith.addf %get3A_758, %parallel_loop3A_713#6 : vector<16xf32>
            %swap3A_760 = arith.index_cast %while3A_700 : i32 to index
            %swap3A_761 = arith.constant 96 : index
            %swap3A_762 = tpu.vector_load %arg10[%swap3A_760, %swap3A_761] {strides = array<i32>} : memref<16x128xf32, #tpu.memory_space<vmem>>, vector<16xf32>,
            tpu.vector_store %arg10[%swap3A_760, %swap3A_761], %add3A_759 {strides = array<i32>} : memref<16x128xf32, #tpu.memory_space<vmem>>, vector<16xf32>,
            %get3A_763 = arith.index_cast %while3A_700 : i32 to index
            %get3A_764 = arith.constant 112 : index
            %get3A_765 = tpu.vector_load %arg10[%get3A_763, %get3A_764] {strides = array<i32>} : memref<16x128xf32, #tpu.memory_space<vmem>>, vector<16xf32>,
            %add3A_766 = arith.addf %get3A_765, %parallel_loop3A_713#7 : vector<16xf32>
            %swap3A_767 = arith.index_cast %while3A_700 : i32 to index
            %swap3A_768 = arith.constant 112 : index
            %swap3A_769 = tpu.vector_load %arg10[%swap3A_767, %swap3A_768] {strides = array<i32>} : memref<16x128xf32, #tpu.memory_space<vmem>>, vector<16xf32>,
            tpu.vector_store %arg10[%swap3A_767, %swap3A_768], %add3A_766 {strides = array<i32>} : memref<16x128xf32, #tpu.memory_space<vmem>>, vector<16xf32>,
            scf.yield %min3A_708, %while3A_700 : i32, i32
          }
          scf.yield %while3A_697#1 : i32
        } else {
          %mul3A_653 = arith.constant 248 : i32
          %mul3A_654 = arith.muli %while3A_623, %mul3A_653 : i32
          %add3A_655 = arith.addi %add3A_45, %mul3A_654 : i32
          %jit3A_656 = arith.constant 8 : i32
          %div3A_657 = arith.divsi %add3A_655, %jit3A_656 : i32
          %sign3A_658 = arith.constant 0 : i32
          %sign3A_659 = arith.cmpi sgt, %add3A_655, %sign3A_658 : i32
          %sign3A_660 = arith.extui %sign3A_659 : i1 to i32
          %sign3A_661 = arith.constant 0 : i32
          %sign3A_662 = arith.cmpi slt, %add3A_655, %sign3A_661 : i32
          %sign3A_663 = arith.extui %sign3A_662 : i1 to i32
          %sign3A_664 = arith.subi %sign3A_660, %sign3A_663 : i32
          %sign3A_665 = arith.constant 0 : i32
          %sign3A_666 = arith.cmpi sgt, %jit3A_656, %sign3A_665 : i32
          %sign3A_667 = arith.extui %sign3A_666 : i1 to i32
          %sign3A_668 = arith.constant 0 : i32
          %sign3A_669 = arith.cmpi slt, %jit3A_656, %sign3A_668 : i32
          %sign3A_670 = arith.extui %sign3A_669 : i1 to i32
          %sign3A_671 = arith.subi %sign3A_667, %sign3A_670 : i32
          %ne3A_672 = arith.cmpi ne, %sign3A_664, %sign3A_671 : i32
          %rem3A_673 = arith.remsi %add3A_655, %jit3A_656 : i32
          %ne3A_674 = arith.constant 0 : i32
          %ne3A_675 = arith.cmpi ne, %rem3A_673, %ne3A_674 : i32
          %and3A_676 = arith.andi %ne3A_672, %ne3A_675 : i1
          %sub3A_677 = arith.constant 1 : i32
          %sub3A_678 = arith.subi %div3A_657, %sub3A_677 : i32
          %select_n3A_679 = arith.select %and3A_676, %sub3A_678, %div3A_657 : i32
          %mul3A_680 = arith.constant 8 : i32
          %mul3A_681 = arith.muli %select_n3A_679, %mul3A_680 : i32
          %min3A_682 = arith.constant 32512 : i32
          %min3A_683 = arith.minsi %mul3A_681, %min3A_682 : i32
          %sub3A_684 = arith.subi %add3A_655, %min3A_683 : i32
          %add3A_685 = arith.constant 248 : i32
          %add3A_686 = arith.addi %add3A_655, %add3A_685 : i32
          %min3A_687 = arith.minsi %add3A_686, %min3A : i32
          %dma_wait3A = arith.constant 0 : i32
          %dma_wait3A_688 = tpu.memref_slice %arg2[%min3A_683, %dma_wait3A] : memref<32768x128xf32, #tpu.memory_space<hbm>> -> memref<256x128xf32, #tpu.memory_space<hbm>>
          %dma_wait3A_689 = arith.constant 0 : i32
          %dma_wait3A_690 = tpu.memref_slice %arg2[%min3A_683, %dma_wait3A_689] : memref<32768x128xf32, #tpu.memory_space<hbm>> -> memref<256x128xf32, #tpu.memory_space<hbm>>
          tpu.wait_dma2 semaphore(%arg15 : memref<!tpu.dma_semaphore, #tpu.memory_space<semaphore_mem>>) src(%dma_wait3A_690 : memref<256x128xf32, #tpu.memory_space<hbm>>) dst(%arg9 : memref<256x128xf32, #tpu.memory_space<vmem>>)
          %add3A_691 = arith.constant 3 : i32
          %add3A_692 = arith.addi %while3A_623, %add3A_691 : i32
          %lt3A_693 = arith.cmpi slt, %add3A_692, %select_n3A_76 : i32
          %convert_element_type3A_694 = arith.extui %lt3A_693 : i1 to i32
          %cond3A_695 = arith.constant 0 : i32
          %cond3A_696 = arith.cmpi ne, %convert_element_type3A_694, %cond3A_695 : i32
          scf.if %cond3A_696 {
            %add3A_698 = arith.constant 3 : i32
            %add3A_699 = arith.addi %while3A_623, %add3A_698 : i32
            %mul3A_700 = arith.constant 248 : i32
            %mul3A_701 = arith.muli %add3A_699, %mul3A_700 : i32
            %add3A_702 = arith.addi %add3A_45, %mul3A_701 : i32
            %jit3A_703 = arith.constant 8 : i32
            %div3A_704 = arith.divsi %add3A_702, %jit3A_703 : i32
            %sign3A_705 = arith.constant 0 : i32
            %sign3A_706 = arith.cmpi sgt, %add3A_702, %sign3A_705 : i32
            %sign3A_707 = arith.extui %sign3A_706 : i1 to i32
            %sign3A_708 = arith.constant 0 : i32
            %sign3A_709 = arith.cmpi slt, %add3A_702, %sign3A_708 : i32
            %sign3A_710 = arith.extui %sign3A_709 : i1 to i32
            %sign3A_711 = arith.subi %sign3A_707, %sign3A_710 : i32
            %sign3A_712 = arith.constant 0 : i32
            %sign3A_713 = arith.cmpi sgt, %jit3A_703, %sign3A_712 : i32
            %sign3A_714 = arith.extui %sign3A_713 : i1 to i32
            %sign3A_715 = arith.constant 0 : i32
            %sign3A_716 = arith.cmpi slt, %jit3A_703, %sign3A_715 : i32
            %sign3A_717 = arith.extui %sign3A_716 : i1 to i32
            %sign3A_718 = arith.subi %sign3A_714, %sign3A_717 : i32
            %ne3A_719 = arith.cmpi ne, %sign3A_711, %sign3A_718 : i32
            %rem3A_720 = arith.remsi %add3A_702, %jit3A_703 : i32
            %ne3A_721 = arith.constant 0 : i32
            %ne3A_722 = arith.cmpi ne, %rem3A_720, %ne3A_721 : i32
            %and3A_723 = arith.andi %ne3A_719, %ne3A_722 : i1
            %sub3A_724 = arith.constant 1 : i32
            %sub3A_725 = arith.subi %div3A_704, %sub3A_724 : i32
            %select_n3A_726 = arith.select %and3A_723, %sub3A_725, %div3A_704 : i32
            %mul3A_727 = arith.constant 8 : i32
            %mul3A_728 = arith.muli %select_n3A_726, %mul3A_727 : i32
            %min3A_729 = arith.constant 32512 : i32
            %min3A_730 = arith.minsi %mul3A_728, %min3A_729 : i32
            %dma_start3A = arith.constant 0 : i32
            %dma_start3A_731 = tpu.memref_slice %arg2[%min3A_730, %dma_start3A] : memref<32768x128xf32, #tpu.memory_space<hbm>> -> memref<256x128xf32, #tpu.memory_space<hbm>>
            %dma_start3A_732 = arith.constant 0 : i32
            %dma_start3A_733 = tpu.memref_slice %arg2[%min3A_730, %dma_start3A_732] : memref<32768x128xf32, #tpu.memory_space<hbm>> -> memref<256x128xf32, #tpu.memory_space<hbm>>
            tpu.enqueue_dma source(%dma_start3A_733 : memref<256x128xf32, #tpu.memory_space<hbm>>) target(%arg9 : memref<256x128xf32, #tpu.memory_space<vmem>>) target_semaphore(%arg15 : memref<!tpu.dma_semaphore, #tpu.memory_space<semaphore_mem>>)
          } else {
          }
          %while3A_697:2 = scf.while (%while3A_698 = %add3A_655, %while3A_699 = %while3A_624) : (i32, i32) -> (i32, i32) {
            %lt3A_700 = arith.cmpi slt, %while3A_698, %min3A_687 : i32
            scf.condition(%lt3A_700) %while3A_698, %while3A_699 : i32, i32
          } do {
          ^bb0(%while3A_698: i32, %while3A_699: i32):
            %while3A_700 = scf.while (%while3A_770 = %while3A_699) : (i32) -> i32 {
              %eq3A_771 = vector.broadcast %while3A_770 : i32 to vector<16xi32>
              %eq3A_772 = arith.cmpi eq, %iota3A, %eq3A_771 : vector<16xi32>
              %select_n3A_773 = arith.select %eq3A_772, %masked_cumsum3A, %broadcast_in_dim3A_4 : vector<16xi1>, vector<16xi32>
              %reduce_sum3A_774 = arith.constant true
              %reduce_sum3A_775 = vector.broadcast %reduce_sum3A_774 : i1 to vector<16xi1>
              %reduce_sum3A_776 = tpu.scan <sum>, %select_n3A_773 masked %reduce_sum3A_775 : vector<16xi32>, vector<16xi1> -> vector<16xi32>
              %reduce_sum3A_777 = vector.extract %reduce_sum3A_776[15] : i32 from vector<16xi32>
              %le3A = arith.cmpi sle, %reduce_sum3A_777, %while3A_698 : i32
              scf.condition(%le3A) %while3A_770 : i32
            } do {
            ^bb0(%while3A_770: i32):
              %add3A_771 = arith.constant 1 : i32
              %add3A_772 = arith.addi %while3A_770, %add3A_771 : i32
              scf.yield %add3A_772 : i32
            }
            %eq3A_701 = vector.broadcast %while3A_700 : i32 to vector<16xi32>
            %eq3A_702 = arith.cmpi eq, %iota3A, %eq3A_701 : vector<16xi32>
            %select_n3A_703 = arith.select %eq3A_702, %masked_cumsum3A, %broadcast_in_dim3A_4 : vector<16xi1>, vector<16xi32>
            %reduce_sum3A_704 = arith.constant true
            %reduce_sum3A_705 = vector.broadcast %reduce_sum3A_704 : i1 to vector<16xi1>
            %reduce_sum3A_706 = tpu.scan <sum>, %select_n3A_703 masked %reduce_sum3A_705 : vector<16xi32>, vector<16xi1> -> vector<16xi32>
            %reduce_sum3A_707 = vector.extract %reduce_sum3A_706[15] : i32 from vector<16xi32>
            %min3A_708 = arith.minsi %reduce_sum3A_707, %min3A_687 : i32
            %sub3A_709 = arith.subi %min3A_708, %while3A_698 : i32
            %sub3A_710 = arith.subi %while3A_698, %add3A_655 : i32
            %add3A_711 = arith.addi %sub3A_684, %sub3A_710 : i32
            %parallel_loop3A = arith.constant 0 : i32
            %parallel_loop3A_712 = arith.constant 1 : i32
            %parallel_loop3A_713:8 = scf.for %parallel_loop3A_770 = %parallel_loop3A to %sub3A_709 step %parallel_loop3A_712 iter_args(%parallel_loop3A_771 = %broadcast_in_dim3A_90, %parallel_loop3A_772 = %broadcast_in_dim3A_90, %parallel_loop3A_773 = %broadcast_in_dim3A_90, %parallel_loop3A_774 = %broadcast_in_dim3A_90, %parallel_loop3A_775 = %broadcast_in_dim3A_90, %parallel_loop3A_776 = %broadcast_in_dim3A_90, %parallel_loop3A_777 = %broadcast_in_dim3A_90, %parallel_loop3A_778 = %broadcast_in_dim3A_90) -> (vector<16xf32>, vector<16xf32>, vector<16xf32>, vector<16xf32>, vector<16xf32>, vector<16xf32>, vector<16xf32>, vector<16xf32>)  : i32 {
              %parallel_loop3A_779 = arith.addi %add3A_711, %parallel_loop3A_770 : i32
              %parallel_loop3A_780 = arith.index_cast %parallel_loop3A_779 : i32 to index
              %parallel_loop3A_781 = arith.constant 0 : index
              %parallel_loop3A_782 = tpu.vector_load %arg9[%parallel_loop3A_780, %parallel_loop3A_781] {strides = array<i32>} : memref<256x128xf32, #tpu.memory_space<vmem>>, vector<16xf32>,
              %parallel_loop3A_783 = arith.addf %parallel_loop3A_771, %parallel_loop3A_782 : vector<16xf32>
              %parallel_loop3A_784 = arith.index_cast %parallel_loop3A_779 : i32 to index
              %parallel_loop3A_785 = arith.constant 16 : index
              %parallel_loop3A_786 = tpu.vector_load %arg9[%parallel_loop3A_784, %parallel_loop3A_785] {strides = array<i32>} : memref<256x128xf32, #tpu.memory_space<vmem>>, vector<16xf32>,
              %parallel_loop3A_787 = arith.addf %parallel_loop3A_772, %parallel_loop3A_786 : vector<16xf32>
              %parallel_loop3A_788 = arith.index_cast %parallel_loop3A_779 : i32 to index
              %parallel_loop3A_789 = arith.constant 32 : index
              %parallel_loop3A_790 = tpu.vector_load %arg9[%parallel_loop3A_788, %parallel_loop3A_789] {strides = array<i32>} : memref<256x128xf32, #tpu.memory_space<vmem>>, vector<16xf32>,
              %parallel_loop3A_791 = arith.addf %parallel_loop3A_773, %parallel_loop3A_790 : vector<16xf32>
              %parallel_loop3A_792 = arith.index_cast %parallel_loop3A_779 : i32 to index
              %parallel_loop3A_793 = arith.constant 48 : index
              %parallel_loop3A_794 = tpu.vector_load %arg9[%parallel_loop3A_792, %parallel_loop3A_793] {strides = array<i32>} : memref<256x128xf32, #tpu.memory_space<vmem>>, vector<16xf32>,
              %parallel_loop3A_795 = arith.addf %parallel_loop3A_774, %parallel_loop3A_794 : vector<16xf32>
              %parallel_loop3A_796 = arith.index_cast %parallel_loop3A_779 : i32 to index
              %parallel_loop3A_797 = arith.constant 64 : index
              %parallel_loop3A_798 = tpu.vector_load %arg9[%parallel_loop3A_796, %parallel_loop3A_797] {strides = array<i32>} : memref<256x128xf32, #tpu.memory_space<vmem>>, vector<16xf32>,
              %parallel_loop3A_799 = arith.addf %parallel_loop3A_775, %parallel_loop3A_798 : vector<16xf32>
              %parallel_loop3A_800 = arith.index_cast %parallel_loop3A_779 : i32 to index
              %parallel_loop3A_801 = arith.constant 80 : index
              %parallel_loop3A_802 = tpu.vector_load %arg9[%parallel_loop3A_800, %parallel_loop3A_801] {strides = array<i32>} : memref<256x128xf32, #tpu.memory_space<vmem>>, vector<16xf32>,
              %parallel_loop3A_803 = arith.addf %parallel_loop3A_776, %parallel_loop3A_802 : vector<16xf32>
              %parallel_loop3A_804 = arith.index_cast %parallel_loop3A_779 : i32 to index
              %parallel_loop3A_805 = arith.constant 96 : index
              %parallel_loop3A_806 = tpu.vector_load %arg9[%parallel_loop3A_804, %parallel_loop3A_805] {strides = array<i32>} : memref<256x128xf32, #tpu.memory_space<vmem>>, vector<16xf32>,
              %parallel_loop3A_807 = arith.addf %parallel_loop3A_777, %parallel_loop3A_806 : vector<16xf32>
              %parallel_loop3A_808 = arith.index_cast %parallel_loop3A_779 : i32 to index
              %parallel_loop3A_809 = arith.constant 112 : index
              %parallel_loop3A_810 = tpu.vector_load %arg9[%parallel_loop3A_808, %parallel_loop3A_809] {strides = array<i32>} : memref<256x128xf32, #tpu.memory_space<vmem>>, vector<16xf32>,
              %parallel_loop3A_811 = arith.addf %parallel_loop3A_778, %parallel_loop3A_810 : vector<16xf32>
              scf.yield %parallel_loop3A_783, %parallel_loop3A_787, %parallel_loop3A_791, %parallel_loop3A_795, %parallel_loop3A_799, %parallel_loop3A_803, %parallel_loop3A_807, %parallel_loop3A_811 : vector<16xf32>, vector<16xf32>, vector<16xf32>, vector<16xf32>, vector<16xf32>, vector<16xf32>, vector<16xf32>, vector<16xf32>
            } {sc.loop_unroll_factor = 2 : i64, sc.parallel_access}
            %get3A_714 = arith.index_cast %while3A_700 : i32 to index
            %get3A_715 = arith.constant 0 : index
            %get3A_716 = tpu.vector_load %arg10[%get3A_714, %get3A_715] {strides = array<i32>} : memref<16x128xf32, #tpu.memory_space<vmem>>, vector<16xf32>,
            %add3A_717 = arith.addf %get3A_716, %parallel_loop3A_713#0 : vector<16xf32>
            %swap3A_718 = arith.index_cast %while3A_700 : i32 to index
            %swap3A_719 = arith.constant 0 : index
            %swap3A_720 = tpu.vector_load %arg10[%swap3A_718, %swap3A_719] {strides = array<i32>} : memref<16x128xf32, #tpu.memory_space<vmem>>, vector<16xf32>,
            tpu.vector_store %arg10[%swap3A_718, %swap3A_719], %add3A_717 {strides = array<i32>} : memref<16x128xf32, #tpu.memory_space<vmem>>, vector<16xf32>,
            %get3A_721 = arith.index_cast %while3A_700 : i32 to index
            %get3A_722 = arith.constant 16 : index
            %get3A_723 = tpu.vector_load %arg10[%get3A_721, %get3A_722] {strides = array<i32>} : memref<16x128xf32, #tpu.memory_space<vmem>>, vector<16xf32>,
            %add3A_724 = arith.addf %get3A_723, %parallel_loop3A_713#1 : vector<16xf32>
            %swap3A_725 = arith.index_cast %while3A_700 : i32 to index
            %swap3A_726 = arith.constant 16 : index
            %swap3A_727 = tpu.vector_load %arg10[%swap3A_725, %swap3A_726] {strides = array<i32>} : memref<16x128xf32, #tpu.memory_space<vmem>>, vector<16xf32>,
            tpu.vector_store %arg10[%swap3A_725, %swap3A_726], %add3A_724 {strides = array<i32>} : memref<16x128xf32, #tpu.memory_space<vmem>>, vector<16xf32>,
            %get3A_728 = arith.index_cast %while3A_700 : i32 to index
            %get3A_729 = arith.constant 32 : index
            %get3A_730 = tpu.vector_load %arg10[%get3A_728, %get3A_729] {strides = array<i32>} : memref<16x128xf32, #tpu.memory_space<vmem>>, vector<16xf32>,
            %add3A_731 = arith.addf %get3A_730, %parallel_loop3A_713#2 : vector<16xf32>
            %swap3A_732 = arith.index_cast %while3A_700 : i32 to index
            %swap3A_733 = arith.constant 32 : index
            %swap3A_734 = tpu.vector_load %arg10[%swap3A_732, %swap3A_733] {strides = array<i32>} : memref<16x128xf32, #tpu.memory_space<vmem>>, vector<16xf32>,
            tpu.vector_store %arg10[%swap3A_732, %swap3A_733], %add3A_731 {strides = array<i32>} : memref<16x128xf32, #tpu.memory_space<vmem>>, vector<16xf32>,
            %get3A_735 = arith.index_cast %while3A_700 : i32 to index
            %get3A_736 = arith.constant 48 : index
            %get3A_737 = tpu.vector_load %arg10[%get3A_735, %get3A_736] {strides = array<i32>} : memref<16x128xf32, #tpu.memory_space<vmem>>, vector<16xf32>,
            %add3A_738 = arith.addf %get3A_737, %parallel_loop3A_713#3 : vector<16xf32>
            %swap3A_739 = arith.index_cast %while3A_700 : i32 to index
            %swap3A_740 = arith.constant 48 : index
            %swap3A_741 = tpu.vector_load %arg10[%swap3A_739, %swap3A_740] {strides = array<i32>} : memref<16x128xf32, #tpu.memory_space<vmem>>, vector<16xf32>,
            tpu.vector_store %arg10[%swap3A_739, %swap3A_740], %add3A_738 {strides = array<i32>} : memref<16x128xf32, #tpu.memory_space<vmem>>, vector<16xf32>,
            %get3A_742 = arith.index_cast %while3A_700 : i32 to index
            %get3A_743 = arith.constant 64 : index
            %get3A_744 = tpu.vector_load %arg10[%get3A_742, %get3A_743] {strides = array<i32>} : memref<16x128xf32, #tpu.memory_space<vmem>>, vector<16xf32>,
            %add3A_745 = arith.addf %get3A_744, %parallel_loop3A_713#4 : vector<16xf32>
            %swap3A_746 = arith.index_cast %while3A_700 : i32 to index
            %swap3A_747 = arith.constant 64 : index
            %swap3A_748 = tpu.vector_load %arg10[%swap3A_746, %swap3A_747] {strides = array<i32>} : memref<16x128xf32, #tpu.memory_space<vmem>>, vector<16xf32>,
            tpu.vector_store %arg10[%swap3A_746, %swap3A_747], %add3A_745 {strides = array<i32>} : memref<16x128xf32, #tpu.memory_space<vmem>>, vector<16xf32>,
            %get3A_749 = arith.index_cast %while3A_700 : i32 to index
            %get3A_750 = arith.constant 80 : index
            %get3A_751 = tpu.vector_load %arg10[%get3A_749, %get3A_750] {strides = array<i32>} : memref<16x128xf32, #tpu.memory_space<vmem>>, vector<16xf32>,
            %add3A_752 = arith.addf %get3A_751, %parallel_loop3A_713#5 : vector<16xf32>
            %swap3A_753 = arith.index_cast %while3A_700 : i32 to index
            %swap3A_754 = arith.constant 80 : index
            %swap3A_755 = tpu.vector_load %arg10[%swap3A_753, %swap3A_754] {strides = array<i32>} : memref<16x128xf32, #tpu.memory_space<vmem>>, vector<16xf32>,
            tpu.vector_store %arg10[%swap3A_753, %swap3A_754], %add3A_752 {strides = array<i32>} : memref<16x128xf32, #tpu.memory_space<vmem>>, vector<16xf32>,
            %get3A_756 = arith.index_cast %while3A_700 : i32 to index
            %get3A_757 = arith.constant 96 : index
            %get3A_758 = tpu.vector_load %arg10[%get3A_756, %get3A_757] {strides = array<i32>} : memref<16x128xf32, #tpu.memory_space<vmem>>, vector<16xf32>,
            %add3A_759 = arith.addf %get3A_758, %parallel_loop3A_713#6 : vector<16xf32>
            %swap3A_760 = arith.index_cast %while3A_700 : i32 to index
            %swap3A_761 = arith.constant 96 : index
            %swap3A_762 = tpu.vector_load %arg10[%swap3A_760, %swap3A_761] {strides = array<i32>} : memref<16x128xf32, #tpu.memory_space<vmem>>, vector<16xf32>,
            tpu.vector_store %arg10[%swap3A_760, %swap3A_761], %add3A_759 {strides = array<i32>} : memref<16x128xf32, #tpu.memory_space<vmem>>, vector<16xf32>,
            %get3A_763 = arith.index_cast %while3A_700 : i32 to index
            %get3A_764 = arith.constant 112 : index
            %get3A_765 = tpu.vector_load %arg10[%get3A_763, %get3A_764] {strides = array<i32>} : memref<16x128xf32, #tpu.memory_space<vmem>>, vector<16xf32>,
            %add3A_766 = arith.addf %get3A_765, %parallel_loop3A_713#7 : vector<16xf32>
            %swap3A_767 = arith.index_cast %while3A_700 : i32 to index
            %swap3A_768 = arith.constant 112 : index
            %swap3A_769 = tpu.vector_load %arg10[%swap3A_767, %swap3A_768] {strides = array<i32>} : memref<16x128xf32, #tpu.memory_space<vmem>>, vector<16xf32>,
            tpu.vector_store %arg10[%swap3A_767, %swap3A_768], %add3A_766 {strides = array<i32>} : memref<16x128xf32, #tpu.memory_space<vmem>>, vector<16xf32>,
            scf.yield %min3A_708, %while3A_700 : i32, i32
          }
          scf.yield %while3A_697#1 : i32
        }
        scf.yield %cond3A_652 : i32
      }
      scf.yield %cond3A_646 : i32
    }
    "tpu.region"() ({
      %run_scoped3A = tpu.sem_alloc : memref<!tpu.dma_semaphore, #tpu.memory_space<semaphore_mem>>
      %dma_start3A = arith.constant 0 : i32
      %dma_start3A_623 = arith.constant 0 : i32
      %dma_start3A_624 = tpu.memref_slice %arg12[%dma_start3A, %dma_start3A_623] : memref<16x128xf32, #tpu.memory_space<vmem_shared>> -> memref<16x128xf32, #tpu.memory_space<vmem_shared>>
      tpu.enqueue_indirect_dma source(%arg10 : memref<16x128xf32, #tpu.memory_space<vmem>>) target(%dma_start3A_624 : memref<16x128xf32, #tpu.memory_space<vmem_shared>>) offsets(%arg6 : memref<16xi32, #tpu.memory_space<vmem>>) semaphore(%run_scoped3A : memref<!tpu.dma_semaphore, #tpu.memory_space<semaphore_mem>>) {add = true}
      %dma_wait3A = arith.constant 0 : i32
      %dma_wait3A_625 = arith.constant 0 : i32
      %dma_wait3A_626 = tpu.memref_slice %arg12[%dma_wait3A, %dma_wait3A_625] : memref<16x128xf32, #tpu.memory_space<vmem_shared>> -> memref<16x128xf32, #tpu.memory_space<vmem_shared>>
      tpu.wait_indirect_dma semaphore(%run_scoped3A : memref<!tpu.dma_semaphore, #tpu.memory_space<semaphore_mem>>) src(%arg10 : memref<16x128xf32, #tpu.memory_space<vmem>>) dst(%dma_wait3A_626 : memref<16x128xf32, #tpu.memory_space<vmem_shared>>)
      tpu.yield
    }) : () -> ()
    %barrier3A_618 = arith.constant 0 : index
    tpu.barrier barrier_id(%barrier3A_618)
    %lt3A = arith.constant 8 : i32
    %lt3A_619 = arith.cmpi slt, %arg1, %lt3A : i32
    %convert_element_type3A_620 = arith.extui %lt3A_619 : i1 to i32
    %cond3A_621 = arith.constant 0 : i32
    %cond3A_622 = arith.cmpi ne, %convert_element_type3A_620, %cond3A_621 : i32
    scf.if %cond3A_622 {
      %add3A_623 = arith.addi %mul3A_5, %arg1 : i32
      "tpu.region"() ({
        %run_scoped3A = tpu.sem_alloc : memref<!tpu.dma_semaphore, #tpu.memory_space<semaphore_mem>>
        %dma_start3A = arith.constant 0 : i32
        %dma_start3A_673 = tpu.memref_slice %arg12[%add3A_623, %dma_start3A] : memref<16x128xf32, #tpu.memory_space<vmem_shared>> -> memref<1x128xf32, #tpu.memory_space<vmem_shared>>
        %dma_start3A_674 = tpu.memref_squeeze %dma_start3A_673 : memref<1x128xf32, #tpu.memory_space<vmem_shared>> -> memref<128xf32, #tpu.memory_space<vmem_shared>>
        %dma_start3A_675 = arith.constant 0 : i32
        %dma_start3A_676 = tpu.memref_slice %arg12[%add3A_623, %dma_start3A_675] : memref<16x128xf32, #tpu.memory_space<vmem_shared>> -> memref<1x128xf32, #tpu.memory_space<vmem_shared>>
        %dma_start3A_677 = tpu.memref_squeeze %dma_start3A_676 : memref<1x128xf32, #tpu.memory_space<vmem_shared>> -> memref<128xf32, #tpu.memory_space<vmem_shared>>
        tpu.enqueue_dma source(%dma_start3A_677 : memref<128xf32, #tpu.memory_space<vmem_shared>>) target(%arg11 : memref<128xf32, #tpu.memory_space<vmem>>) target_semaphore(%run_scoped3A : memref<!tpu.dma_semaphore, #tpu.memory_space<semaphore_mem>>)
        %dma_wait3A = arith.constant 0 : i32
        %dma_wait3A_678 = tpu.memref_slice %arg12[%add3A_623, %dma_wait3A] : memref<16x128xf32, #tpu.memory_space<vmem_shared>> -> memref<1x128xf32, #tpu.memory_space<vmem_shared>>
        %dma_wait3A_679 = tpu.memref_squeeze %dma_wait3A_678 : memref<1x128xf32, #tpu.memory_space<vmem_shared>> -> memref<128xf32, #tpu.memory_space<vmem_shared>>
        %dma_wait3A_680 = arith.constant 0 : i32
        %dma_wait3A_681 = tpu.memref_slice %arg12[%add3A_623, %dma_wait3A_680] : memref<16x128xf32, #tpu.memory_space<vmem_shared>> -> memref<1x128xf32, #tpu.memory_space<vmem_shared>>
        %dma_wait3A_682 = tpu.memref_squeeze %dma_wait3A_681 : memref<1x128xf32, #tpu.memory_space<vmem_shared>> -> memref<128xf32, #tpu.memory_space<vmem_shared>>
        tpu.wait_dma2 semaphore(%run_scoped3A : memref<!tpu.dma_semaphore, #tpu.memory_space<semaphore_mem>>) src(%dma_wait3A_682 : memref<128xf32, #tpu.memory_space<vmem_shared>>) dst(%arg11 : memref<128xf32, #tpu.memory_space<vmem>>)
        tpu.yield
      }) : () -> ()
      %eq3A_624 = vector.broadcast %add3A_623 : i32 to vector<16xi32>
      %eq3A_625 = arith.cmpi eq, %iota3A, %eq3A_624 : vector<16xi32>
      %select_n3A_626 = arith.select %eq3A_625, %get3A_0, %broadcast_in_dim3A_4 : vector<16xi1>, vector<16xi32>
      %reduce_sum3A_627 = arith.constant true
      %reduce_sum3A_628 = vector.broadcast %reduce_sum3A_627 : i1 to vector<16xi1>
      %reduce_sum3A_629 = tpu.scan <sum>, %select_n3A_626 masked %reduce_sum3A_628 : vector<16xi32>, vector<16xi1> -> vector<16xi32>
      %reduce_sum3A_630 = vector.extract %reduce_sum3A_629[15] : i32 from vector<16xi32>
      %convert_element_type3A_631 = arith.sitofp %reduce_sum3A_630 : i32 to f32
      %broadcast_in_dim3A_632 = vector.broadcast %convert_element_type3A_631 : f32 to vector<16xf32>
      %get3A_633 = arith.constant 0 : index
      %get3A_634 = tpu.vector_load %arg11[%get3A_633] {strides = array<i32>} : memref<128xf32, #tpu.memory_space<vmem>>, vector<16xf32>,
      %div3A_635 = arith.divf %get3A_634, %broadcast_in_dim3A_632 : vector<16xf32>
      %swap3A_636 = arith.constant 0 : index
      %swap3A_637 = tpu.vector_load %arg11[%swap3A_636] {strides = array<i32>} : memref<128xf32, #tpu.memory_space<vmem>>, vector<16xf32>,
      tpu.vector_store %arg11[%swap3A_636], %div3A_635 {strides = array<i32>} : memref<128xf32, #tpu.memory_space<vmem>>, vector<16xf32>,
      %get3A_638 = arith.constant 16 : index
      %get3A_639 = tpu.vector_load %arg11[%get3A_638] {strides = array<i32>} : memref<128xf32, #tpu.memory_space<vmem>>, vector<16xf32>,
      %div3A_640 = arith.divf %get3A_639, %broadcast_in_dim3A_632 : vector<16xf32>
      %swap3A_641 = arith.constant 16 : index
      %swap3A_642 = tpu.vector_load %arg11[%swap3A_641] {strides = array<i32>} : memref<128xf32, #tpu.memory_space<vmem>>, vector<16xf32>,
      tpu.vector_store %arg11[%swap3A_641], %div3A_640 {strides = array<i32>} : memref<128xf32, #tpu.memory_space<vmem>>, vector<16xf32>,
      %get3A_643 = arith.constant 32 : index
      %get3A_644 = tpu.vector_load %arg11[%get3A_643] {strides = array<i32>} : memref<128xf32, #tpu.memory_space<vmem>>, vector<16xf32>,
      %div3A_645 = arith.divf %get3A_644, %broadcast_in_dim3A_632 : vector<16xf32>
      %swap3A_646 = arith.constant 32 : index
      %swap3A_647 = tpu.vector_load %arg11[%swap3A_646] {strides = array<i32>} : memref<128xf32, #tpu.memory_space<vmem>>, vector<16xf32>,
      tpu.vector_store %arg11[%swap3A_646], %div3A_645 {strides = array<i32>} : memref<128xf32, #tpu.memory_space<vmem>>, vector<16xf32>,
      %get3A_648 = arith.constant 48 : index
      %get3A_649 = tpu.vector_load %arg11[%get3A_648] {strides = array<i32>} : memref<128xf32, #tpu.memory_space<vmem>>, vector<16xf32>,
      %div3A_650 = arith.divf %get3A_649, %broadcast_in_dim3A_632 : vector<16xf32>
      %swap3A_651 = arith.constant 48 : index
      %swap3A_652 = tpu.vector_load %arg11[%swap3A_651] {strides = array<i32>} : memref<128xf32, #tpu.memory_space<vmem>>, vector<16xf32>,
      tpu.vector_store %arg11[%swap3A_651], %div3A_650 {strides = array<i32>} : memref<128xf32, #tpu.memory_space<vmem>>, vector<16xf32>,
      %get3A_653 = arith.constant 64 : index
      %get3A_654 = tpu.vector_load %arg11[%get3A_653] {strides = array<i32>} : memref<128xf32, #tpu.memory_space<vmem>>, vector<16xf32>,
      %div3A_655 = arith.divf %get3A_654, %broadcast_in_dim3A_632 : vector<16xf32>
      %swap3A_656 = arith.constant 64 : index
      %swap3A_657 = tpu.vector_load %arg11[%swap3A_656] {strides = array<i32>} : memref<128xf32, #tpu.memory_space<vmem>>, vector<16xf32>,
      tpu.vector_store %arg11[%swap3A_656], %div3A_655 {strides = array<i32>} : memref<128xf32, #tpu.memory_space<vmem>>, vector<16xf32>,
      %get3A_658 = arith.constant 80 : index
      %get3A_659 = tpu.vector_load %arg11[%get3A_658] {strides = array<i32>} : memref<128xf32, #tpu.memory_space<vmem>>, vector<16xf32>,
      %div3A_660 = arith.divf %get3A_659, %broadcast_in_dim3A_632 : vector<16xf32>
      %swap3A_661 = arith.constant 80 : index
      %swap3A_662 = tpu.vector_load %arg11[%swap3A_661] {strides = array<i32>} : memref<128xf32, #tpu.memory_space<vmem>>, vector<16xf32>,
      tpu.vector_store %arg11[%swap3A_661], %div3A_660 {strides = array<i32>} : memref<128xf32, #tpu.memory_space<vmem>>, vector<16xf32>,
      %get3A_663 = arith.constant 96 : index
      %get3A_664 = tpu.vector_load %arg11[%get3A_663] {strides = array<i32>} : memref<128xf32, #tpu.memory_space<vmem>>, vector<16xf32>,
      %div3A_665 = arith.divf %get3A_664, %broadcast_in_dim3A_632 : vector<16xf32>
      %swap3A_666 = arith.constant 96 : index
      %swap3A_667 = tpu.vector_load %arg11[%swap3A_666] {strides = array<i32>} : memref<128xf32, #tpu.memory_space<vmem>>, vector<16xf32>,
      tpu.vector_store %arg11[%swap3A_666], %div3A_665 {strides = array<i32>} : memref<128xf32, #tpu.memory_space<vmem>>, vector<16xf32>,
      %get3A_668 = arith.constant 112 : index
      %get3A_669 = tpu.vector_load %arg11[%get3A_668] {strides = array<i32>} : memref<128xf32, #tpu.memory_space<vmem>>, vector<16xf32>,
      %div3A_670 = arith.divf %get3A_669, %broadcast_in_dim3A_632 : vector<16xf32>
      %swap3A_671 = arith.constant 112 : index
      %swap3A_672 = tpu.vector_load %arg11[%swap3A_671] {strides = array<i32>} : memref<128xf32, #tpu.memory_space<vmem>>, vector<16xf32>,
      tpu.vector_store %arg11[%swap3A_671], %div3A_670 {strides = array<i32>} : memref<128xf32, #tpu.memory_space<vmem>>, vector<16xf32>,
      "tpu.region"() ({
        %run_scoped3A = tpu.sem_alloc : memref<!tpu.dma_semaphore, #tpu.memory_space<semaphore_mem>>
        %dma_start3A = arith.constant 0 : i32
        %dma_start3A_673 = tpu.memref_slice %arg4[%add3A_623, %dma_start3A] : memref<16x128xf32, #tpu.memory_space<hbm>> -> memref<1x128xf32, #tpu.memory_space<hbm>>
        %dma_start3A_674 = tpu.memref_squeeze %dma_start3A_673 : memref<1x128xf32, #tpu.memory_space<hbm>> -> memref<128xf32, #tpu.memory_space<hbm>>
        %dma_start3A_675 = arith.constant 0 : i32
        %dma_start3A_676 = tpu.memref_slice %arg4[%add3A_623, %dma_start3A_675] : memref<16x128xf32, #tpu.memory_space<hbm>> -> memref<1x128xf32, #tpu.memory_space<hbm>>
        %dma_start3A_677 = tpu.memref_squeeze %dma_start3A_676 : memref<1x128xf32, #tpu.memory_space<hbm>> -> memref<128xf32, #tpu.memory_space<hbm>>
        tpu.enqueue_dma source(%arg11 : memref<128xf32, #tpu.memory_space<vmem>>) target(%dma_start3A_677 : memref<128xf32, #tpu.memory_space<hbm>>) target_semaphore(%run_scoped3A : memref<!tpu.dma_semaphore, #tpu.memory_space<semaphore_mem>>)
        %dma_wait3A = arith.constant 0 : i32
        %dma_wait3A_678 = tpu.memref_slice %arg4[%add3A_623, %dma_wait3A] : memref<16x128xf32, #tpu.memory_space<hbm>> -> memref<1x128xf32, #tpu.memory_space<hbm>>
        %dma_wait3A_679 = tpu.memref_squeeze %dma_wait3A_678 : memref<1x128xf32, #tpu.memory_space<hbm>> -> memref<128xf32, #tpu.memory_space<hbm>>
        %dma_wait3A_680 = arith.constant 0 : i32
        %dma_wait3A_681 = tpu.memref_slice %arg4[%add3A_623, %dma_wait3A_680] : memref<16x128xf32, #tpu.memory_space<hbm>> -> memref<1x128xf32, #tpu.memory_space<hbm>>
        %dma_wait3A_682 = tpu.memref_squeeze %dma_wait3A_681 : memref<1x128xf32, #tpu.memory_space<hbm>> -> memref<128xf32, #tpu.memory_space<hbm>>
        tpu.wait_dma2 semaphore(%run_scoped3A : memref<!tpu.dma_semaphore, #tpu.memory_space<semaphore_mem>>) src(%arg11 : memref<128xf32, #tpu.memory_space<vmem>>) dst(%dma_wait3A_682 : memref<128xf32, #tpu.memory_space<hbm>>)
        tpu.yield
      }) : () -> ()
    } else {
    }
    return
  }
}

</mosaic_0001>

<sc_bundles>
// kernel: kernel.3.cloned.1.call-start
scs
__scs_entry_jumppad:
0x0: {  	(pc) =	sbr.rel $0x88, $3  }
0x1: {  	(tag) =	ssettag $0x0;
	lr =	simm.s32 $0x1  }
0x2: {  	[smem:$0x3F9F] =	sst lr;
	_ =	strace $0xD0000000  }
0x3: {  	_ = 	snop  }
0x4: {  	_ = 	snop  }
0x5: {  	_ = 	snop  }
0x6: {  	_ = 	snop  }
0x7: {  	_ = 	snop  }
__scs_overlays_trampoline_lowered:
0x8: {  	[smem:$0x3FAE] =	sst s0  }
0x9: {  	[smem:$0x3FAF] =	sst s1  }
0xa: {  	[smem:$0x3FB0] =	sst s2  }
0xb: {  	[smem:$0x3FB1] =	sst s3  }
0xc: {  	[smem:$0x3FB2] =	sst s4  }
0xd: {  	[smem:$0x3FB3] =	sst s5  }
0xe: {  	[smem:$0x3FB4] =	sst s6  }
0xf: {  	[smem:$0x3FB5] =	sst s7  }
0x10: {  	[smem:$0x3FB6] =	sst s8  }
0x11: {  	[smem:$0x3FB7] =	sst s9;
	s0 =	simm.s32 @!p0 $0x0  }
0x12: {  	s1 =	sld [smem:$0x3F9D];
	s0 =	simm.s32 @p0 $0x1  }
0x13: {  	[smem:$0x3FB8] =	sst s0;
	s0 =	simm.s32 @!p1 $0x0  }
0x14: {  	s2 =	sld [smem:$0x3F9C];
	s0 =	simm.s32 @p1 $0x1  }
0x15: {  	[smem:$0x3FB9] =	sst s0;
	s0 =	simm.s32 @!p2 $0x0  }
0x16: {  	s3 =	sld [smem:$0x3FDB];
	s0 =	simm.s32 @p2 $0x1  }
0x17: {  	s4 =	simm.s32 $0x1BF5;
	[smem:$0x3FBB] =	sst s0  }
0x18: {  	s0 =	sld [smem:$0x3F9E];
	_ =	swait.ge [sflag:s4], $0x0  }
0x19: {  	s7 =	sld [smem:$0x3F9F]  }
0x1a: {  	s8 =	sadd.s32 $0xFFFFE003, lr  }
0x1b: {  	s9 =	sadd.s32 $0xFFFFFEF7, lr;
	s5 =	simm.s32 $0xFFFFFFFF;
	p2 =	slt.u32 s8, $0xFFFFF086  }
0x1c: {  	p1 =	slt.u32 s9, $0xF7A;
	s5 =	simm.s32 @!p2 $0x0  }
0x1d: {  	s5 =	simm.s32 @p1 $0x1;
	p0 =	seq.s32 s7, s2  }
0x1e: {  	s7 =	smul.u32 @!p0 $0xF7A, s2;
	p2 =	seq.s32 @!p0 s5, $0x0  }
0x1f: {  	s9 =	smul.u32 $0xF7A, s1;
	s8 =	simm.s32 @!p0 $0x1BF5;
	p2 =	por !p2, p0  }
0x20: {  	[sflag:s8] =	ssyncset.s32 @!p0 $0xFFFFF086;
	s6 =	sadd.s32 @!p0 s3, s7;
	s7 =	simm.s32 @!p0 $0x108  }
0x21: {  	s3 =	sadd.s32 s3, s9;
	s6 =	sadd.s32 @!p0 $0x88, s6;
	s7 =	simm.s32 @p2 $0x1082  }
0x22: {  	[simem:s7], [sflag:s8] =	dma.local @!p0 [hbm:s6], $0xF7A  }
0x23: {  	s9 =	sor.u32 $0xD0000000, s2;
	s6 =	simm.s32 $0x108;
	_ =	swait.ge @!p0 [sflag:s8], $0x0  }
0x24: {  	s3 =	sadd.s32 $0x88, s3;
	s6 =	simm.s32 @!p1 $0x1082;
	[sflag:s4] =	ssyncset.s32 $0xFFFFF086  }
0x25: {  	[simem:s6], [sflag:s4] =	dma.local [hbm:s3], $0xF7A  }
0x26: {  	[smem:$0x3F9F] =	sst s1;
	(tag) =	ssettag s2;
	_ =	strace s9  }
0x27: {  	s1 =	sld [smem:$0x3FAF]  }
0x28: {  	s2 =	sld [smem:$0x3FB0]  }
0x29: {  	s4 =	sld [smem:$0x3FB2]  }
0x2a: {  	p0 =	seq.s32 s5, $0x0;
	s5 =	sld [smem:$0x3FB3]  }
0x2b: {  	s6 =	sld [smem:$0x3FB4]  }
0x2c: {  	s7 =	sld [smem:$0x3FB5]  }
0x2d: {  	s3 =	simm.s32 $0x108;
	s8 =	sld [smem:$0x3FB6]  }
0x2e: {  	s3 =	simm.s32 @!p0 $0x1082;
	s9 =	sld [smem:$0x3FB7]  }
0x2f: {  	lr =	sadd.s32 s0, s3;
	s0 =	sld [smem:$0x3FAE]  }
0x30: {  	s3 =	sld [smem:$0x3FB1]  }
0x31: {  	[smem:$0x3FBA] =	sst s10  }
0x32: {  	s10 =	sld [smem:$0x3FB8];
	_ =	sdelay $0x3  }
0x33: {  	p0 =	seq.s32 s10, $0x1;
	s10 =	sld [smem:$0x3FBA];
	_ =	sdelay $0x3  }
0x34: {  	[smem:$0x3FBA] =	sst s10  }
0x35: {  	s10 =	sld [smem:$0x3FB9];
	_ =	sdelay $0x3  }
0x36: {  	p1 =	seq.s32 s10, $0x1;
	s10 =	sld [smem:$0x3FBA];
	_ =	sdelay $0x3  }
0x37: {  	[smem:$0x3FBA] =	sst s10  }
0x38: {  	s10 =	sld [smem:$0x3FBB]  }
0x39: {  	_ = 	snop;
	(pc) =	sbr.ind lr, $3  }
0x3a: {  	_ = 	snop  }
0x3b: {  	_ = 	snop  }
0x3c: {  	p2 =	seq.s32 s10, $0x1;
	s10 =	sld [smem:$0x3FBA]  }
0x3d: {  	_ =	shalt  }
0x3e: {  	_ =	shalt  }
0x3f: {  	_ =	shalt  }
0x40: {  	_ =	shalt  }
0x41: {  	_ =	shalt  }
0x42: {  	_ =	shalt  }
0x43: {  	_ =	shalt  }
0x44: {  	_ =	shalt  }
0x45: {  	_ =	shalt  }
0x46: {  	_ =	shalt  }
0x47: {  	_ =	shalt  }
0x48: {  	_ =	shalt  }
0x49: {  	_ =	shalt  }
0x4a: {  	_ =	shalt  }
0x4b: {  	_ =	shalt  }
0x4c: {  	_ =	shalt  }
0x4d: {  	_ =	shalt  }
0x4e: {  	_ =	shalt  }
0x4f: {  	_ =	shalt  }
0x50: {  	_ =	shalt  }
0x51: {  	_ =	shalt  }
0x52: {  	_ =	shalt  }
0x53: {  	_ =	shalt  }
0x54: {  	_ =	shalt  }
0x55: {  	_ =	shalt  }
0x56: {  	_ =	shalt  }
0x57: {  	_ =	shalt  }
0x58: {  	_ =	shalt  }
0x59: {  	_ =	shalt  }
0x5a: {  	_ =	shalt  }
0x5b: {  	_ =	shalt  }
0x5c: {  	_ =	shalt  }
0x5d: {  	_ =	shalt  }
0x5e: {  	_ =	shalt  }
0x5f: {  	_ =	shalt  }
0x60: {  	_ =	shalt  }
0x61: {  	_ =	shalt  }
0x62: {  	_ =	shalt  }
0x63: {  	_ =	shalt  }
0x64: {  	_ =	shalt  }
0x65: {  	_ =	shalt  }
0x66: {  	_ =	shalt  }
0x67: {  	_ =	shalt  }
0x68: {  	_ =	shalt  }
0x69: {  	_ =	shalt  }
0x6a: {  	_ =	shalt  }
0x6b: {  	_ =	shalt  }
0x6c: {  	_ =	shalt  }
0x6d: {  	_ =	shalt  }
0x6e: {  	_ =	shalt  }
0x6f: {  	_ =	shalt  }
0x70: {  	_ =	shalt  }
0x71: {  	_ =	shalt  }
0x72: {  	_ =	shalt  }
0x73: {  	_ =	shalt  }
0x74: {  	_ =	shalt  }
0x75: {  	_ =	shalt  }
0x76: {  	_ =	shalt  }
0x77: {  	_ =	shalt  }
0x78: {  	_ =	shalt  }
0x79: {  	_ =	shalt  }
0x7a: {  	_ =	shalt  }
0x7b: {  	_ =	shalt  }
0x7c: {  	_ =	shalt  }
0x7d: {  	_ =	shalt  }
0x7e: {  	_ =	shalt  }
0x7f: {  	_ =	shalt  }
0x80: {  	_ =	shalt  }
0x81: {  	_ =	shalt  }
0x82: {  	_ =	shalt  }
0x83: {  	_ =	shalt  }
0x84: {  	_ =	shalt  }
0x85: {  	_ =	shalt  }
0x86: {  	_ =	shalt  }
0x87: {  	_ =	shalt  }
.Lfunc_end0:
.L_simem_size_0:
called_computation_lowered:
.L_overlay_start_0:
0x88: {  	s2 =	sld [smem:$0x3FD9]  }
0x89: {  	s3 =	sld [smem:$0x3FFE];
	_ =	sdelay $0x1  }
0x8a: {  	s1 =	srdreg.scid  }
0x8b: {  	s0 =	sand.u32 $0x1, s1  }
0x8c: {  	s18 =	sshll.u32 s0, $0xA;
	s2 =	sadd.s32 s3, s2  }
0x8d: {  	s2 =	sadd.s32 s2, s18  }
0x8e: {  	[smem:$0x3FC6] =	sst s2  }
0x8f: {  	_ = 	snop  }
0x90: {  	s2 =	sld [smem:$0x3FC9]  }
0x91: {  	s19 =	sld [smem:$0x3FC8]  }
0x92: {  	s4 =	sld [smem:$0x3FD0];
	(tm) =	ssettm $0x1  }
0x93: {  	s5 =	sld [smem:$0x3FFB];
	_ =	sdelay $0x3  }
0x94: {  	_ =	strace s5  }
0x95: {  	s5 =	sld [smem:$0x3FFC];
	_ =	sdelay $0x3  }
0x96: {  	_ =	strace s5  }
0x97: {  	s5 =	sld [smem:$0x3FFD];
	_ =	sdelay $0x3  }
0x98: {  	_ =	strace s5  }
0x99: {  	_ =	strace $0x8FFFFFFF  }
0x9a: {  	s20 =	sld [smem:$0x3FDB];
	_ =	sdelay $0x1  }
0x9b: {  	s6 =	simm.s32 $_scs_section_size  }
0x9c: {  	s7 =	simm.s32 $_size__tile_overlayer_lowered;
	s8 =	simm.s32 $_tile_overlayer_lowered  }
0x9d: {  	s23 =	simm.s32 $0x1BFF;
	s22 =	sshll.u32 s8, $0x1;
	s5 =	sadd.s32 s6, s20  }
0x9e: {  	s9 =	simm.s32 $0x0;
	s21 =	sshll.u32 s7, $0x1;
	s7 =	sadd.s32 s22, s5  }
0x9f: {  	[timem:s9], [sflag:s23] =	dma.local [hbm:s7], s21  }
0xa0: {  	_ =	swait.ge [sflag:s23], s21  }
0xa1: {  	s6 =	ssub.s32 $0x0, s21;
	[sflag:s23] =	ssyncset.done $0x0  }
0xa2: {  	[sflag:s23] =	ssyncadd.s32 s6;
	_ =	sdelay $0x1  }
0xa3: {  	s24 =	simm.s32 $0x1B8B  }
0xa4: {  	_ =	swait.ge [sflag:s24], $0x1  }
0xa5: {  	[sflag:s24] =	ssyncset.done $0x0  }
0xa6: {  	s25 =	simm.s32 $0x1B8E;
	[sflag:s24] =	ssyncadd.s32 $0xFFFFFFFF  }
0xa7: {  	s26 =	simm.s32 $execute0_lowered;
	[smem:$0x3FD2] =	sst s25  }
0xa8: {  	s6 =	sshll.u32 s26, $0x1;
	_ =	strace $0x80000046;
	[dreg:$0x1] =	wrdreg $0xFFFFFFFF  }
0xa9: {  	s28 =	simm.s32 $_size_execute0_lowered;
	s5 =	sadd.s32 s5, s6;
	[dreg:$0x0] =	wrdreg $0x0  }
0xaa: {  	s6 =	sshll.u32 s28, $0x1;
	[dreg:$0x2] =	wrdreg s5  }
0xab: {  	[dreg:$0x3] =	wrdreg s6  }
0xac: {  	[dreg:$0x4] =	wrdreg $0xC0  }
0xad: {  	_ =	task [dreg:s9], $0x5FFFF  }
0xae: {  	[dreg:$0x1] =	wrdreg $0xFFFFFFFF  }
0xaf: {  	[dreg:$0x0] =	wrdreg $0x60  }
0xb0: {  	[dreg:$0x2] =	wrdreg s2  }
0xb1: {  	[dreg:$0x3] =	wrdreg s19  }
0xb2: {  	[dreg:$0x4] =	wrdreg s4  }
0xb3: {  	[dreg:$0x5] =	wrdreg $0x189800  }
0xb4: {  	[dreg:$0x6] =	wrdreg $0x9  }
0xb5: {  	_ =	task.clear_ibuf [dreg:s9], $0x7FFFF;
	_ =	strace $0x90000046  }
0xb6: {  	s29 =	simm.s32 $0x9;
	_ =	strace $0x80000048  }
0xb7: {  	_ =	swait.ge [sflag:s29], $0x1  }
0xb8: {  	[sflag:s29] =	ssyncadd.s32 $0xFFFFFFFF  }
0xb9: {  	_ =	strace $0x90000048  }
0xba: {  	_ =	sfence  }
0xbb: {  	s30 =	sld [smem:$0x0];
	_ =	sdelay $0x2  }
0xbc: {  	s31 =	sshll.u32 s1, $0xD;
	s1 =	sshrl.u32 s1, $0x2  }
0xbd: {  	s3 =	sand.u32 $0x4000, s31;
	s1 =	sadd.s32 s1, s30  }
0xbe: {  	s0 =	sor.u32 s3, s0;
	s1 =	sshll.u32 s1, $0x11  }
0xbf: {  	s0 =	sor.u32 s1, s0  }
0xc0: {  	s0 =	sadd.s32 $0x8F2B, s0  }
0xc1: {  	[sflag:s0] =	ssyncadd.remote.s32 $0x1  }
0xc2: {  	_ =	sfence.sel $0xFFFF  }
0xc3: {  	[dreg:$0x0] =	wrdreg $0xFFFFFFFF;
	(pc) =	sbr.abs _section_cstart, $3  }
0xc4: {  	[dreg:$0x1] =	wrdreg $0xFFFFFFFF  }
0xc5: {  	_ =	task.clear_ibuf [dreg:s9], $0x2FFFF;
	_ =	strace $0x9FFFFFFF  }
0xc6: {  	(tm) =	ssettm $0x7FFFFFFF  }
0xc7: {  	_ =	shalt  }
tec
execute0_lowered:
.L_overlay_start_1:
0x0: {  	(tag) =	ssettag $0x1  }
0x1: {  	s1 =	rddreg [dreg:$0x0]  }
0x2: {  	s0 =	rddreg [dreg:$0x2]  }
0x3: {  	s3 =	rddreg [dreg:$0x3];
	s2 =	srdreg.scid  }
0x4: {  	s4 =	simm.s32 $0x0;
	s15 =	stileid.u32;
	s10 =	simm.s32 $0x4  }
0x5: {  	s11 =	simm.s32 $0x1;
	s13 =	simm.s32 $0x2;
	s2 =	sand.u32 $0x1, s2  }
0x6: {  	s18 =	simm.s32 $0x0;
	[smem:$0x7FF] =	sst s4;
	s5 =	ssub.s32 $0x2, s2  }
0x7: {  	s7 =	sshll.u32 s15, $0x4;
	p0 =	sne.s32 s15, $0x0;
	s6 =	sshrl.u32 s5, $0x1  }
0x8: {  	s9 =	sshll.u32 s2, $0x7;
	s5 =	ssub.s32 s5, s6;
	s6 =	sshll.u32 s2, $0x3  }
.Ltmp0:
0x9: {  	s0 =	sadd.s32 s0, s7;
	s14 =	sor.u32 s15, s6;
	(pc) =	sbr.rel .LBB2_1-.Ltmp0, $4  }
0xa: {  	s2 =	sshllo.u32 s2, $0x3;
	s12 =	sadd.s32 $0xFFFFFFFF, s6;
	s8 =	sshll.u32 s14, $0x7  }
0xb: {  	v1 =	vlaneseq.u32;
	s7 =	sadd.s32 s8, s3;
	s8 =	sadd.s32 s9, s0;
	s0 =	simm.s32 @!p0 $0x0  }
0xc: {  	p1 =	sgt.u32 s15, $0x7;
	_ =	strace $0x80000047;
	v3 =	vmov s2;
	v2 =	vmov s12;
	v0 =	vmov s14;
	s0 =	simm.s32 @p0 $0x1  }
0xd: {  	s14 =	simm.s32 $0x3;
	vm0 =	veq.s32 v3, v1;
	s9 =	smax.u32 s5, $0x1;
	vm1 =	veq.s32 v2, v1;
	v2 =	vimm.f32 $0.0e+00;
	[smem:$0x7FD] =	sst s0  }
.LBB2_31:
0xe: {  	s0 =	simm.s32 $0x10;
	s2 =	simm.s32 $0x80;
	s5 =	simm.s32 $0x18100  }
0xf: {  	[spmem:s3] =	stream.indirect.scatter.add.f32 [tilespmem:s5], [sflag:$0x4], $0x80, s2, s0, $0xb8;
	[tilespmem:$0x18A00] =	vst v63  }
0x10: {  	_ =	swait.ge [sflag:s10], $0x800  }
0x11: {  	[sflag:s10] =	ssyncset.done $0x0  }
0x12: {  	[sflag:s10] =	ssyncadd.s32 $0xFFFFF800  }
0x13: {  	v4 =	vlaneseq.u32 @!p1;
	s0 =	simm.s32 @!p1 $0x18900;
	s2 =	simm.s32 @!p1 $0x4;
	[bflag:$0x0] =	sbarrier.arrive $0xFFFF  }
0x14: {  	vm2 =	veq.s32 @!p1 v0, v4;
	[tilespmem:s0], [sflag:$0x4] =	stream.linear.gather @!p1 [spmem:s7], $0x80, $0x38;
	[tilespmem:$0x18A00] =	vst v63  }
0x15: {  	v3 =	vnsel @!p1 vm2, $0x0, v3;
	_ =	swait.ge @!p1 [sflag:s2], $0x80  }
0x16: {  	(xrf0) =	vadd.scan.msk.s32 @!p1 $0xffff, v3;
	_ =	sdelay $0x5  }
0x17: {  	v3, _, _ =	vpop @!p1 (xrf0)  }
0x18: {  	(v2sf) =	vpush @!p1 v3, $0xF;
	_ =	sdelay $0xe  }
0x19: {  	s5 =	spop @!p1 (v2sf)  }
0x1a: {  	s5 =	scvt.s32.f32 @!p1 s5;
	_ =	sdelay $0x1  }
0x1b: {  	v3 =	vmov @!p1 s5  }
0x1c: {  	(erf) = vrcp.f32 @!p1 v3;
	_ =	sdelay $0x2  }
0x1d: {  	[sflag:s2] =	ssyncset.done @!p1 $0x0  }
0x1e: {  	[sflag:s2] =	ssyncadd.s32 @!p1 $0xFFFFFF80  }
0x1f: {  	v3 =	vld @!p1 [tilespmem:$0x18900]  }
0x20: {  	v4 =	vld @!p1 [tilespmem:$0x18910]  }
0x21: {  	v5 =	vld @!p1 [tilespmem:$0x18920]  }
0x22: {  	v6 =	vld @!p1 [tilespmem:$0x18930]  }
0x23: {  	v8 =	vld @!p1 [tilespmem:$0x18940];
	v7 =	vpop @!p1 (erf)  }
0x24: {  	v9 =	vld @!p1 [tilespmem:$0x18950];
	v3 =	vmul.f32 @!p1 v3, v7  }
0x25: {  	v10 =	vld @!p1 [tilespmem:$0x18960];
	v4 =	vmul.f32 @!p1 v4, v7  }
0x26: {  	[tilespmem:$0x18900] =	vst @!p1 v3;
	v3 =	vmul.f32 @!p1 v5, v7;
	v5 =	vld @!p1 [tilespmem:$0x18970]  }
0x27: {  	[tilespmem:$0x18910] =	vst @!p1 v4;
	v4 =	vmul.f32 @!p1 v6, v7  }
0x28: {  	[tilespmem:$0x18920] =	vst @!p1 v3;
	v3 =	vmul.f32 @!p1 v8, v7  }
0x29: {  	[tilespmem:$0x18930] =	vst @!p1 v4;
	v4 =	vmul.f32 @!p1 v9, v7  }
0x2a: {  	[tilespmem:$0x18940] =	vst @!p1 v3;
	v3 =	vmul.f32 @!p1 v10, v7  }
0x2b: {  	s18 =	sadd.s32 $0x1, s18;
	[tilespmem:$0x18950] =	vst @!p1 v4;
	v4 =	vmul.f32 @!p1 v5, v7  }
0x2c: {  	p0 =	sne.s32 s18, s9;
	[tilespmem:$0x18960] =	vst @!p1 v3  }
.Ltmp1:
0x2d: {  	s5 =	simm.s32 @!p1 $0x0;
	[tilespmem:$0x18970] =	vst @!p1 v4;
	(pc) =	sbr.rel @!p0 .LBB2_32-.Ltmp1, $4  }
0x2e: {  	[hbm4b:s8+s5] =	stream.linear.scatter @!p1 [tilespmem:s0], [sflag:$0x4], $0x80, $0x38;
	[tilespmem:$0x18A00] =	vst v63  }
0x2f: {  	_ =	swait.ge @!p1 [sflag:s2], $0x80  }
0x30: {  	[sflag:s2] =	ssyncset.done @!p1 $0x0  }
0x31: {  	[sflag:s2] =	ssyncadd.s32 @!p1 $0xFFFFFF80  }
.LBB2_1:
0x32: {  	s0 =	rddreg [dreg:$0x1]  }
0x33: {  	[tilespmem:s4], [sflag:$0x4] =	stream.linear.gather [hbm4b:s0+s4], $0x80, $0x38;
	[tilespmem:$0x18A00] =	vst v63  }
0x34: {  	_ =	swait.ge [sflag:s10], $0x80  }
0x35: {  	[sflag:s10] =	ssyncset.done $0x0  }
0x36: {  	[sflag:s10] =	ssyncadd.s32 $0xFFFFFF80  }
0x37: {  	v3 =	vld [tilespmem:$0x0];
	_ =	sdelay $0x4  }
0x38: {  	(xrf0) =	vadd.scan.msk.s32 $0xffff, v3;
	_ =	sdelay $0x5  }
0x39: {  	v4, _, _ =	vpop (xrf0)  }
0x3a: {  	v5 =	vnsel vm1, $0x0, v4  }
0x3b: {  	(xrf0) =	vadd.scan.msk.s32 $0xffff, v5;
	v5 =	vnsel vm0, $0x0, v4  }
0x3c: {  	(xrf0) =	vadd.scan.msk.s32 $0xffff, v5;
	_ =	sdelay $0x4  }
0x3d: {  	v5, _, _ =	vpop (xrf0)  }
0x3e: {  	(v2sf) =	vpush v5, $0xF;
	v5, _, _ =	vpop (xrf0)  }
0x3f: {  	(v2sf) =	vpush v5, $0xF;
	_ =	sdelay $0xd  }
0x40: {  	s25 =	spop (v2sf)  }
0x41: {  	s19 =	spop (v2sf)  }
0x42: {  	s24 =	ssub.s32 s19, s25  }
0x43: {  	s0 =	sadd.s32 $0xF, s24  }
0x44: {  	s2 =	sand.u32 $0xF, s0  }
0x45: {  	s5 =	sshra.s32 s0, $0x1F;
	p2 =	slt.s32 s0, $0x1;
	p3 =	sne.s32 s2, $0x0  }
0x46: {  	s26 =	sshrl.u32 s5, $0x1C;
	p2 =	por !p2, !p3  }
0x47: {  	s2 =	simm.s32 $0x1;
	s0 =	sadd.s32 s26, s0;
	p2 =	por !p2, !p2  }
0x48: {  	s0 =	sshra.s32 s0, $0x4;
	s2 =	simm.s32 @!p2 $0x0  }
0x49: {  	s28 =	stileid.u32;
	s0 =	ssub.s32 s0, s2  }
0x4a: {  	s26 =	smul.u32 s28, s0;
	_ =	sdelay $0x1  }
0x4b: {  	s20 =	sadd.s32 s25, s26  }
0x4c: {  	s21 =	sadd.s32 s0, s20  }
0x4d: {  	s22 =	smov.u32 s19;
	p2 =	slt.s32 s21, s19  }
0x4e: {  	s22 =	smov.u32 @p2 s21  }
0x4f: {  	s0 =	ssub.s32 s22, s20  }
0x50: {  	p2 =	sgt.s32 s0, $0x0  }
0x51: {  	s0 =	simm.s32 @!p2 $0x0  }
0x52: {  	s29 =	sadd.s32 $0xF7, s0  }
0x53: {  	s30 =	smulhi.u32 $0x84210843, s29;
	s12 =	sshra.s32 s29, $0x1F  }
0x54: {  	s0 =	ssub.s32 $0xFFFFFF09, s0;
	s12 =	smul.u32 $0x84210843, s12  }
0x55: {  	s5 =	sadd.s32 s0, s30  }
0x56: {  	s5 =	sadd.s32 s12, s5  }
0x57: {  	s5 =	sadd.s32 s29, s5  }
0x58: {  	s31 =	sshrl.u32 s5, $0x1F;
	s5 =	sshra.s32 s5, $0x7  }
0x59: {  	s5 =	sadd.s32 s31, s5  }
0x5a: {  	s12 =	smul.u32 $0xFFFFFF08, s5;
	_ =	sdelay $0x1  }
0x5b: {  	p5 =	slt.s32 s29, $0x0;
	p6 =	sne.s32 s12, s0  }
0x5c: {  	p2 =	por !p5, !p6  }
0x5d: {  	s0 =	simm.s32 $0x1;
	p2 =	por !p2, !p2  }
0x5e: {  	s0 =	simm.s32 @!p2 $0x0  }
0x5f: {  	s23 =	ssub.s32 s5, s0  }
0x60: {  	p2 =	slt.s32 s23, $0x1  }
.Ltmp2:
0x61: {  	_ = 	snop;
	(pc) =	sbr.rel @p2 .LBB2_3-.Ltmp2, $2  }
0x62: {  	_ =	sdelay $0x2  }
0x63: {  	[tilespmem:$0x80] =	vst v1  }
0x64: {  	s0 =	sand.u32 $0x7, s20  }
0x65: {  	s2 =	sshra.s32 s20, $0x1F;
	p3 =	slt.s32 s20, $0x1;
	p4 =	sne.s32 s0, $0x0  }
0x66: {  	s2 =	sshrl.u32 s2, $0x1D;
	p3 =	por !p3, !p4  }
0x67: {  	s5 =	simm.s32 $0x1;
	s2 =	sadd.s32 s2, s20;
	p3 =	por !p3, !p3  }
0x68: {  	s2 =	sshrl.u32 s2, $0x3;
	s5 =	simm.s32 @!p3 $0x0  }
0x69: {  	s2 =	ssub.s32 s2, s5  }
0x6a: {  	s2 =	sshll.u32 s2, $0x3  }
0x6b: {  	p3 =	slt.s32 s2, $0x7F00  }
0x6c: {  	s2 =	simm.s32 @!p3 $0x7F00  }
0x6d: {  	s2 =	sshll.u32 s2, $0x4  }
0x6e: {  	s31 =	simm.s32 $0x100;
	p3 =	seq.s32 s23, $0x1;
	s2 =	sadd.s32 s1, s2  }
0x6f: {  	[tilespmem:s31], [sflag:$0x1] =	stream.linear.gather [hbm4b:s2+s4], $0x8000, $0x38;
	[tilespmem:$0x18A00] =	vst v63  }
0x70: {  	s2 =	sadd.s32 @!p3 $0xF8, s20  }
0x71: {  	p4 =	sne.s32 @!p3 s0, $0x0;
	p5 =	slt.s32 @!p3 s2, $0x1  }
0x72: {  	s5 =	sshra.s32 @!p3 s2, $0x1F;
	p4 =	por @!p3 !p5, !p4  }
0x73: {  	s5 =	sshrl.u32 @!p3 s5, $0x1D;
	p4 =	por @!p3 !p4, !p4  }
0x74: {  	s2 =	sadd.s32 @!p3 s5, s2;
	s5 =	simm.s32 @!p3 $0x1;
	p4 =	por !p4, p3  }
0x75: {  	s2 =	sshrl.u32 @!p3 s2, $0x3;
	s5 =	simm.s32 @p4 $0x0  }
0x76: {  	s2 =	ssub.s32 @!p3 s2, s5  }
0x77: {  	s2 =	sshll.u32 @!p3 s2, $0x3  }
0x78: {  	p4 =	slt.s32 @!p3 s2, $0x7F00  }
0x79: {  	p4 =	por !p4, p3  }
0x7a: {  	s2 =	simm.s32 @p4 $0x7F00  }
0x7b: {  	s12 =	simm.s32 @!p3 $0x8100;
	p5 =	slt.u32 @!p3 s23, $0x3;
	s2 =	sshll.u32 @!p3 s2, $0x4  }
0x7c: {  	s5 =	simm.s32 @!p3 $0x0;
	p4 =	por p5, p3;
	s2 =	sadd.s32 @!p3 s1, s2  }
0x7d: {  	[tilespmem:s12], [sflag:$0x2] =	stream.linear.gather @!p3 [hbm4b:s2+s5], $0x8000, $0x38;
	[tilespmem:$0x18A00] =	vst v63  }
0x7e: {  	s2 =	sadd.s32 @!p4 $0x1F0, s20  }
0x7f: {  	p6 =	sne.s32 @!p4 s0, $0x0;
	p0 =	slt.s32 @!p4 s2, $0x1  }
0x80: {  	p0 =	por @!p4 !p0, !p6  }
0x81: {  	s0 =	sshra.s32 @!p4 s2, $0x1F;
	p0 =	por @!p4 !p0, !p0  }
0x82: {  	s0 =	sshrl.u32 @!p4 s0, $0x1D;
	p0 =	por @!p3 !p0, p5  }
0x83: {  	s0 =	sadd.s32 @!p4 s0, s2;
	s2 =	simm.s32 @!p4 $0x1;
	p0 =	por !p0, p3  }
0x84: {  	s0 =	sshrl.u32 @!p4 s0, $0x3;
	s2 =	simm.s32 @!p0 $0x0  }
0x85: {  	s0 =	ssub.s32 @!p4 s0, s2  }
0x86: {  	s0 =	sshll.u32 @!p4 s0, $0x3  }
0x87: {  	p0 =	slt.s32 @!p4 s0, $0x7F00  }
0x88: {  	p0 =	por @!p3 !p0, p5  }
0x89: {  	p0 =	por !p0, p3  }
0x8a: {  	s0 =	simm.s32 @!p0 $0x7F00  }
0x8b: {  	s0 =	sshll.u32 @!p4 s0, $0x4  }
0x8c: {  	s5 =	simm.s32 @!p4 $0x10100;
	s2 =	simm.s32 @!p4 $0x0;
	s0 =	sadd.s32 @!p4 s1, s0  }
0x8d: {  	[tilespmem:s5], [sflag:$0x3] =	stream.linear.gather @!p4 [hbm4b:s0+s2], $0x8000, $0x38;
	[tilespmem:$0x18A00] =	vst v63  }
.LBB2_3:
0x8e: {  	[tilespmem:$0x18100] =	vst v2  }
0x8f: {  	[tilespmem:$0x18110] =	vst v2  }
0x90: {  	[tilespmem:$0x18120] =	vst v2  }
0x91: {  	[tilespmem:$0x18130] =	vst v2  }
0x92: {  	[tilespmem:$0x18140] =	vst v2  }
0x93: {  	[tilespmem:$0x18150] =	vst v2  }
0x94: {  	[tilespmem:$0x18160] =	vst v2  }
0x95: {  	[tilespmem:$0x18170] =	vst v2  }
0x96: {  	[tilespmem:$0x18180] =	vst v2  }
0x97: {  	[tilespmem:$0x18190] =	vst v2  }
0x98: {  	[tilespmem:$0x181A0] =	vst v2  }
0x99: {  	[tilespmem:$0x181B0] =	vst v2  }
0x9a: {  	[tilespmem:$0x181C0] =	vst v2  }
0x9b: {  	[tilespmem:$0x181D0] =	vst v2  }
0x9c: {  	[tilespmem:$0x181E0] =	vst v2  }
0x9d: {  	[tilespmem:$0x181F0] =	vst v2  }
0x9e: {  	[tilespmem:$0x18200] =	vst v2  }
0x9f: {  	[tilespmem:$0x18210] =	vst v2  }
0xa0: {  	[tilespmem:$0x18220] =	vst v2  }
0xa1: {  	[tilespmem:$0x18230] =	vst v2  }
0xa2: {  	[tilespmem:$0x18240] =	vst v2  }
0xa3: {  	[tilespmem:$0x18250] =	vst v2  }
0xa4: {  	[tilespmem:$0x18260] =	vst v2  }
0xa5: {  	[tilespmem:$0x18270] =	vst v2  }
0xa6: {  	[tilespmem:$0x18280] =	vst v2  }
0xa7: {  	[tilespmem:$0x18290] =	vst v2  }
0xa8: {  	[tilespmem:$0x182A0] =	vst v2  }
0xa9: {  	[tilespmem:$0x182B0] =	vst v2  }
0xaa: {  	[tilespmem:$0x182C0] =	vst v2  }
0xab: {  	[tilespmem:$0x182D0] =	vst v2  }
0xac: {  	[tilespmem:$0x182E0] =	vst v2  }
0xad: {  	[tilespmem:$0x182F0] =	vst v2  }
0xae: {  	[tilespmem:$0x18300] =	vst v2  }
0xaf: {  	[tilespmem:$0x18310] =	vst v2  }
0xb0: {  	[tilespmem:$0x18320] =	vst v2  }
0xb1: {  	[tilespmem:$0x18330] =	vst v2  }
0xb2: {  	[tilespmem:$0x18340] =	vst v2  }
0xb3: {  	[tilespmem:$0x18350] =	vst v2  }
0xb4: {  	[tilespmem:$0x18360] =	vst v2  }
0xb5: {  	[tilespmem:$0x18370] =	vst v2  }
0xb6: {  	[tilespmem:$0x18380] =	vst v2  }
0xb7: {  	[tilespmem:$0x18390] =	vst v2  }
0xb8: {  	[tilespmem:$0x183A0] =	vst v2  }
0xb9: {  	[tilespmem:$0x183B0] =	vst v2  }
0xba: {  	[tilespmem:$0x183C0] =	vst v2  }
0xbb: {  	[tilespmem:$0x183D0] =	vst v2  }
0xbc: {  	[tilespmem:$0x183E0] =	vst v2  }
0xbd: {  	[tilespmem:$0x183F0] =	vst v2  }
0xbe: {  	[tilespmem:$0x18400] =	vst v2  }
0xbf: {  	[tilespmem:$0x18410] =	vst v2  }
0xc0: {  	[tilespmem:$0x18420] =	vst v2  }
0xc1: {  	[tilespmem:$0x18430] =	vst v2  }
0xc2: {  	[tilespmem:$0x18440] =	vst v2  }
0xc3: {  	[tilespmem:$0x18450] =	vst v2  }
0xc4: {  	[tilespmem:$0x18460] =	vst v2  }
0xc5: {  	[tilespmem:$0x18470] =	vst v2  }
0xc6: {  	[tilespmem:$0x18480] =	vst v2  }
0xc7: {  	[tilespmem:$0x18490] =	vst v2  }
0xc8: {  	[tilespmem:$0x184A0] =	vst v2  }
0xc9: {  	[tilespmem:$0x184B0] =	vst v2  }
0xca: {  	[tilespmem:$0x184C0] =	vst v2  }
0xcb: {  	[tilespmem:$0x184D0] =	vst v2  }
0xcc: {  	[tilespmem:$0x184E0] =	vst v2  }
0xcd: {  	[tilespmem:$0x184F0] =	vst v2  }
0xce: {  	[tilespmem:$0x18500] =	vst v2  }
0xcf: {  	[tilespmem:$0x18510] =	vst v2  }
0xd0: {  	[tilespmem:$0x18520] =	vst v2  }
0xd1: {  	[tilespmem:$0x18530] =	vst v2  }
0xd2: {  	[tilespmem:$0x18540] =	vst v2  }
0xd3: {  	[tilespmem:$0x18550] =	vst v2  }
0xd4: {  	[tilespmem:$0x18560] =	vst v2  }
0xd5: {  	[tilespmem:$0x18570] =	vst v2  }
0xd6: {  	[tilespmem:$0x18580] =	vst v2  }
0xd7: {  	[tilespmem:$0x18590] =	vst v2  }
0xd8: {  	[tilespmem:$0x185A0] =	vst v2  }
0xd9: {  	[tilespmem:$0x185B0] =	vst v2  }
0xda: {  	[tilespmem:$0x185C0] =	vst v2  }
0xdb: {  	[tilespmem:$0x185D0] =	vst v2  }
0xdc: {  	[tilespmem:$0x185E0] =	vst v2  }
0xdd: {  	[tilespmem:$0x185F0] =	vst v2  }
0xde: {  	[tilespmem:$0x18600] =	vst v2  }
0xdf: {  	[tilespmem:$0x18610] =	vst v2  }
0xe0: {  	[tilespmem:$0x18620] =	vst v2  }
0xe1: {  	[tilespmem:$0x18630] =	vst v2  }
0xe2: {  	[tilespmem:$0x18640] =	vst v2  }
0xe3: {  	[tilespmem:$0x18650] =	vst v2  }
0xe4: {  	[tilespmem:$0x18660] =	vst v2  }
0xe5: {  	[tilespmem:$0x18670] =	vst v2  }
0xe6: {  	[tilespmem:$0x18680] =	vst v2  }
0xe7: {  	[tilespmem:$0x18690] =	vst v2  }
0xe8: {  	[tilespmem:$0x186A0] =	vst v2  }
0xe9: {  	[tilespmem:$0x186B0] =	vst v2  }
0xea: {  	[tilespmem:$0x186C0] =	vst v2  }
0xeb: {  	[tilespmem:$0x186D0] =	vst v2  }
0xec: {  	[tilespmem:$0x186E0] =	vst v2  }
0xed: {  	[tilespmem:$0x186F0] =	vst v2  }
0xee: {  	[tilespmem:$0x18700] =	vst v2  }
0xef: {  	[tilespmem:$0x18710] =	vst v2  }
0xf0: {  	[tilespmem:$0x18720] =	vst v2  }
0xf1: {  	[tilespmem:$0x18730] =	vst v2  }
0xf2: {  	[tilespmem:$0x18740] =	vst v2  }
0xf3: {  	[tilespmem:$0x18750] =	vst v2  }
0xf4: {  	[tilespmem:$0x18760] =	vst v2  }
0xf5: {  	[tilespmem:$0x18770] =	vst v2  }
0xf6: {  	[tilespmem:$0x18780] =	vst v2  }
0xf7: {  	[tilespmem:$0x18790] =	vst v2  }
0xf8: {  	[tilespmem:$0x187A0] =	vst v2  }
0xf9: {  	[tilespmem:$0x187B0] =	vst v2  }
0xfa: {  	[tilespmem:$0x187C0] =	vst v2  }
0xfb: {  	[tilespmem:$0x187D0] =	vst v2  }
0xfc: {  	[tilespmem:$0x187E0] =	vst v2  }
0xfd: {  	[tilespmem:$0x187F0] =	vst v2  }
0xfe: {  	[tilespmem:$0x18800] =	vst v2  }
0xff: {  	[tilespmem:$0x18810] =	vst v2  }
0x100: {  	[tilespmem:$0x18820] =	vst v2  }
0x101: {  	[tilespmem:$0x18830] =	vst v2  }
0x102: {  	[tilespmem:$0x18840] =	vst v2  }
0x103: {  	[tilespmem:$0x18850] =	vst v2  }
0x104: {  	[tilespmem:$0x18860] =	vst v2  }
0x105: {  	[tilespmem:$0x18870] =	vst v2  }
0x106: {  	[tilespmem:$0x18880] =	vst v2  }
0x107: {  	[tilespmem:$0x18890] =	vst v2  }
0x108: {  	[tilespmem:$0x188A0] =	vst v2  }
0x109: {  	[tilespmem:$0x188B0] =	vst v2;
	s0 =	sld [smem:$0x7FD]  }
0x10a: {  	[tilespmem:$0x188C0] =	vst v2  }
0x10b: {  	[tilespmem:$0x188D0] =	vst v2  }
0x10c: {  	[tilespmem:$0x188E0] =	vst v2;
	p0 =	seq.s32 s0, $0x1  }
0x10d: {  	[tilespmem:$0x188F0] =	vst v2;
	s0 =	simm.s32 @!p0 $0x18100  }
0x10e: {  	[spmem:s3] =	stream.linear.scatter @!p0 [tilespmem:s0], [sflag:$0x4], $0x800, $0x38;
	[tilespmem:$0x18A00] =	vst v63  }
0x10f: {  	s0 =	simm.s32 @!p0 $0x4  }
.Ltmp3:
0x110: {  	_ =	swait.ge @!p0 [sflag:s0], $0x800;
	(pc) =	sbr.rel @p2 .LBB2_31-.Ltmp3, $3  }
0x111: {  	[sflag:s0] =	ssyncset.done @!p0 $0x0  }
0x112: {  	[sflag:s0] =	ssyncadd.s32 @!p0 $0xFFFFF800  }
0x113: {  	[bflag:$0x0] =	sbarrier.arrive $0xFFFF;
	_ =	sdelay $0x1  }
.Ltmp4:
0x114: {  	(pc) =	sbr.rel .LBB2_5-.Ltmp4, $3  }
0x115: {  	_ =	sdelay $0x1  }
0x116: {  	s24 =	sand.u32 $0x7, s20;
	s0 =	sadd.s32 s26, s25;
	s26 =	simm.s32 $0x0  }
0x117: {  	s28 =	smov.u32 s6;
	s25 =	sadd.s32 $0xF8, s0;
	p2 =	sne.s32 s24, $0x0  }
.LBB2_30:
0x118: {  	s26 =	sadd.s32 $0x1, s26  }
0x119: {  	p0 =	sne.s32 s26, s23  }
.Ltmp5:
0x11a: {  	_ = 	snop;
	(pc) =	sbr.rel @!p0 .LBB2_31-.Ltmp5, $2  }
0x11b: {  	_ =	sdelay $0x2  }
0x11c: {  	s25 =	sadd.s32 $0xF8, s25  }
.LBB2_5:
0x11d: {  	s2 =	smulhi.u32 $0xAAAAAAAB, s26  }
0x11e: {  	s0 =	smul.u32 $0xF8, s26  }
0x11f: {  	s2 =	sshrl.u32 s2, $0x1  }
0x120: {  	s31 =	sadd.s32 s20, s0;
	s2 =	smul.u32 $0x3, s2  }
0x121: {  	s5 =	simm.s32 $0x1;
	s0 =	sshra.s32 s31, $0x1F;
	p0 =	slt.s32 s31, $0x1  }
0x122: {  	s0 =	sshrl.u32 s0, $0x1D;
	p0 =	por !p2, !p0;
	s2 =	ssub.s32 s26, s2  }
0x123: {  	s0 =	sadd.s32 s0, s31;
	p0 =	por !p0, !p0;
	p4 =	seq.s32 s2, $0x1  }
.Ltmp6:
0x124: {  	s0 =	sshrl.u32 s0, $0x3;
	s5 =	simm.s32 @!p0 $0x0;
	(pc) =	sbr.rel @p4 .LBB2_20-.Ltmp6, $4  }
0x125: {  	s0 =	ssub.s32 s0, s5  }
0x126: {  	s30 =	smov.u32 s22;
	s5 =	sadd.s32 $0xF8, s31;
	s29 =	sshll.u32 s0, $0x3  }
0x127: {  	p3 =	slt.s32 s5, s22;
	s0 =	sadd.s32 $0x3, s26;
	p0 =	slt.s32 s29, $0x7F00  }
0x128: {  	s30 =	smov.u32 @p3 s5;
	p3 =	sge.s32 s0, s23;
	s29 =	simm.s32 @!p0 $0x7F00  }
0x129: {  	p0 =	sne.s32 s2, $0x0  }
.Ltmp7:
0x12a: {  	_ = 	snop;
	(pc) =	sbr.rel @p0 .LBB2_36-.Ltmp7, $1  }
0x12b: {  	_ =	sdelay $0x3  }
0x12c: {  	s0 =	smul.u32 @!p3 $0xF8, s0;
	_ =	sdelay $0x1  }
0x12d: {  	s0 =	sadd.s32 @!p3 s20, s0  }
0x12e: {  	p0 =	sne.s32 @!p3 s24, $0x0;
	p4 =	slt.s32 @!p3 s0, $0x1  }
0x12f: {  	s2 =	sshra.s32 @!p3 s0, $0x1F;
	p0 =	por @!p3 !p0, !p4  }
0x130: {  	s2 =	sshrl.u32 @!p3 s2, $0x1D;
	p0 =	por @!p3 !p0, !p0  }
0x131: {  	s0 =	sadd.s32 @!p3 s2, s0;
	s2 =	simm.s32 @!p3 $0x1;
	p0 =	por !p0, p3  }
0x132: {  	s0 =	sshrl.u32 @!p3 s0, $0x3;
	s2 =	simm.s32 @p0 $0x0  }
0x133: {  	s0 =	ssub.s32 @!p3 s0, s2  }
0x134: {  	s0 =	sshll.u32 @!p3 s0, $0x3  }
0x135: {  	p0 =	slt.s32 @!p3 s0, $0x7F00  }
0x136: {  	p0 =	por !p0, p3  }
0x137: {  	s0 =	simm.s32 @p0 $0x7F00;
	p0 =	sge.s32 s31, s30  }
.Ltmp8:
0x138: {  	_ = 	snop;
	(pc) =	sbr.rel @p0 .LBB2_30-.Ltmp8, $4  }
0x139: {  	_ =	swait.ge [sflag:s11], $0x8000  }
0x13a: {  	s5 =	simm.s32 @!p3 $0x100;
	[sflag:s11] =	ssyncset.done $0x0;
	s0 =	sshll.u32 @!p3 s0, $0x4  }
0x13b: {  	[sflag:s11] =	ssyncadd.s32 $0xFFFF8000;
	s2 =	simm.s32 @!p3 $0x0;
	s0 =	sadd.s32 @!p3 s1, s0  }
0x13c: {  	[tilespmem:s5], [sflag:$0x1] =	stream.linear.gather @!p3 [hbm4b:s0+s2], $0x8000, $0x38;
	[tilespmem:$0x18A00] =	vst v63  }
.Ltmp9:
0x13d: {  	(pc) =	sbr.rel .LBB2_9-.Ltmp9, $4  }
0x13e: {  	s0 =	sshll.u32 s29, $0x9  }
0x13f: {  	s0 =	ssub.s32 $0x0, s0  }
0x140: {  	s0 =	sshra.s32 s0, $0x2  }
0x141: {  	s0 =	sadd.s32 $0x180, s0  }
.LBB2_16:
0x142: {  	v13 =	vld [tilespmem:s12+$0x40]  }
0x143: {  	v14 =	vld [tilespmem:s12+$0x50]  }
0x144: {  	v15 =	vld [tilespmem:s12+$0x60]  }
0x145: {  	v16 =	vld [tilespmem:s12+$0x70]  }
0x146: {  	v17 =	vld [tilespmem:s12+$0x80]  }
0x147: {  	v61 =	vld [tilespmem:s12+$0x90];
	v5 =	vadd.f32 v13, v5  }
0x148: {  	v62 =	vld [tilespmem:s12+$0xA0];
	v6 =	vadd.f32 v14, v6  }
0x149: {  	v63 =	vld [tilespmem:s12+$0xB0];
	[tilespmem:s12+$0x40] =	vst v5;
	v5 =	vadd.f32 v15, v11  }
0x14a: {  	[tilespmem:s12+$0x50] =	vst v6;
	v6 =	vadd.f32 v16, v10  }
0x14b: {  	[tilespmem:s12+$0x60] =	vst v5;
	v5 =	vadd.f32 v17, v7  }
.Ltmp10:
0x14c: {  	[tilespmem:s12+$0x70] =	vst v6;
	v6 =	vadd.f32 v61, v8;
	(pc) =	sbr.rel @!p3 .LBB2_30-.Ltmp10, $4  }
0x14d: {  	[tilespmem:s12+$0x80] =	vst v5;
	v5 =	vadd.f32 v62, v9  }
0x14e: {  	[tilespmem:s12+$0x90] =	vst v6;
	v6 =	vadd.f32 v63, v12  }
0x14f: {  	[tilespmem:s12+$0xA0] =	vst v5  }
0x150: {  	[tilespmem:s12+$0xB0] =	vst v6  }
.LBB2_9:
0x151: {  	s2 =	sshll.u32 s28, $0x9  }
0x152: {  	s2 =	sshra.s32 s2, $0x2  }
0x153: {  	s28 =	sadd.s32 $0xFFFFFFFF, s28;
	s5 =	smov.u32 s31;
	s15 =	sadd.s32 $0x180C0, s2  }
.LBB2_10:
0x154: {  	s28 =	sadd.s32 $0x1, s28  }
0x155: {  	v5 =	vmov s28  }
0x156: {  	vm2 =	veq.s32 v5, v1  }
0x157: {  	v5 =	vnsel vm2, $0x0, v4  }
0x158: {  	(xrf0) =	vadd.scan.msk.s32 $0xffff, v5;
	_ =	sdelay $0x5  }
0x159: {  	v5, _, _ =	vpop (xrf0)  }
0x15a: {  	(v2sf) =	vpush v5, $0xF;
	_ =	sdelay $0xe  }
0x15b: {  	s2 =	spop (v2sf)  }
0x15c: {  	p0 =	sle.s32 s2, s5  }
.Ltmp11:
0x15d: {  	_ = 	snop;
	(pc) =	sbr.rel @p0 .LBB2_10-.Ltmp11, $2  }
0x15e: {  	_ =	sdelay $0x2  }
0x15f: {  	s12 =	smov.u32 s15;
	s15 =	sadd.s32 $0x80, s15  }
0x160: {  	p3 =	slt.s32 s2, s30;
	s31 =	smov.u32 s30  }
0x161: {  	s31 =	smov.u32 @p3 s2  }
0x162: {  	s15 =	ssub.s32 s31, s5  }
0x163: {  	s16 =	sshrl.u32 s15, $0x1F  }
0x164: {  	s16 =	sadd.s32 s16, s15  }
0x165: {  	s16 =	sand.u32 $0xFFFFFFFE, s16  }
0x166: {  	p0 =	slt.s32 s16, $0x1  }
.Ltmp12:
0x167: {  	_ = 	snop;
	(pc) =	sbr.rel @p0 .LBB2_12-.Ltmp12, $1  }
0x168: {  	_ =	sdelay $0x3  }
0x169: {  	s5 =	sshll.u32 s5, $0x9  }
0x16a: {  	s5 =	sshra.s32 s5, $0x2  }
0x16b: {  	s5 =	sadd.s32 s5, s0  }
0x16c: {  	v5 =	vld [tilespmem:s5+$0x0]  }
0x16d: {  	v6 =	vld [tilespmem:s5+$0x10]  }
0x16e: {  	v10 =	vld [tilespmem:s5+$0x20]  }
0x16f: {  	v12 =	vld [tilespmem:s5+$0x30]  }
0x170: {  	v7 =	vld [tilespmem:s5+$0x40]  }
0x171: {  	v11 =	vld [tilespmem:s5+$0xFFFFFF80]  }
0x172: {  	v13 =	vld [tilespmem:s5+$0xFFFFFF90]  }
0x173: {  	v14 =	vld [tilespmem:s5+$0xFFFFFFA0]  }
0x174: {  	v15 =	vld [tilespmem:s5+$0xFFFFFFB0]  }
0x175: {  	v9 =	vld [tilespmem:s5+$0x50]  }
0x176: {  	p0 =	sgt.s32 s16, $0x2;
	v16 =	vld [tilespmem:s5+$0xFFFFFFC0]  }
.Ltmp13:
0x177: {  	v8 =	vimm.f32 $0.0e+00;
	v18 =	vld [tilespmem:s5+$0xFFFFFFD0];
	(pc) =	sbr.rel @!p0 .LBB2_19-.Ltmp13, $4  }
0x178: {  	v17 =	vld [tilespmem:s5+$0xFFFFFFE0];
	v21 =	vadd.f32 v11, v8  }
0x179: {  	v20 =	vld [tilespmem:s5+$0xFFFFFFF0];
	v13 =	vadd.f32 v13, v8;
	v11 =	vadd.f32 v14, v8  }
0x17a: {  	v19 =	vld [tilespmem:s5+$0x60];
	v22 =	vadd.f32 v15, v8;
	v14 =	vimm.f32 $0.0e+00;
	v15 =	vimm.f32 $0.0e+00  }
0x17b: {  	s17 =	simm.s32 $0x2;
	v5 =	vadd.f32 v5, v21;
	v6 =	vadd.f32 v6, v13;
	v21 =	vld [tilespmem:s5+$0x70];
	s5 =	sadd.s32 $0x100, s5;
	v13 =	vimm.f32 $0.0e+00  }
.LBB2_18:
0x17c: {  	v23 =	vld [tilespmem:s5+$0x0];
	v11 =	vadd.f32 v10, v11;
	v22 =	vadd.f32 v12, v22  }
0x17d: {  	v8 =	vadd.f32 v16, v8;
	v13 =	vadd.f32 v18, v13;
	v24 =	vld [tilespmem:s5+$0x10]  }
0x17e: {  	v14 =	vadd.f32 v17, v14;
	v10 =	vld [tilespmem:s5+$0x20];
	v15 =	vadd.f32 v20, v15  }
0x17f: {  	v8 =	vadd.f32 v7, v8;
	v13 =	vadd.f32 v9, v13;
	v12 =	vld [tilespmem:s5+$0x30]  }
0x180: {  	v14 =	vadd.f32 v19, v14;
	v7 =	vld [tilespmem:s5+$0x40];
	v15 =	vadd.f32 v21, v15  }
0x181: {  	v9 =	vld [tilespmem:s5+$0x50]  }
0x182: {  	v19 =	vld [tilespmem:s5+$0xFFFFFF80]  }
0x183: {  	v20 =	vld [tilespmem:s5+$0xFFFFFF90]  }
0x184: {  	v21 =	vld [tilespmem:s5+$0xFFFFFFA0]  }
0x185: {  	s17 =	sadd.s32 $0x2, s17;
	v25 =	vld [tilespmem:s5+$0xFFFFFFB0]  }
0x186: {  	p0 =	slt.s32 s17, s16;
	v16 =	vld [tilespmem:s5+$0xFFFFFFC0]  }
.Ltmp14:
0x187: {  	v18 =	vld [tilespmem:s5+$0xFFFFFFD0];
	(pc) =	sbr.rel @p0 .LBB2_18-.Ltmp14, $4  }
0x188: {  	v17 =	vld [tilespmem:s5+$0xFFFFFFE0]  }
0x189: {  	v5 =	vadd.f32 v19, v5;
	v6 =	vadd.f32 v20, v6;
	v20 =	vld [tilespmem:s5+$0xFFFFFFF0]  }
0x18a: {  	v11 =	vadd.f32 v21, v11;
	v22 =	vadd.f32 v25, v22;
	v19 =	vld [tilespmem:s5+$0x60]  }
0x18b: {  	v5 =	vadd.f32 v23, v5;
	v6 =	vadd.f32 v24, v6;
	v21 =	vld [tilespmem:s5+$0x70];
	s5 =	sadd.s32 $0x100, s5  }
.LBB2_19:
.Ltmp15:
0x18c: {  	v11 =	vadd.f32 v10, v11;
	v10 =	vadd.f32 v12, v22;
	(pc) =	sbr.rel .LBB2_13-.Ltmp15, $4  }
0x18d: {  	v8 =	vadd.f32 v16, v8;
	v12 =	vadd.f32 v18, v13  }
0x18e: {  	v13 =	vadd.f32 v17, v14;
	v14 =	vadd.f32 v20, v15  }
0x18f: {  	v7 =	vadd.f32 v7, v8;
	v8 =	vadd.f32 v9, v12  }
0x190: {  	v9 =	vadd.f32 v19, v13;
	v12 =	vadd.f32 v21, v14  }
.LBB2_12:
0x191: {  	v5 =	vimm.f32 $0.0e+00;
	v6 =	vimm.f32 $0.0e+00  }
0x192: {  	v11 =	vimm.f32 $0.0e+00;
	v10 =	vimm.f32 $0.0e+00;
	v7 =	vimm.f32 $0.0e+00  }
0x193: {  	v8 =	vimm.f32 $0.0e+00;
	v9 =	vimm.f32 $0.0e+00;
	v12 =	vimm.f32 $0.0e+00  }
.LBB2_13:
0x194: {  	p0 =	sge.s32 s16, s15  }
.Ltmp16:
0x195: {  	_ = 	snop;
	(pc) =	sbr.rel @p0 .LBB2_16-.Ltmp16, $1  }
0x196: {  	_ =	sdelay $0x3  }
0x197: {  	p0 =	slt.s32 s2, s19;
	s5 =	smov.u32 s19  }
0x198: {  	s5 =	smov.u32 @p0 s2  }
0x199: {  	s17 =	smov.u32 s25;
	p0 =	slt.s32 s5, s25  }
0x19a: {  	s2 =	ssub.s32 s15, s16;
	s17 =	smov.u32 @p0 s5  }
0x19b: {  	s15 =	smov.u32 s21;
	s16 =	sadd.s32 s2, s29;
	p0 =	slt.s32 s17, s21  }
0x19c: {  	s5 =	sshll.u32 s16, $0x9;
	s15 =	smov.u32 @p0 s17  }
0x19d: {  	s5 =	ssub.s32 $0x0, s5;
	s15 =	sshll.u32 s15, $0x9  }
0x19e: {  	s5 =	sshra.s32 s5, $0x2;
	s15 =	sshra.s32 s15, $0x2  }
0x19f: {  	s5 =	sadd.s32 s15, s5  }
0x1a0: {  	s5 =	sadd.s32 $0x140, s5  }
.LBB2_15:
0x1a1: {  	v13 =	vld [tilespmem:s5+$0xFFFFFFC0]  }
0x1a2: {  	v14 =	vld [tilespmem:s5+$0xFFFFFFD0]  }
0x1a3: {  	v15 =	vld [tilespmem:s5+$0xFFFFFFE0]  }
0x1a4: {  	v16 =	vld [tilespmem:s5+$0xFFFFFFF0]  }
0x1a5: {  	v17 =	vld [tilespmem:s5+$0x0]  }
0x1a6: {  	v18 =	vld [tilespmem:s5+$0x10]  }
0x1a7: {  	v19 =	vld [tilespmem:s5+$0x20]  }
0x1a8: {  	v20 =	vld [tilespmem:s5+$0x30];
	p0 =	sne.s32 s2, $0x1  }
.Ltmp17:
0x1a9: {  	_ = 	snop;
	(pc) =	sbr.rel @p0 .LBB2_15-.Ltmp17, $4  }
0x1aa: {  	v5 =	vadd.f32 v13, v5;
	v6 =	vadd.f32 v14, v6  }
0x1ab: {  	v11 =	vadd.f32 v15, v11;
	v10 =	vadd.f32 v16, v10  }
0x1ac: {  	v7 =	vadd.f32 v17, v7;
	v8 =	vadd.f32 v18, v8  }
0x1ad: {  	s5 =	sadd.s32 $0x80, s5;
	s2 =	sadd.s32 $0xFFFFFFFF, s2;
	v9 =	vadd.f32 v19, v9;
	v12 =	vadd.f32 v20, v12  }
.Ltmp18:
0x1ae: {  	_ = 	snop;
	(pc) =	sbr.rel .LBB2_16-.Ltmp18, $1  }
0x1af: {  	_ =	sdelay $0x3  }
.LBB2_20:
0x1b0: {  	s0 =	smul.u32 @!p3 $0xF8, s0;
	_ =	sdelay $0x1  }
0x1b1: {  	s0 =	sadd.s32 @!p3 s20, s0  }
0x1b2: {  	p0 =	sne.s32 @!p3 s24, $0x0;
	p4 =	slt.s32 @!p3 s0, $0x1  }
0x1b3: {  	s2 =	sshra.s32 @!p3 s0, $0x1F;
	p0 =	por @!p3 !p0, !p4  }
0x1b4: {  	s2 =	sshrl.u32 @!p3 s2, $0x1D;
	p0 =	por @!p3 !p0, !p0  }
0x1b5: {  	s0 =	sadd.s32 @!p3 s2, s0;
	s2 =	simm.s32 @!p3 $0x1;
	p0 =	por !p0, p3  }
0x1b6: {  	s0 =	sshrl.u32 @!p3 s0, $0x3;
	s2 =	simm.s32 @p0 $0x0  }
0x1b7: {  	s0 =	ssub.s32 @!p3 s0, s2  }
0x1b8: {  	s0 =	sshll.u32 @!p3 s0, $0x3  }
0x1b9: {  	p0 =	slt.s32 @!p3 s0, $0x7F00  }
0x1ba: {  	p0 =	por !p0, p3  }
0x1bb: {  	s0 =	simm.s32 @p0 $0x7F00;
	p0 =	sge.s32 s31, s30  }
.Ltmp19:
0x1bc: {  	_ = 	snop;
	(pc) =	sbr.rel @p0 .LBB2_30-.Ltmp19, $4  }
0x1bd: {  	_ =	swait.ge [sflag:s13], $0x8000  }
0x1be: {  	s5 =	simm.s32 @!p3 $0x8100;
	[sflag:s13] =	ssyncset.done $0x0;
	s0 =	sshll.u32 @!p3 s0, $0x4  }
0x1bf: {  	[sflag:s13] =	ssyncadd.s32 $0xFFFF8000;
	s2 =	simm.s32 @!p3 $0x0;
	s0 =	sadd.s32 @!p3 s1, s0  }
0x1c0: {  	[tilespmem:s5], [sflag:$0x2] =	stream.linear.gather @!p3 [hbm4b:s0+s2], $0x8000, $0x38;
	[tilespmem:$0x18A00] =	vst v63  }
.Ltmp20:
0x1c1: {  	(pc) =	sbr.rel .LBB2_22-.Ltmp20, $4  }
0x1c2: {  	s0 =	sshll.u32 s29, $0x9  }
0x1c3: {  	s0 =	ssub.s32 $0x0, s0  }
0x1c4: {  	s0 =	sshra.s32 s0, $0x2  }
0x1c5: {  	s0 =	sadd.s32 $0x8180, s0  }
.LBB2_29:
0x1c6: {  	v13 =	vld [tilespmem:s12+$0x40]  }
0x1c7: {  	v14 =	vld [tilespmem:s12+$0x50]  }
0x1c8: {  	v15 =	vld [tilespmem:s12+$0x60]  }
0x1c9: {  	v16 =	vld [tilespmem:s12+$0x70]  }
0x1ca: {  	v17 =	vld [tilespmem:s12+$0x80]  }
0x1cb: {  	v61 =	vld [tilespmem:s12+$0x90];
	v5 =	vadd.f32 v13, v5  }
0x1cc: {  	v62 =	vld [tilespmem:s12+$0xA0];
	v6 =	vadd.f32 v14, v6  }
0x1cd: {  	v63 =	vld [tilespmem:s12+$0xB0];
	[tilespmem:s12+$0x40] =	vst v5;
	v5 =	vadd.f32 v15, v11  }
0x1ce: {  	[tilespmem:s12+$0x50] =	vst v6;
	v6 =	vadd.f32 v16, v10  }
0x1cf: {  	[tilespmem:s12+$0x60] =	vst v5;
	v5 =	vadd.f32 v17, v7  }
.Ltmp21:
0x1d0: {  	[tilespmem:s12+$0x70] =	vst v6;
	v6 =	vadd.f32 v61, v8;
	(pc) =	sbr.rel @!p3 .LBB2_30-.Ltmp21, $4  }
0x1d1: {  	[tilespmem:s12+$0x80] =	vst v5;
	v5 =	vadd.f32 v62, v9  }
0x1d2: {  	[tilespmem:s12+$0x90] =	vst v6;
	v6 =	vadd.f32 v63, v12  }
0x1d3: {  	[tilespmem:s12+$0xA0] =	vst v5  }
0x1d4: {  	[tilespmem:s12+$0xB0] =	vst v6  }
.LBB2_22:
0x1d5: {  	s2 =	sshll.u32 s28, $0x9  }
0x1d6: {  	s2 =	sshra.s32 s2, $0x2  }
0x1d7: {  	s28 =	sadd.s32 $0xFFFFFFFF, s28;
	s5 =	smov.u32 s31;
	s15 =	sadd.s32 $0x180C0, s2  }
.LBB2_23:
0x1d8: {  	s28 =	sadd.s32 $0x1, s28  }
0x1d9: {  	v5 =	vmov s28  }
0x1da: {  	vm2 =	veq.s32 v5, v1  }
0x1db: {  	v5 =	vnsel vm2, $0x0, v4  }
0x1dc: {  	(xrf0) =	vadd.scan.msk.s32 $0xffff, v5;
	_ =	sdelay $0x5  }
0x1dd: {  	v5, _, _ =	vpop (xrf0)  }
0x1de: {  	(v2sf) =	vpush v5, $0xF;
	_ =	sdelay $0xe  }
0x1df: {  	s2 =	spop (v2sf)  }
0x1e0: {  	p0 =	sle.s32 s2, s5  }
.Ltmp22:
0x1e1: {  	_ = 	snop;
	(pc) =	sbr.rel @p0 .LBB2_23-.Ltmp22, $2  }
0x1e2: {  	_ =	sdelay $0x2  }
0x1e3: {  	s12 =	smov.u32 s15;
	s15 =	sadd.s32 $0x80, s15  }
0x1e4: {  	p3 =	slt.s32 s2, s30;
	s31 =	smov.u32 s30  }
0x1e5: {  	s31 =	smov.u32 @p3 s2  }
0x1e6: {  	s15 =	ssub.s32 s31, s5  }
0x1e7: {  	s16 =	sshrl.u32 s15, $0x1F  }
0x1e8: {  	s16 =	sadd.s32 s16, s15  }
0x1e9: {  	s16 =	sand.u32 $0xFFFFFFFE, s16  }
0x1ea: {  	p0 =	slt.s32 s16, $0x1  }
.Ltmp23:
0x1eb: {  	_ = 	snop;
	(pc) =	sbr.rel @p0 .LBB2_25-.Ltmp23, $1  }
0x1ec: {  	_ =	sdelay $0x3  }
0x1ed: {  	s5 =	sshll.u32 s5, $0x9  }
0x1ee: {  	s5 =	sshra.s32 s5, $0x2  }
0x1ef: {  	s5 =	sadd.s32 s5, s0  }
0x1f0: {  	v5 =	vld [tilespmem:s5+$0x0]  }
0x1f1: {  	v6 =	vld [tilespmem:s5+$0x10]  }
0x1f2: {  	v10 =	vld [tilespmem:s5+$0x20]  }
0x1f3: {  	v12 =	vld [tilespmem:s5+$0x30]  }
0x1f4: {  	v7 =	vld [tilespmem:s5+$0x40]  }
0x1f5: {  	v11 =	vld [tilespmem:s5+$0xFFFFFF80]  }
0x1f6: {  	v13 =	vld [tilespmem:s5+$0xFFFFFF90]  }
0x1f7: {  	v14 =	vld [tilespmem:s5+$0xFFFFFFA0]  }
0x1f8: {  	v15 =	vld [tilespmem:s5+$0xFFFFFFB0]  }
0x1f9: {  	v9 =	vld [tilespmem:s5+$0x50]  }
0x1fa: {  	p0 =	sgt.s32 s16, $0x2;
	v16 =	vld [tilespmem:s5+$0xFFFFFFC0]  }
.Ltmp24:
0x1fb: {  	v8 =	vimm.f32 $0.0e+00;
	v18 =	vld [tilespmem:s5+$0xFFFFFFD0];
	(pc) =	sbr.rel @!p0 .LBB2_35-.Ltmp24, $4  }
0x1fc: {  	v17 =	vld [tilespmem:s5+$0xFFFFFFE0];
	v21 =	vadd.f32 v11, v8  }
0x1fd: {  	v20 =	vld [tilespmem:s5+$0xFFFFFFF0];
	v13 =	vadd.f32 v13, v8;
	v11 =	vadd.f32 v14, v8  }
0x1fe: {  	v19 =	vld [tilespmem:s5+$0x60];
	v22 =	vadd.f32 v15, v8;
	v14 =	vimm.f32 $0.0e+00;
	v15 =	vimm.f32 $0.0e+00  }
0x1ff: {  	s17 =	simm.s32 $0x2;
	v5 =	vadd.f32 v5, v21;
	v6 =	vadd.f32 v6, v13;
	v21 =	vld [tilespmem:s5+$0x70];
	s5 =	sadd.s32 $0x100, s5;
	v13 =	vimm.f32 $0.0e+00  }
.LBB2_34:
0x200: {  	v23 =	vld [tilespmem:s5+$0x0];
	v11 =	vadd.f32 v10, v11;
	v22 =	vadd.f32 v12, v22  }
0x201: {  	v8 =	vadd.f32 v16, v8;
	v13 =	vadd.f32 v18, v13;
	v24 =	vld [tilespmem:s5+$0x10]  }
0x202: {  	v14 =	vadd.f32 v17, v14;
	v10 =	vld [tilespmem:s5+$0x20];
	v15 =	vadd.f32 v20, v15  }
0x203: {  	v8 =	vadd.f32 v7, v8;
	v13 =	vadd.f32 v9, v13;
	v12 =	vld [tilespmem:s5+$0x30]  }
0x204: {  	v14 =	vadd.f32 v19, v14;
	v7 =	vld [tilespmem:s5+$0x40];
	v15 =	vadd.f32 v21, v15  }
0x205: {  	v9 =	vld [tilespmem:s5+$0x50]  }
0x206: {  	v19 =	vld [tilespmem:s5+$0xFFFFFF80]  }
0x207: {  	v20 =	vld [tilespmem:s5+$0xFFFFFF90]  }
0x208: {  	v21 =	vld [tilespmem:s5+$0xFFFFFFA0]  }
0x209: {  	s17 =	sadd.s32 $0x2, s17;
	v25 =	vld [tilespmem:s5+$0xFFFFFFB0]  }
0x20a: {  	p0 =	slt.s32 s17, s16;
	v16 =	vld [tilespmem:s5+$0xFFFFFFC0]  }
.Ltmp25:
0x20b: {  	v18 =	vld [tilespmem:s5+$0xFFFFFFD0];
	(pc) =	sbr.rel @p0 .LBB2_34-.Ltmp25, $4  }
0x20c: {  	v17 =	vld [tilespmem:s5+$0xFFFFFFE0]  }
0x20d: {  	v5 =	vadd.f32 v19, v5;
	v6 =	vadd.f32 v20, v6;
	v20 =	vld [tilespmem:s5+$0xFFFFFFF0]  }
0x20e: {  	v11 =	vadd.f32 v21, v11;
	v22 =	vadd.f32 v25, v22;
	v19 =	vld [tilespmem:s5+$0x60]  }
0x20f: {  	v5 =	vadd.f32 v23, v5;
	v6 =	vadd.f32 v24, v6;
	v21 =	vld [tilespmem:s5+$0x70];
	s5 =	sadd.s32 $0x100, s5  }
.LBB2_35:
.Ltmp26:
0x210: {  	v11 =	vadd.f32 v10, v11;
	v10 =	vadd.f32 v12, v22;
	(pc) =	sbr.rel .LBB2_26-.Ltmp26, $4  }
0x211: {  	v8 =	vadd.f32 v16, v8;
	v12 =	vadd.f32 v18, v13  }
0x212: {  	v13 =	vadd.f32 v17, v14;
	v14 =	vadd.f32 v20, v15  }
0x213: {  	v7 =	vadd.f32 v7, v8;
	v8 =	vadd.f32 v9, v12  }
0x214: {  	v9 =	vadd.f32 v19, v13;
	v12 =	vadd.f32 v21, v14  }
.LBB2_25:
0x215: {  	v5 =	vimm.f32 $0.0e+00;
	v6 =	vimm.f32 $0.0e+00  }
0x216: {  	v11 =	vimm.f32 $0.0e+00;
	v10 =	vimm.f32 $0.0e+00;
	v7 =	vimm.f32 $0.0e+00  }
0x217: {  	v8 =	vimm.f32 $0.0e+00;
	v9 =	vimm.f32 $0.0e+00;
	v12 =	vimm.f32 $0.0e+00  }
.LBB2_26:
0x218: {  	p0 =	sge.s32 s16, s15  }
.Ltmp27:
0x219: {  	_ = 	snop;
	(pc) =	sbr.rel @p0 .LBB2_29-.Ltmp27, $1  }
0x21a: {  	_ =	sdelay $0x3  }
0x21b: {  	p0 =	slt.s32 s2, s19;
	s5 =	smov.u32 s19  }
0x21c: {  	s5 =	smov.u32 @p0 s2  }
0x21d: {  	s17 =	smov.u32 s25;
	p0 =	slt.s32 s5, s25  }
0x21e: {  	s2 =	ssub.s32 s15, s16;
	s17 =	smov.u32 @p0 s5  }
0x21f: {  	s15 =	smov.u32 s21;
	s16 =	sadd.s32 s2, s29;
	p0 =	slt.s32 s17, s21  }
0x220: {  	s5 =	sshll.u32 s16, $0x9;
	s15 =	smov.u32 @p0 s17  }
0x221: {  	s5 =	ssub.s32 $0x0, s5;
	s15 =	sshll.u32 s15, $0x9  }
0x222: {  	s5 =	sshra.s32 s5, $0x2;
	s15 =	sshra.s32 s15, $0x2  }
0x223: {  	s5 =	sadd.s32 s15, s5  }
0x224: {  	s5 =	sadd.s32 $0x8140, s5  }
.LBB2_28:
0x225: {  	v13 =	vld [tilespmem:s5+$0xFFFFFFC0]  }
0x226: {  	v14 =	vld [tilespmem:s5+$0xFFFFFFD0]  }
0x227: {  	v15 =	vld [tilespmem:s5+$0xFFFFFFE0]  }
0x228: {  	v16 =	vld [tilespmem:s5+$0xFFFFFFF0]  }
0x229: {  	v17 =	vld [tilespmem:s5+$0x0]  }
0x22a: {  	v18 =	vld [tilespmem:s5+$0x10]  }
0x22b: {  	v19 =	vld [tilespmem:s5+$0x20]  }
0x22c: {  	v20 =	vld [tilespmem:s5+$0x30];
	p0 =	sne.s32 s2, $0x1  }
.Ltmp28:
0x22d: {  	_ = 	snop;
	(pc) =	sbr.rel @p0 .LBB2_28-.Ltmp28, $4  }
0x22e: {  	v5 =	vadd.f32 v13, v5;
	v6 =	vadd.f32 v14, v6  }
0x22f: {  	v11 =	vadd.f32 v15, v11;
	v10 =	vadd.f32 v16, v10  }
0x230: {  	v7 =	vadd.f32 v17, v7;
	v8 =	vadd.f32 v18, v8  }
0x231: {  	s5 =	sadd.s32 $0x80, s5;
	s2 =	sadd.s32 $0xFFFFFFFF, s2;
	v9 =	vadd.f32 v19, v9;
	v12 =	vadd.f32 v20, v12  }
.Ltmp29:
0x232: {  	_ = 	snop;
	(pc) =	sbr.rel .LBB2_29-.Ltmp29, $1  }
0x233: {  	_ =	sdelay $0x3  }
.LBB2_36:
0x234: {  	s0 =	smul.u32 @!p3 $0xF8, s0;
	_ =	sdelay $0x1  }
0x235: {  	s0 =	sadd.s32 @!p3 s20, s0  }
0x236: {  	p0 =	sne.s32 @!p3 s24, $0x0;
	p4 =	slt.s32 @!p3 s0, $0x1  }
0x237: {  	s2 =	sshra.s32 @!p3 s0, $0x1F;
	p0 =	por @!p3 !p0, !p4  }
0x238: {  	s2 =	sshrl.u32 @!p3 s2, $0x1D;
	p0 =	por @!p3 !p0, !p0  }
0x239: {  	s0 =	sadd.s32 @!p3 s2, s0;
	s2 =	simm.s32 @!p3 $0x1;
	p0 =	por !p0, p3  }
0x23a: {  	s0 =	sshrl.u32 @!p3 s0, $0x3;
	s2 =	simm.s32 @p0 $0x0  }
0x23b: {  	s0 =	ssub.s32 @!p3 s0, s2  }
0x23c: {  	s0 =	sshll.u32 @!p3 s0, $0x3  }
0x23d: {  	p0 =	slt.s32 @!p3 s0, $0x7F00  }
0x23e: {  	p0 =	por !p0, p3  }
0x23f: {  	s0 =	simm.s32 @p0 $0x7F00;
	p0 =	sge.s32 s31, s30  }
.Ltmp30:
0x240: {  	_ = 	snop;
	(pc) =	sbr.rel @p0 .LBB2_30-.Ltmp30, $4  }
0x241: {  	_ =	swait.ge [sflag:s14], $0x8000  }
0x242: {  	s5 =	simm.s32 @!p3 $0x10100;
	[sflag:s14] =	ssyncset.done $0x0;
	s0 =	sshll.u32 @!p3 s0, $0x4  }
0x243: {  	[sflag:s14] =	ssyncadd.s32 $0xFFFF8000;
	s2 =	simm.s32 @!p3 $0x0;
	s0 =	sadd.s32 @!p3 s1, s0  }
0x244: {  	[tilespmem:s5], [sflag:$0x3] =	stream.linear.gather @!p3 [hbm4b:s0+s2], $0x8000, $0x38;
	[tilespmem:$0x18A00] =	vst v63  }
.Ltmp31:
0x245: {  	(pc) =	sbr.rel .LBB2_38-.Ltmp31, $4  }
0x246: {  	s0 =	sshll.u32 s29, $0x9  }
0x247: {  	s0 =	ssub.s32 $0x0, s0  }
0x248: {  	s0 =	sshra.s32 s0, $0x2  }
0x249: {  	s0 =	sadd.s32 $0x10180, s0  }
.LBB2_45:
0x24a: {  	v13 =	vld [tilespmem:s12+$0x40]  }
0x24b: {  	v14 =	vld [tilespmem:s12+$0x50]  }
0x24c: {  	v15 =	vld [tilespmem:s12+$0x60]  }
0x24d: {  	v16 =	vld [tilespmem:s12+$0x70]  }
0x24e: {  	v17 =	vld [tilespmem:s12+$0x80]  }
0x24f: {  	v61 =	vld [tilespmem:s12+$0x90];
	v5 =	vadd.f32 v13, v5  }
0x250: {  	v62 =	vld [tilespmem:s12+$0xA0];
	v6 =	vadd.f32 v14, v6  }
0x251: {  	v63 =	vld [tilespmem:s12+$0xB0];
	[tilespmem:s12+$0x40] =	vst v5;
	v5 =	vadd.f32 v15, v11  }
0x252: {  	[tilespmem:s12+$0x50] =	vst v6;
	v6 =	vadd.f32 v16, v10  }
0x253: {  	[tilespmem:s12+$0x60] =	vst v5;
	v5 =	vadd.f32 v17, v7  }
.Ltmp32:
0x254: {  	[tilespmem:s12+$0x70] =	vst v6;
	v6 =	vadd.f32 v61, v8;
	(pc) =	sbr.rel @!p3 .LBB2_30-.Ltmp32, $4  }
0x255: {  	[tilespmem:s12+$0x80] =	vst v5;
	v5 =	vadd.f32 v62, v9  }
0x256: {  	[tilespmem:s12+$0x90] =	vst v6;
	v6 =	vadd.f32 v63, v12  }
0x257: {  	[tilespmem:s12+$0xA0] =	vst v5  }
0x258: {  	[tilespmem:s12+$0xB0] =	vst v6  }
.LBB2_38:
0x259: {  	s2 =	sshll.u32 s28, $0x9  }
0x25a: {  	s2 =	sshra.s32 s2, $0x2  }
0x25b: {  	s28 =	sadd.s32 $0xFFFFFFFF, s28;
	s5 =	smov.u32 s31;
	s15 =	sadd.s32 $0x180C0, s2  }
.LBB2_39:
0x25c: {  	s28 =	sadd.s32 $0x1, s28  }
0x25d: {  	v5 =	vmov s28  }
0x25e: {  	vm2 =	veq.s32 v5, v1  }
0x25f: {  	v5 =	vnsel vm2, $0x0, v4  }
0x260: {  	(xrf0) =	vadd.scan.msk.s32 $0xffff, v5;
	_ =	sdelay $0x5  }
0x261: {  	v5, _, _ =	vpop (xrf0)  }
0x262: {  	(v2sf) =	vpush v5, $0xF;
	_ =	sdelay $0xe  }
0x263: {  	s2 =	spop (v2sf)  }
0x264: {  	p0 =	sle.s32 s2, s5  }
.Ltmp33:
0x265: {  	_ = 	snop;
	(pc) =	sbr.rel @p0 .LBB2_39-.Ltmp33, $2  }
0x266: {  	_ =	sdelay $0x2  }
0x267: {  	s12 =	smov.u32 s15;
	s15 =	sadd.s32 $0x80, s15  }
0x268: {  	p3 =	slt.s32 s2, s30;
	s31 =	smov.u32 s30  }
0x269: {  	s31 =	smov.u32 @p3 s2  }
0x26a: {  	s15 =	ssub.s32 s31, s5  }
0x26b: {  	s16 =	sshrl.u32 s15, $0x1F  }
0x26c: {  	s16 =	sadd.s32 s16, s15  }
0x26d: {  	s16 =	sand.u32 $0xFFFFFFFE, s16  }
0x26e: {  	p0 =	slt.s32 s16, $0x1  }
.Ltmp34:
0x26f: {  	_ = 	snop;
	(pc) =	sbr.rel @p0 .LBB2_41-.Ltmp34, $1  }
0x270: {  	_ =	sdelay $0x3  }
0x271: {  	s5 =	sshll.u32 s5, $0x9  }
0x272: {  	s5 =	sshra.s32 s5, $0x2  }
0x273: {  	s5 =	sadd.s32 s5, s0  }
0x274: {  	v5 =	vld [tilespmem:s5+$0x0]  }
0x275: {  	v6 =	vld [tilespmem:s5+$0x10]  }
0x276: {  	v10 =	vld [tilespmem:s5+$0x20]  }
0x277: {  	v12 =	vld [tilespmem:s5+$0x30]  }
0x278: {  	v7 =	vld [tilespmem:s5+$0x40]  }
0x279: {  	v11 =	vld [tilespmem:s5+$0xFFFFFF80]  }
0x27a: {  	v13 =	vld [tilespmem:s5+$0xFFFFFF90]  }
0x27b: {  	v14 =	vld [tilespmem:s5+$0xFFFFFFA0]  }
0x27c: {  	v15 =	vld [tilespmem:s5+$0xFFFFFFB0]  }
0x27d: {  	v9 =	vld [tilespmem:s5+$0x50]  }
0x27e: {  	p0 =	sgt.s32 s16, $0x2;
	v16 =	vld [tilespmem:s5+$0xFFFFFFC0]  }
.Ltmp35:
0x27f: {  	v8 =	vimm.f32 $0.0e+00;
	v18 =	vld [tilespmem:s5+$0xFFFFFFD0];
	(pc) =	sbr.rel @!p0 .LBB2_48-.Ltmp35, $4  }
0x280: {  	v17 =	vld [tilespmem:s5+$0xFFFFFFE0];
	v21 =	vadd.f32 v11, v8  }
0x281: {  	v20 =	vld [tilespmem:s5+$0xFFFFFFF0];
	v13 =	vadd.f32 v13, v8;
	v11 =	vadd.f32 v14, v8  }
0x282: {  	v19 =	vld [tilespmem:s5+$0x60];
	v22 =	vadd.f32 v15, v8;
	v14 =	vimm.f32 $0.0e+00;
	v15 =	vimm.f32 $0.0e+00  }
0x283: {  	s17 =	simm.s32 $0x2;
	v5 =	vadd.f32 v5, v21;
	v6 =	vadd.f32 v6, v13;
	v21 =	vld [tilespmem:s5+$0x70];
	s5 =	sadd.s32 $0x100, s5;
	v13 =	vimm.f32 $0.0e+00  }
.LBB2_47:
0x284: {  	v23 =	vld [tilespmem:s5+$0x0];
	v11 =	vadd.f32 v10, v11;
	v22 =	vadd.f32 v12, v22  }
0x285: {  	v8 =	vadd.f32 v16, v8;
	v13 =	vadd.f32 v18, v13;
	v24 =	vld [tilespmem:s5+$0x10]  }
0x286: {  	v14 =	vadd.f32 v17, v14;
	v10 =	vld [tilespmem:s5+$0x20];
	v15 =	vadd.f32 v20, v15  }
0x287: {  	v8 =	vadd.f32 v7, v8;
	v13 =	vadd.f32 v9, v13;
	v12 =	vld [tilespmem:s5+$0x30]  }
0x288: {  	v14 =	vadd.f32 v19, v14;
	v7 =	vld [tilespmem:s5+$0x40];
	v15 =	vadd.f32 v21, v15  }
0x289: {  	v9 =	vld [tilespmem:s5+$0x50]  }
0x28a: {  	v19 =	vld [tilespmem:s5+$0xFFFFFF80]  }
0x28b: {  	v20 =	vld [tilespmem:s5+$0xFFFFFF90]  }
0x28c: {  	v21 =	vld [tilespmem:s5+$0xFFFFFFA0]  }
0x28d: {  	s17 =	sadd.s32 $0x2, s17;
	v25 =	vld [tilespmem:s5+$0xFFFFFFB0]  }
0x28e: {  	p0 =	slt.s32 s17, s16;
	v16 =	vld [tilespmem:s5+$0xFFFFFFC0]  }
.Ltmp36:
0x28f: {  	v18 =	vld [tilespmem:s5+$0xFFFFFFD0];
	(pc) =	sbr.rel @p0 .LBB2_47-.Ltmp36, $4  }
0x290: {  	v17 =	vld [tilespmem:s5+$0xFFFFFFE0]  }
0x291: {  	v5 =	vadd.f32 v19, v5;
	v6 =	vadd.f32 v20, v6;
	v20 =	vld [tilespmem:s5+$0xFFFFFFF0]  }
0x292: {  	v11 =	vadd.f32 v21, v11;
	v22 =	vadd.f32 v25, v22;
	v19 =	vld [tilespmem:s5+$0x60]  }
0x293: {  	v5 =	vadd.f32 v23, v5;
	v6 =	vadd.f32 v24, v6;
	v21 =	vld [tilespmem:s5+$0x70];
	s5 =	sadd.s32 $0x100, s5  }
.LBB2_48:
.Ltmp37:
0x294: {  	v11 =	vadd.f32 v10, v11;
	v10 =	vadd.f32 v12, v22;
	(pc) =	sbr.rel .LBB2_42-.Ltmp37, $4  }
0x295: {  	v8 =	vadd.f32 v16, v8;
	v12 =	vadd.f32 v18, v13  }
0x296: {  	v13 =	vadd.f32 v17, v14;
	v14 =	vadd.f32 v20, v15  }
0x297: {  	v7 =	vadd.f32 v7, v8;
	v8 =	vadd.f32 v9, v12  }
0x298: {  	v9 =	vadd.f32 v19, v13;
	v12 =	vadd.f32 v21, v14  }
.LBB2_41:
0x299: {  	v5 =	vimm.f32 $0.0e+00;
	v6 =	vimm.f32 $0.0e+00  }
0x29a: {  	v11 =	vimm.f32 $0.0e+00;
	v10 =	vimm.f32 $0.0e+00;
	v7 =	vimm.f32 $0.0e+00  }
0x29b: {  	v8 =	vimm.f32 $0.0e+00;
	v9 =	vimm.f32 $0.0e+00;
	v12 =	vimm.f32 $0.0e+00  }
.LBB2_42:
0x29c: {  	p0 =	sge.s32 s16, s15  }
.Ltmp38:
0x29d: {  	_ = 	snop;
	(pc) =	sbr.rel @p0 .LBB2_45-.Ltmp38, $1  }
0x29e: {  	_ =	sdelay $0x3  }
0x29f: {  	p0 =	slt.s32 s2, s19;
	s5 =	smov.u32 s19  }
0x2a0: {  	s5 =	smov.u32 @p0 s2  }
0x2a1: {  	s17 =	smov.u32 s25;
	p0 =	slt.s32 s5, s25  }
0x2a2: {  	s2 =	ssub.s32 s15, s16;
	s17 =	smov.u32 @p0 s5  }
0x2a3: {  	s15 =	smov.u32 s21;
	s16 =	sadd.s32 s2, s29;
	p0 =	slt.s32 s17, s21  }
0x2a4: {  	s5 =	sshll.u32 s16, $0x9;
	s15 =	smov.u32 @p0 s17  }
0x2a5: {  	s5 =	ssub.s32 $0x0, s5;
	s15 =	sshll.u32 s15, $0x9  }
0x2a6: {  	s5 =	sshra.s32 s5, $0x2;
	s15 =	sshra.s32 s15, $0x2  }
0x2a7: {  	s5 =	sadd.s32 s15, s5  }
0x2a8: {  	s5 =	sadd.s32 $0x10140, s5  }
.LBB2_44:
0x2a9: {  	v13 =	vld [tilespmem:s5+$0xFFFFFFC0]  }
0x2aa: {  	v14 =	vld [tilespmem:s5+$0xFFFFFFD0]  }
0x2ab: {  	v15 =	vld [tilespmem:s5+$0xFFFFFFE0]  }
0x2ac: {  	v16 =	vld [tilespmem:s5+$0xFFFFFFF0]  }
0x2ad: {  	v17 =	vld [tilespmem:s5+$0x0]  }
0x2ae: {  	v18 =	vld [tilespmem:s5+$0x10]  }
0x2af: {  	v19 =	vld [tilespmem:s5+$0x20]  }
0x2b0: {  	v20 =	vld [tilespmem:s5+$0x30];
	p0 =	sne.s32 s2, $0x1  }
.Ltmp39:
0x2b1: {  	_ = 	snop;
	(pc) =	sbr.rel @p0 .LBB2_44-.Ltmp39, $4  }
0x2b2: {  	v5 =	vadd.f32 v13, v5;
	v6 =	vadd.f32 v14, v6  }
0x2b3: {  	v11 =	vadd.f32 v15, v11;
	v10 =	vadd.f32 v16, v10  }
0x2b4: {  	v7 =	vadd.f32 v17, v7;
	v8 =	vadd.f32 v18, v8  }
0x2b5: {  	s5 =	sadd.s32 $0x80, s5;
	s2 =	sadd.s32 $0xFFFFFFFF, s2;
	v9 =	vadd.f32 v19, v9;
	v12 =	vadd.f32 v20, v12  }
.Ltmp40:
0x2b6: {  	_ = 	snop;
	(pc) =	sbr.rel .LBB2_45-.Ltmp40, $1  }
0x2b7: {  	_ =	sdelay $0x3  }
.LBB2_32:
0x2b8: {  	_ =	sfence.sel $0x180000  }
0x2b9: {  	[bflag:$0x0] =	sbarrier.arrive $0xFFFF  }
0x2ba: {  	_ =	strace $0x90000047  }
0x2bb: {  	[bflag:$0x2] =	sbarrier.arrive $0xFFFF  }
0x2bc: {  	s1 =	sld [smem:$0x7FD];
	_ =	sdelay $0x2  }
0x2bd: {  	s0 =	rddreg [dreg:$0x4];
	p0 =	seq.s32 s1, $0x1  }
0x2be: {  	s0 =	sadd.s32 @!p0 $0x100000, s0  }
0x2bf: {  	[sflag:s0] =	ssyncadd.tile.s32 @!p0 $0x1;
	_ =	shalt  }
.Lfunc_end2:
_tile_overlayer_lowered:
.L_overlay_start_2:
0x2c0: {  	(tag) =	ssettag $0x2  }
0x2c1: {  	s0 =	rddreg [dreg:$0x0];
	s2 =	stileid.u32  }
0x2c2: {  	s1 =	rddreg [dreg:$0x1];
	p0 =	sne.s32 s2, $0x0  }
0x2c3: {  	s3 =	rddreg [dreg:$0x2];
	[bflag:$0x3] =	sbarrier.arrive $0xFFFF;
	s2 =	simm.s32 @!p0 $0x1C04  }
0x2c4: {  	[timem:s3], [sflag:s2] =	dma.local @!p0 [hbm:s0], s1  }
0x2c5: {  	s0 =	simm.s32 @!p0 $0x4  }
0x2c6: {  	_ =	swait.ge @!p0 [sflag:s0], s1  }
0x2c7: {  	s1 =	ssub.s32 @!p0 $0x0, s1;
	[sflag:s0] =	ssyncset.done @!p0 $0x0  }
0x2c8: {  	[sflag:s0] =	ssyncadd.s32 @!p0 s1  }
0x2c9: {  	[bflag:$0x3] =	sbarrier.arrive $0xFFFF  }
0x2ca: {  	_ =	shalt  }

</sc_bundles>
